<compile_context>
chip_gen: v7x
topology: tpu7x:2x2x1
jax: 0.10.2.dev20260603
libtpu: 0.0.44.dev20260713+nightly
codegen_flags: <defaults>
</compile_context>

<pallas_src>
import functools

import jax
import jax.numpy as jnp
from jax import lax
from jax.experimental import pallas as pl
from jax.experimental.pallas import tpu as pltpu
from jax.experimental.pallas import tpu_sc as plsc

N = 10000
NP = 10240
NT = 512
NBLK = NP // NT
D = 128
E = 320000
NC, NS = 2, 16
NW = NC * NS
ECH = 80
EPAD = NW * ECH * 128
G = 512
GP = 528
NCHUNK = NP // 128
RPT = NP // NS

_MESH = dict(core_axis_name="c", subcore_axis_name="s",
             num_cores=NC, num_subcores=NS)


def _sc_agg(h, src_r, dst_r):

    @functools.partial(
        pl.kernel,
        out_type=jax.ShapeDtypeStruct((NC, NP, D), jnp.float32),
        mesh=plsc.VectorSubcoreMesh(**_MESH),
        scratch_types=[
            pltpu.VMEM((ECH, 128), jnp.int32),
            pltpu.VMEM((ECH, 128), jnp.int32),
            pltpu.VMEM((128, D), jnp.float32),
            pltpu.VMEM((64, D), jnp.float32),
            pltpu.VMEM_SHARED((NP, D), jnp.float32),
            pltpu.SemaphoreType.DMA,
        ],
    )
    def k(h_hbm, src_hbm, dst_hbm, out, src_v, dst_v, rows_v, zbuf,
          agg_sp, sem):
        cid = lax.axis_index("c")
        sid = lax.axis_index("s")
        wid = cid * NS + sid

        def zb(i, c):
            for kk in range(D // 16):
                zbuf[i, pl.ds(kk * 16, 16)] = jnp.zeros((16,), jnp.float32)
            return c
        lax.fori_loop(0, 64, zb, 0)

        def zc(i, c):
            pltpu.sync_copy(zbuf, agg_sp.at[pl.ds(sid * RPT + i * 64, 64)])
            return c
        lax.fori_loop(0, RPT // 64, zc, 0)
        plsc.subcore_barrier()

        pltpu.sync_copy(src_hbm.at[wid], src_v)
        pltpu.sync_copy(dst_hbm.at[wid], dst_v)

        def body(j, c):
            pltpu.async_copy(h_hbm.at[src_v.at[j]], rows_v, sem).wait()
            pltpu.sync_copy(rows_v, agg_sp.at[dst_v.at[j]], add=True)
            return c
        lax.fori_loop(0, ECH, body, 0)
        plsc.subcore_barrier()

        sl = pl.ds(sid * RPT, RPT)
        pltpu.sync_copy(agg_sp.at[sl], out.at[cid, sl])

    return k(h, src_r, dst_r)


def _sc_readout(h, batch2):

    @functools.partial(
        pl.kernel,
        out_type=(
            jax.ShapeDtypeStruct((NC, G, D), jnp.float32),
            jax.ShapeDtypeStruct((NC, G, D), jnp.float32),
        ),
        mesh=plsc.VectorSubcoreMesh(**_MESH),
        scratch_types=[
            pltpu.VMEM((128, D), jnp.float32),
            pltpu.VMEM((1, 128), jnp.int32),
            pltpu.VMEM((128, D), jnp.float32),
            pltpu.VMEM((33, D), jnp.float32),
            pltpu.VMEM_SHARED((GP, D), jnp.float32),
            pltpu.VMEM_SHARED((GP, D), jnp.float32),
        ],
    )
    def k(h_hbm, b_hbm, sums_out, cnt_out, hbuf, bidx, obuf, zb,
          sums_sp, cnt_sp):
        cid = lax.axis_index("c")
        sid = lax.axis_index("s")
        wid = cid * NS + sid

        def ib(i, c):
            for kk in range(D // 16):
                obuf[i, pl.ds(kk * 16, 16)] = jnp.ones((16,), jnp.float32)
            return c
        lax.fori_loop(0, 128, ib, 0)

        def zbb(i, c):
            for kk in range(D // 16):
                zb[i, pl.ds(kk * 16, 16)] = jnp.zeros((16,), jnp.float32)
            return c
        lax.fori_loop(0, 33, zbb, 0)

        pltpu.sync_copy(zb, sums_sp.at[pl.ds(sid * 33, 33)])
        pltpu.sync_copy(zb, cnt_sp.at[pl.ds(sid * 33, 33)])
        plsc.subcore_barrier()

        for j in range(3):
            c = wid + NW * j

            @pl.when(c < NCHUNK)
            def _():
                pltpu.sync_copy(h_hbm.at[pl.ds(c * 128, 128)], hbuf)
                pltpu.sync_copy(b_hbm.at[c], bidx.at[0])
                pltpu.sync_copy(hbuf, sums_sp.at[bidx.at[0]], add=True)
                pltpu.sync_copy(obuf, cnt_sp.at[bidx.at[0]], add=True)

        plsc.subcore_barrier()
        rows = pl.ds(sid * 32, 32)
        pltpu.sync_copy(sums_sp.at[rows], sums_out.at[cid, rows])
        pltpu.sync_copy(cnt_sp.at[rows], cnt_out.at[cid, rows])

    return k(h, batch2)


def _tc_enc(x2, counts_p, ucf, table_pad):

    def body(x_ref, c_ref, uc_ref, tb_ref, o_ref):
        xv = x_ref[...]
        oh = (xv == lax.broadcasted_iota(jnp.int32, (NT, 128), 1))
        h0 = jnp.dot(oh.astype(jnp.float32), tb_ref[...],
                     preferred_element_type=jnp.float32,
                     precision=lax.Precision.HIGHEST)
        o_ref[...] = h0 + uc_ref[0, 0] * c_ref[...]

    return pl.pallas_call(
        body,
        grid=(NBLK,),
        in_specs=[
            pl.BlockSpec((NT, 1), lambda i: (i, 0)),
            pl.BlockSpec((NT, 1), lambda i: (i, 0)),
            pl.BlockSpec(memory_space=pltpu.SMEM),
            pl.BlockSpec((128, D), lambda i: (0, 0)),
        ],
        out_specs=pl.BlockSpec((NT, D), lambda i: (i, 0)),
        out_shape=jax.ShapeDtypeStruct((NP, D), jnp.float32),
    )(x2, counts_p, ucf, table_pad)


def _tc_mlp(h, aggs, eps_i, w1, b1_i, w2, b2_i):

    def body(h_ref, a0_ref, a1_ref, eps_ref, w1_ref, b1_ref, w2_ref, b2_ref,
             t2_ref, sums_ref):
        i = pl.program_id(0)
        hh = (1.0 + eps_ref[0, 0]) * h_ref[...] + (a0_ref[0] + a1_ref[0])
        t = jnp.dot(hh, w1_ref[...], preferred_element_type=jnp.float32,
                    precision=lax.Precision.HIGHEST) + b1_ref[...]
        t = jnp.maximum(t, 0.0)
        t2 = jnp.dot(t, w2_ref[...], preferred_element_type=jnp.float32,
                     precision=lax.Precision.HIGHEST) + b2_ref[...]
        rows = i * NT + lax.broadcasted_iota(jnp.int32, (NT, 1), 0)
        t2 = jnp.where(rows < N, t2, 0.0)
        t2_ref[...] = t2

        @pl.when(i == 0)
        def _():
            sums_ref[...] = jnp.zeros_like(sums_ref)

        sums_ref[0:1, :] += jnp.sum(t2, axis=0, keepdims=True)
        sums_ref[1:2, :] += jnp.sum(t2 * t2, axis=0, keepdims=True)

    return pl.pallas_call(
        body,
        grid=(NBLK,),
        in_specs=[
            pl.BlockSpec((NT, D), lambda i: (i, 0)),
            pl.BlockSpec((1, NT, D), lambda i: (0, i, 0)),
            pl.BlockSpec((1, NT, D), lambda i: (1, i, 0)),
            pl.BlockSpec(memory_space=pltpu.SMEM),
            pl.BlockSpec((D, D), lambda i: (0, 0)),
            pl.BlockSpec((1, D), lambda i: (0, 0)),
            pl.BlockSpec((D, D), lambda i: (0, 0)),
            pl.BlockSpec((1, D), lambda i: (0, 0)),
        ],
        out_specs=[
            pl.BlockSpec((NT, D), lambda i: (i, 0)),
            pl.BlockSpec((2, D), lambda i: (0, 0)),
        ],
        out_shape=[
            jax.ShapeDtypeStruct((NP, D), jnp.float32),
            jax.ShapeDtypeStruct((2, D), jnp.float32),
        ],
    )(h, aggs, aggs, eps_i, w1, b1_i, w2, b2_i)


def _tc_bn(t2, h, sums, g_i, be_i):

    def body(t2_ref, h_ref, s_ref, g_ref, b_ref, o_ref):
        i = pl.program_id(0)
        s = s_ref[...]
        mu = s[0:1, :] * (1.0 / N)
        var = s[1:2, :] * (1.0 / N) - mu * mu
        inv = lax.rsqrt(var + 1e-5)
        y = (t2_ref[...] - mu) * (inv * g_ref[...]) + b_ref[...]
        hn = h_ref[...] + jnp.maximum(y, 0.0)
        rows = i * NT + lax.broadcasted_iota(jnp.int32, (NT, 1), 0)
        o_ref[...] = jnp.where(rows < N, hn, 0.0)

    return pl.pallas_call(
        body,
        grid=(NBLK,),
        in_specs=[
            pl.BlockSpec((NT, D), lambda i: (i, 0)),
            pl.BlockSpec((NT, D), lambda i: (i, 0)),
            pl.BlockSpec((2, D), lambda i: (0, 0)),
            pl.BlockSpec((1, D), lambda i: (0, 0)),
            pl.BlockSpec((1, D), lambda i: (0, 0)),
        ],
        out_specs=pl.BlockSpec((NT, D), lambda i: (i, 0)),
        out_shape=jax.ShapeDtypeStruct((NP, D), jnp.float32),
    )(t2, h, sums, g_i, be_i)


def _tc_final(s0, s1, c0, c1, w0, b0, w1, b1, w2, b2):

    def body(s0r, s1r, c0r, c1r, w0r, b0r, w1r, b1r, w2r, b2r, o_ref):
        s = s0r[...] + s1r[...]
        cnt = c0r[...] + c1r[...]
        g = s / jnp.maximum(cnt[:, 0:1], 1.0)
        g = jnp.maximum(jnp.dot(g, w0r[...], preferred_element_type=jnp.float32,
                                precision=lax.Precision.HIGHEST) + b0r[...], 0.0)
        g = jnp.maximum(jnp.dot(g, w1r[...], preferred_element_type=jnp.float32,
                                precision=lax.Precision.HIGHEST) + b1r[...], 0.0)
        o_ref[...] = jnp.dot(g, w2r[...], preferred_element_type=jnp.float32,
                             precision=lax.Precision.HIGHEST) + b2r[...]

    return pl.pallas_call(
        body,
        out_shape=jax.ShapeDtypeStruct((G, 128), jnp.float32),
    )(s0, s1, c0, c1, w0, b0, w1, b1, w2, b2)


def kernel(x, edge_index, counts, use_counts, batch, atom_table, eps, W1, b1,
           W2, b2, gamma, beta, Wd0, bd0, Wd1, bd1, Wd2, bd2):
    A = atom_table.shape[0]
    L = W1.shape[0]

    x2 = jnp.pad(x, (0, NP - N), constant_values=A).reshape(NP, 1)
    counts_p = jnp.pad(counts.astype(jnp.float32), ((0, NP - N), (0, 0)))
    ucf = jnp.asarray(use_counts, jnp.float32).reshape(1, 1)
    table_pad = jnp.pad(atom_table, ((0, 128 - A), (0, 0)))

    src_p = jnp.concatenate(
        [edge_index[0], jnp.full((EPAD - E,), N, jnp.int32)]).reshape(
            NW, ECH, 128)
    dst_p = jnp.concatenate(
        [edge_index[1], jnp.zeros((EPAD - E,), jnp.int32)]).reshape(
            NW, ECH, 128)
    batch2 = jnp.pad(batch, (0, NP - N), constant_values=G).reshape(
        NCHUNK, 128)

    h = _tc_enc(x2, counts_p, ucf, table_pad)
    for i in range(L):
        aggs = _sc_agg(h, src_p, dst_p)
        t2, sums = _tc_mlp(h, aggs, eps[i].reshape(1, 1), W1[i],
                           b1[i].reshape(1, D), W2[i], b2[i].reshape(1, D))
        h = _tc_bn(t2, h, sums, gamma[i].reshape(1, D),
                   beta[i].reshape(1, D))

    sums_ro, cnt_ro = _sc_readout(h, batch2)

    w0p = jnp.pad(Wd0, ((0, 0), (0, 128 - Wd0.shape[1])))
    b0p = jnp.pad(bd0, (0, 128 - bd0.shape[0])).reshape(1, 128)
    w1p = jnp.pad(Wd1, ((0, 128 - Wd1.shape[0]), (0, 128 - Wd1.shape[1])))
    b1p = jnp.pad(bd1, (0, 128 - bd1.shape[0])).reshape(1, 128)
    w2p = jnp.pad(Wd2, ((0, 128 - Wd2.shape[0]), (0, 128 - Wd2.shape[1])))
    b2p = jnp.pad(bd2, (0, 128 - bd2.shape[0])).reshape(1, 128)

    out = _tc_final(sums_ro[0], sums_ro[1], cnt_ro[0], cnt_ro[1],
                    w0p, b0p, w1p, b1p, w2p, b2p)
    return out[:, :1]

# --- scband reference (transcript-rebuilt; emitter-appended) ---
"""Pipeline reference for scband-gingraph-reg-51788715655653 (READ-ONLY COPY).

The authoritative reference and input builder live on the scoring server;
editing this copy changes nothing except your own understanding.
"""

import jax, jax.numpy as jnp
import numpy as np

N = 10000
E = 320000
D = 128
L = 4
G = 512

def setup_inputs(seed: int = 0) -> dict:
    key = jax.random.key(seed)
    ks = jax.random.split(key, 12)
    inp = {}
    inp["x"] = jax.random.randint(ks[0], (N,), 0, 28)
    inp["edge_index"] = jax.random.randint(ks[1], (2, E), 0, N)
    inp["counts"] = jnp.zeros((N, 1), dtype=jnp.float32)
    inp["use_counts"] = 0
    inp["batch"] = jnp.sort(jax.random.randint(ks[2], (N,), 0, G))
    inp["atom_table"] = jax.random.normal(ks[3], (28, D), dtype=jnp.float32) * 0.1
    inp["eps"] = jnp.zeros((L,), dtype=jnp.float32)
    inp["W1"] = jax.random.normal(ks[4], (L, D, D), dtype=jnp.float32) * (1.0 / np.sqrt(D))
    inp["b1"] = jnp.zeros((L, D), dtype=jnp.float32)
    inp["W2"] = jax.random.normal(ks[5], (L, D, D), dtype=jnp.float32) * (1.0 / np.sqrt(D))
    inp["b2"] = jnp.zeros((L, D), dtype=jnp.float32)
    inp["gamma"] = jnp.ones((L, D), dtype=jnp.float32)
    inp["beta"] = jnp.zeros((L, D), dtype=jnp.float32)
    inp["Wd0"] = jax.random.normal(ks[6], (D, D // 2), dtype=jnp.float32) * (1.0 / np.sqrt(D))
    inp["bd0"] = jnp.zeros((D // 2,), dtype=jnp.float32)
    inp["Wd1"] = jax.random.normal(ks[7], (D // 2, D // 4), dtype=jnp.float32) * (1.0 / np.sqrt(D // 2))
    inp["bd1"] = jnp.zeros((D // 4,), dtype=jnp.float32)
    inp["Wd2"] = jax.random.normal(ks[8], (D // 4, 1), dtype=jnp.float32) * (1.0 / np.sqrt(D // 4))
    inp["bd2"] = jnp.zeros((1,), dtype=jnp.float32)
    return inp

def _forward(x, edge_index, counts, use_counts, batch, atom_table, eps, W1, b1, W2, b2, gamma, beta, Wd0, bd0, Wd1, bd1, Wd2, bd2):
    # atom encoder: embedding lookup (count_dim == 0 so counts branch is skipped)
    h = jnp.take(atom_table, x, axis=0) + use_counts * counts
    src = edge_index[0]
    dst = edge_index[1]
    for i in range(L):
        h_in = h
        # GIN aggregation: sum of neighbor features (gather + scatter-add)
        agg = jax.ops.segment_sum(jnp.take(h, src, axis=0), dst, num_segments=N)
        hh = (1.0 + eps[i]) * h + agg
        # 2-layer MLP apply function
        hh = jnp.maximum(hh @ W1[i] + b1[i], 0.0)
        hh = hh @ W2[i] + b2[i]
        # batch norm (training-style batch statistics over nodes)
        mu = jnp.mean(hh, axis=0)
        var = jnp.var(hh, axis=0)
        hh = (hh - mu) / jnp.sqrt(var + 1e-5) * gamma[i] + beta[i]
        hh = jnp.maximum(hh, 0.0)
        # residual
        h = h_in + hh
    # mean readout per graph: scatter(h, batch, reduce='mean')
    sums = jax.ops.segment_sum(h, batch, num_segments=G)
    cnt = jax.ops.segment_sum(jnp.ones((N, 1), dtype=jnp.float32), batch, num_segments=G)
    g = sums / jnp.maximum(cnt, 1.0)
    # MLPReadout decoder: 128 -> 64 -> 32 -> 1
    g = jnp.maximum(g @ Wd0 + bd0, 0.0)
    g = jnp.maximum(g @ Wd1 + bd1, 0.0)
    return g @ Wd2 + bd2

def reference(x, edge_index, counts, use_counts, batch, atom_table, eps, W1, b1, W2, b2, gamma, beta, Wd0, bd0, Wd1, bd1, Wd2, bd2):
    return _forward(x, edge_index, counts, use_counts, batch, atom_table, eps, W1, b1, W2, b2, gamma, beta, Wd0, bd0, Wd1, bd1, Wd2, bd2)

if __name__ == "__main__":
    import jax
    _d = setup_inputs()
    print(jax.jit(kernel)(*tuple(_d.values())))

</pallas_src>

<mosaic_0001>
#map = affine_map<(d0, d1) -> (0, 0)>
#map1 = affine_map<(d0, d1) -> (0, 0, 0)>
module attributes {stable_mosaic.version = 14 : i64} {
  func.func @k(%arg0: i32, %arg1: i32, %arg2: memref<10240x128xf32, #tpu.memory_space<hbm>>, %arg3: memref<32x80x128xi32, #tpu.memory_space<hbm>>, %arg4: memref<32x80x128xi32, #tpu.memory_space<hbm>>, %arg5: memref<2x10240x128xf32, #tpu.memory_space<hbm>>, %arg6: memref<80x128xi32, #tpu.memory_space<vmem>>, %arg7: memref<80x128xi32, #tpu.memory_space<vmem>>, %arg8: memref<128x128xf32, #tpu.memory_space<vmem>>, %arg9: memref<64x128xf32, #tpu.memory_space<vmem>>, %arg10: memref<10240x128xf32, #tpu.memory_space<vmem_shared>>, %arg11: memref<!tpu.dma_semaphore, #tpu.memory_space<semaphore_mem>>) attributes {dimension_semantics = [#tpu.dimension_semantics<core_parallel>, #tpu.dimension_semantics<subcore_parallel>], iteration_bounds = array<i64: 2, 16>, scalar_prefetch = 0 : i64, scratch_operands = 6 : i64, tpu.core_type = #tpu.core_type<sc_vector_subcore>, window_params = [{transform_indices = #map}, {transform_indices = #map1}, {transform_indices = #map1}, {transform_indices = #map1}]} {
    %mul3A = arith.constant 16 : i32
    %mul3A_0 = arith.muli %arg0, %mul3A : i32
    %add3A = arith.addi %mul3A_0, %arg1 : i32
    %scan3A = arith.constant 0 : i32
    %scan3A_1 = arith.constant 0 : i32
    %scan3A_2 = arith.constant 64 : i32
    %scan3A_3 = arith.addi %scan3A_1, %scan3A_2 : i32
    %scan3A_4 = arith.constant 1 : i32
    scf.for %scan3A_21 = %scan3A_1 to %scan3A_3 step %scan3A_4  : i32 {
      %broadcast_in_dim3A = arith.constant 0.000000e+00 : f32
      %broadcast_in_dim3A_22 = vector.broadcast %broadcast_in_dim3A : f32 to vector<16xf32>
      %swap3A = arith.index_cast %scan3A_21 : i32 to index
      %swap3A_23 = arith.constant 0 : index
      %swap3A_24 = tpu.vector_load %arg9[%swap3A, %swap3A_23] {strides = array<i32>} : memref<64x128xf32, #tpu.memory_space<vmem>>, vector<1x16xf32>,
      %swap3A_25 = vector.shape_cast %swap3A_24 : vector<1x16xf32> to vector<16xf32>
      %swap3A_26 = vector.shape_cast %broadcast_in_dim3A_22 : vector<16xf32> to vector<1x16xf32>
      tpu.vector_store %arg9[%swap3A, %swap3A_23], %swap3A_26 {strides = array<i32>} : memref<64x128xf32, #tpu.memory_space<vmem>>, vector<1x16xf32>,
      %broadcast_in_dim3A_27 = arith.constant 0.000000e+00 : f32
      %broadcast_in_dim3A_28 = vector.broadcast %broadcast_in_dim3A_27 : f32 to vector<16xf32>
      %swap3A_29 = arith.index_cast %scan3A_21 : i32 to index
      %swap3A_30 = arith.constant 16 : index
      %swap3A_31 = tpu.vector_load %arg9[%swap3A_29, %swap3A_30] {strides = array<i32>} : memref<64x128xf32, #tpu.memory_space<vmem>>, vector<1x16xf32>,
      %swap3A_32 = vector.shape_cast %swap3A_31 : vector<1x16xf32> to vector<16xf32>
      %swap3A_33 = vector.shape_cast %broadcast_in_dim3A_28 : vector<16xf32> to vector<1x16xf32>
      tpu.vector_store %arg9[%swap3A_29, %swap3A_30], %swap3A_33 {strides = array<i32>} : memref<64x128xf32, #tpu.memory_space<vmem>>, vector<1x16xf32>,
      %broadcast_in_dim3A_34 = arith.constant 0.000000e+00 : f32
      %broadcast_in_dim3A_35 = vector.broadcast %broadcast_in_dim3A_34 : f32 to vector<16xf32>
      %swap3A_36 = arith.index_cast %scan3A_21 : i32 to index
      %swap3A_37 = arith.constant 32 : index
      %swap3A_38 = tpu.vector_load %arg9[%swap3A_36, %swap3A_37] {strides = array<i32>} : memref<64x128xf32, #tpu.memory_space<vmem>>, vector<1x16xf32>,
      %swap3A_39 = vector.shape_cast %swap3A_38 : vector<1x16xf32> to vector<16xf32>
      %swap3A_40 = vector.shape_cast %broadcast_in_dim3A_35 : vector<16xf32> to vector<1x16xf32>
      tpu.vector_store %arg9[%swap3A_36, %swap3A_37], %swap3A_40 {strides = array<i32>} : memref<64x128xf32, #tpu.memory_space<vmem>>, vector<1x16xf32>,
      %broadcast_in_dim3A_41 = arith.constant 0.000000e+00 : f32
      %broadcast_in_dim3A_42 = vector.broadcast %broadcast_in_dim3A_41 : f32 to vector<16xf32>
      %swap3A_43 = arith.index_cast %scan3A_21 : i32 to index
      %swap3A_44 = arith.constant 48 : index
      %swap3A_45 = tpu.vector_load %arg9[%swap3A_43, %swap3A_44] {strides = array<i32>} : memref<64x128xf32, #tpu.memory_space<vmem>>, vector<1x16xf32>,
      %swap3A_46 = vector.shape_cast %swap3A_45 : vector<1x16xf32> to vector<16xf32>
      %swap3A_47 = vector.shape_cast %broadcast_in_dim3A_42 : vector<16xf32> to vector<1x16xf32>
      tpu.vector_store %arg9[%swap3A_43, %swap3A_44], %swap3A_47 {strides = array<i32>} : memref<64x128xf32, #tpu.memory_space<vmem>>, vector<1x16xf32>,
      %broadcast_in_dim3A_48 = arith.constant 0.000000e+00 : f32
      %broadcast_in_dim3A_49 = vector.broadcast %broadcast_in_dim3A_48 : f32 to vector<16xf32>
      %swap3A_50 = arith.index_cast %scan3A_21 : i32 to index
      %swap3A_51 = arith.constant 64 : index
      %swap3A_52 = tpu.vector_load %arg9[%swap3A_50, %swap3A_51] {strides = array<i32>} : memref<64x128xf32, #tpu.memory_space<vmem>>, vector<1x16xf32>,
      %swap3A_53 = vector.shape_cast %swap3A_52 : vector<1x16xf32> to vector<16xf32>
      %swap3A_54 = vector.shape_cast %broadcast_in_dim3A_49 : vector<16xf32> to vector<1x16xf32>
      tpu.vector_store %arg9[%swap3A_50, %swap3A_51], %swap3A_54 {strides = array<i32>} : memref<64x128xf32, #tpu.memory_space<vmem>>, vector<1x16xf32>,
      %broadcast_in_dim3A_55 = arith.constant 0.000000e+00 : f32
      %broadcast_in_dim3A_56 = vector.broadcast %broadcast_in_dim3A_55 : f32 to vector<16xf32>
      %swap3A_57 = arith.index_cast %scan3A_21 : i32 to index
      %swap3A_58 = arith.constant 80 : index
      %swap3A_59 = tpu.vector_load %arg9[%swap3A_57, %swap3A_58] {strides = array<i32>} : memref<64x128xf32, #tpu.memory_space<vmem>>, vector<1x16xf32>,
      %swap3A_60 = vector.shape_cast %swap3A_59 : vector<1x16xf32> to vector<16xf32>
      %swap3A_61 = vector.shape_cast %broadcast_in_dim3A_56 : vector<16xf32> to vector<1x16xf32>
      tpu.vector_store %arg9[%swap3A_57, %swap3A_58], %swap3A_61 {strides = array<i32>} : memref<64x128xf32, #tpu.memory_space<vmem>>, vector<1x16xf32>,
      %broadcast_in_dim3A_62 = arith.constant 0.000000e+00 : f32
      %broadcast_in_dim3A_63 = vector.broadcast %broadcast_in_dim3A_62 : f32 to vector<16xf32>
      %swap3A_64 = arith.index_cast %scan3A_21 : i32 to index
      %swap3A_65 = arith.constant 96 : index
      %swap3A_66 = tpu.vector_load %arg9[%swap3A_64, %swap3A_65] {strides = array<i32>} : memref<64x128xf32, #tpu.memory_space<vmem>>, vector<1x16xf32>,
      %swap3A_67 = vector.shape_cast %swap3A_66 : vector<1x16xf32> to vector<16xf32>
      %swap3A_68 = vector.shape_cast %broadcast_in_dim3A_63 : vector<16xf32> to vector<1x16xf32>
      tpu.vector_store %arg9[%swap3A_64, %swap3A_65], %swap3A_68 {strides = array<i32>} : memref<64x128xf32, #tpu.memory_space<vmem>>, vector<1x16xf32>,
      %broadcast_in_dim3A_69 = arith.constant 0.000000e+00 : f32
      %broadcast_in_dim3A_70 = vector.broadcast %broadcast_in_dim3A_69 : f32 to vector<16xf32>
      %swap3A_71 = arith.index_cast %scan3A_21 : i32 to index
      %swap3A_72 = arith.constant 112 : index
      %swap3A_73 = tpu.vector_load %arg9[%swap3A_71, %swap3A_72] {strides = array<i32>} : memref<64x128xf32, #tpu.memory_space<vmem>>, vector<1x16xf32>,
      %swap3A_74 = vector.shape_cast %swap3A_73 : vector<1x16xf32> to vector<16xf32>
      %swap3A_75 = vector.shape_cast %broadcast_in_dim3A_70 : vector<16xf32> to vector<1x16xf32>
      tpu.vector_store %arg9[%swap3A_71, %swap3A_72], %swap3A_75 {strides = array<i32>} : memref<64x128xf32, #tpu.memory_space<vmem>>, vector<1x16xf32>,
    }
    %scan3A_5 = arith.constant 64 : i32
    %scan3A_6 = arith.constant 0 : i32
    %scan3A_7 = arith.constant 0 : i32
    %scan3A_8 = arith.constant 10 : i32
    %scan3A_9 = arith.addi %scan3A_7, %scan3A_8 : i32
    %scan3A_10 = arith.constant 1 : i32
    scf.for %scan3A_21 = %scan3A_7 to %scan3A_9 step %scan3A_10  : i32 {
      %mul3A_22 = arith.constant 640 : i32
      %mul3A_23 = arith.muli %arg1, %mul3A_22 : i32
      %mul3A_24 = arith.constant 64 : i32
      %mul3A_25 = arith.muli %scan3A_21, %mul3A_24 : i32
      %add3A_26 = arith.addi %mul3A_23, %mul3A_25 : i32
      "tpu.region"() ({
        %run_scoped3A = tpu.sem_alloc : memref<!tpu.dma_semaphore, #tpu.memory_space<semaphore_mem>>
        %dma_start3A = arith.constant 0 : i32
        %dma_start3A_27 = tpu.memref_slice %arg10[%add3A_26, %dma_start3A] : memref<10240x128xf32, #tpu.memory_space<vmem_shared>> -> memref<64x128xf32, #tpu.memory_space<vmem_shared>>
        %dma_start3A_28 = arith.constant 0 : i32
        %dma_start3A_29 = tpu.memref_slice %arg10[%add3A_26, %dma_start3A_28] : memref<10240x128xf32, #tpu.memory_space<vmem_shared>> -> memref<64x128xf32, #tpu.memory_space<vmem_shared>>
        tpu.enqueue_dma source(%arg9 : memref<64x128xf32, #tpu.memory_space<vmem>>) target(%dma_start3A_29 : memref<64x128xf32, #tpu.memory_space<vmem_shared>>) target_semaphore(%run_scoped3A : memref<!tpu.dma_semaphore, #tpu.memory_space<semaphore_mem>>)
        %dma_wait3A = arith.constant 0 : i32
        %dma_wait3A_30 = tpu.memref_slice %arg10[%add3A_26, %dma_wait3A] : memref<10240x128xf32, #tpu.memory_space<vmem_shared>> -> memref<64x128xf32, #tpu.memory_space<vmem_shared>>
        %dma_wait3A_31 = arith.constant 0 : i32
        %dma_wait3A_32 = tpu.memref_slice %arg10[%add3A_26, %dma_wait3A_31] : memref<10240x128xf32, #tpu.memory_space<vmem_shared>> -> memref<64x128xf32, #tpu.memory_space<vmem_shared>>
        tpu.wait_dma2 semaphore(%run_scoped3A : memref<!tpu.dma_semaphore, #tpu.memory_space<semaphore_mem>>) src(%arg9 : memref<64x128xf32, #tpu.memory_space<vmem>>) dst(%dma_wait3A_32 : memref<64x128xf32, #tpu.memory_space<vmem_shared>>)
        tpu.yield
      }) : () -> ()
    }
    %scan3A_11 = arith.constant 10 : i32
    %barrier3A = arith.constant 0 : index
    tpu.barrier barrier_id(%barrier3A)
    "tpu.region"() ({
      %run_scoped3A = tpu.sem_alloc : memref<!tpu.dma_semaphore, #tpu.memory_space<semaphore_mem>>
      %dma_start3A = arith.constant 0 : i32
      %dma_start3A_21 = arith.constant 0 : i32
      %dma_start3A_22 = tpu.memref_slice %arg3[%add3A, %dma_start3A, %dma_start3A_21] : memref<32x80x128xi32, #tpu.memory_space<hbm>> -> memref<1x80x128xi32, #tpu.memory_space<hbm>>
      %dma_start3A_23 = tpu.memref_squeeze %dma_start3A_22 : memref<1x80x128xi32, #tpu.memory_space<hbm>> -> memref<80x128xi32, #tpu.memory_space<hbm>>
      %dma_start3A_24 = arith.constant 0 : i32
      %dma_start3A_25 = arith.constant 0 : i32
      %dma_start3A_26 = tpu.memref_slice %arg3[%add3A, %dma_start3A_24, %dma_start3A_25] : memref<32x80x128xi32, #tpu.memory_space<hbm>> -> memref<1x80x128xi32, #tpu.memory_space<hbm>>
      %dma_start3A_27 = tpu.memref_squeeze %dma_start3A_26 : memref<1x80x128xi32, #tpu.memory_space<hbm>> -> memref<80x128xi32, #tpu.memory_space<hbm>>
      tpu.enqueue_dma source(%dma_start3A_27 : memref<80x128xi32, #tpu.memory_space<hbm>>) target(%arg6 : memref<80x128xi32, #tpu.memory_space<vmem>>) target_semaphore(%run_scoped3A : memref<!tpu.dma_semaphore, #tpu.memory_space<semaphore_mem>>)
      %dma_wait3A = arith.constant 0 : i32
      %dma_wait3A_28 = arith.constant 0 : i32
      %dma_wait3A_29 = tpu.memref_slice %arg3[%add3A, %dma_wait3A, %dma_wait3A_28] : memref<32x80x128xi32, #tpu.memory_space<hbm>> -> memref<1x80x128xi32, #tpu.memory_space<hbm>>
      %dma_wait3A_30 = tpu.memref_squeeze %dma_wait3A_29 : memref<1x80x128xi32, #tpu.memory_space<hbm>> -> memref<80x128xi32, #tpu.memory_space<hbm>>
      %dma_wait3A_31 = arith.constant 0 : i32
      %dma_wait3A_32 = arith.constant 0 : i32
      %dma_wait3A_33 = tpu.memref_slice %arg3[%add3A, %dma_wait3A_31, %dma_wait3A_32] : memref<32x80x128xi32, #tpu.memory_space<hbm>> -> memref<1x80x128xi32, #tpu.memory_space<hbm>>
      %dma_wait3A_34 = tpu.memref_squeeze %dma_wait3A_33 : memref<1x80x128xi32, #tpu.memory_space<hbm>> -> memref<80x128xi32, #tpu.memory_space<hbm>>
      tpu.wait_dma2 semaphore(%run_scoped3A : memref<!tpu.dma_semaphore, #tpu.memory_space<semaphore_mem>>) src(%dma_wait3A_34 : memref<80x128xi32, #tpu.memory_space<hbm>>) dst(%arg6 : memref<80x128xi32, #tpu.memory_space<vmem>>)
      tpu.yield
    }) : () -> ()
    "tpu.region"() ({
      %run_scoped3A = tpu.sem_alloc : memref<!tpu.dma_semaphore, #tpu.memory_space<semaphore_mem>>
      %dma_start3A = arith.constant 0 : i32
      %dma_start3A_21 = arith.constant 0 : i32
      %dma_start3A_22 = tpu.memref_slice %arg4[%add3A, %dma_start3A, %dma_start3A_21] : memref<32x80x128xi32, #tpu.memory_space<hbm>> -> memref<1x80x128xi32, #tpu.memory_space<hbm>>
      %dma_start3A_23 = tpu.memref_squeeze %dma_start3A_22 : memref<1x80x128xi32, #tpu.memory_space<hbm>> -> memref<80x128xi32, #tpu.memory_space<hbm>>
      %dma_start3A_24 = arith.constant 0 : i32
      %dma_start3A_25 = arith.constant 0 : i32
      %dma_start3A_26 = tpu.memref_slice %arg4[%add3A, %dma_start3A_24, %dma_start3A_25] : memref<32x80x128xi32, #tpu.memory_space<hbm>> -> memref<1x80x128xi32, #tpu.memory_space<hbm>>
      %dma_start3A_27 = tpu.memref_squeeze %dma_start3A_26 : memref<1x80x128xi32, #tpu.memory_space<hbm>> -> memref<80x128xi32, #tpu.memory_space<hbm>>
      tpu.enqueue_dma source(%dma_start3A_27 : memref<80x128xi32, #tpu.memory_space<hbm>>) target(%arg7 : memref<80x128xi32, #tpu.memory_space<vmem>>) target_semaphore(%run_scoped3A : memref<!tpu.dma_semaphore, #tpu.memory_space<semaphore_mem>>)
      %dma_wait3A = arith.constant 0 : i32
      %dma_wait3A_28 = arith.constant 0 : i32
      %dma_wait3A_29 = tpu.memref_slice %arg4[%add3A, %dma_wait3A, %dma_wait3A_28] : memref<32x80x128xi32, #tpu.memory_space<hbm>> -> memref<1x80x128xi32, #tpu.memory_space<hbm>>
      %dma_wait3A_30 = tpu.memref_squeeze %dma_wait3A_29 : memref<1x80x128xi32, #tpu.memory_space<hbm>> -> memref<80x128xi32, #tpu.memory_space<hbm>>
      %dma_wait3A_31 = arith.constant 0 : i32
      %dma_wait3A_32 = arith.constant 0 : i32
      %dma_wait3A_33 = tpu.memref_slice %arg4[%add3A, %dma_wait3A_31, %dma_wait3A_32] : memref<32x80x128xi32, #tpu.memory_space<hbm>> -> memref<1x80x128xi32, #tpu.memory_space<hbm>>
      %dma_wait3A_34 = tpu.memref_squeeze %dma_wait3A_33 : memref<1x80x128xi32, #tpu.memory_space<hbm>> -> memref<80x128xi32, #tpu.memory_space<hbm>>
      tpu.wait_dma2 semaphore(%run_scoped3A : memref<!tpu.dma_semaphore, #tpu.memory_space<semaphore_mem>>) src(%dma_wait3A_34 : memref<80x128xi32, #tpu.memory_space<hbm>>) dst(%arg7 : memref<80x128xi32, #tpu.memory_space<vmem>>)
      tpu.yield
    }) : () -> ()
    %scan3A_12 = arith.constant 0 : i32
    %scan3A_13 = arith.constant 0 : i32
    %scan3A_14 = arith.constant 80 : i32
    %scan3A_15 = arith.addi %scan3A_13, %scan3A_14 : i32
    %scan3A_16 = arith.constant 1 : i32
    scf.for %scan3A_21 = %scan3A_13 to %scan3A_15 step %scan3A_16  : i32 {
      %dma_start3A = arith.constant 0 : i32
      %dma_start3A_22 = tpu.memref_slice %arg6[%scan3A_21, %dma_start3A] : memref<80x128xi32, #tpu.memory_space<vmem>> -> memref<1x128xi32, #tpu.memory_space<vmem>>
      %dma_start3A_23 = tpu.memref_squeeze %dma_start3A_22 : memref<1x128xi32, #tpu.memory_space<vmem>> -> memref<128xi32, #tpu.memory_space<vmem>>
      %dma_start3A_24 = arith.constant 0 : i32
      %dma_start3A_25 = arith.constant 0 : i32
      %dma_start3A_26 = tpu.memref_slice %arg2[%dma_start3A_24, %dma_start3A_25] : memref<10240x128xf32, #tpu.memory_space<hbm>> -> memref<10240x128xf32, #tpu.memory_space<hbm>>
      tpu.enqueue_indirect_dma source(%dma_start3A_26 : memref<10240x128xf32, #tpu.memory_space<hbm>>) target(%arg8 : memref<128x128xf32, #tpu.memory_space<vmem>>) offsets(%dma_start3A_23 : memref<128xi32, #tpu.memory_space<vmem>>) semaphore(%arg11 : memref<!tpu.dma_semaphore, #tpu.memory_space<semaphore_mem>>)
      %dma_wait3A = arith.constant 0 : i32
      %dma_wait3A_27 = tpu.memref_slice %arg6[%scan3A_21, %dma_wait3A] : memref<80x128xi32, #tpu.memory_space<vmem>> -> memref<1x128xi32, #tpu.memory_space<vmem>>
      %dma_wait3A_28 = tpu.memref_squeeze %dma_wait3A_27 : memref<1x128xi32, #tpu.memory_space<vmem>> -> memref<128xi32, #tpu.memory_space<vmem>>
      %dma_wait3A_29 = arith.constant 0 : i32
      %dma_wait3A_30 = arith.constant 0 : i32
      %dma_wait3A_31 = tpu.memref_slice %arg2[%dma_wait3A_29, %dma_wait3A_30] : memref<10240x128xf32, #tpu.memory_space<hbm>> -> memref<10240x128xf32, #tpu.memory_space<hbm>>
      tpu.wait_indirect_dma semaphore(%arg11 : memref<!tpu.dma_semaphore, #tpu.memory_space<semaphore_mem>>) src(%dma_wait3A_31 : memref<10240x128xf32, #tpu.memory_space<hbm>>) dst(%arg8 : memref<128x128xf32, #tpu.memory_space<vmem>>)
      "tpu.region"() ({
        %run_scoped3A = tpu.sem_alloc : memref<!tpu.dma_semaphore, #tpu.memory_space<semaphore_mem>>
        %dma_start3A_32 = arith.constant 0 : i32
        %dma_start3A_33 = tpu.memref_slice %arg7[%scan3A_21, %dma_start3A_32] : memref<80x128xi32, #tpu.memory_space<vmem>> -> memref<1x128xi32, #tpu.memory_space<vmem>>
        %dma_start3A_34 = tpu.memref_squeeze %dma_start3A_33 : memref<1x128xi32, #tpu.memory_space<vmem>> -> memref<128xi32, #tpu.memory_space<vmem>>
        %dma_start3A_35 = arith.constant 0 : i32
        %dma_start3A_36 = arith.constant 0 : i32
        %dma_start3A_37 = tpu.memref_slice %arg10[%dma_start3A_35, %dma_start3A_36] : memref<10240x128xf32, #tpu.memory_space<vmem_shared>> -> memref<10240x128xf32, #tpu.memory_space<vmem_shared>>
        tpu.enqueue_indirect_dma source(%arg8 : memref<128x128xf32, #tpu.memory_space<vmem>>) target(%dma_start3A_37 : memref<10240x128xf32, #tpu.memory_space<vmem_shared>>) offsets(%dma_start3A_34 : memref<128xi32, #tpu.memory_space<vmem>>) semaphore(%run_scoped3A : memref<!tpu.dma_semaphore, #tpu.memory_space<semaphore_mem>>) {add = true}
        %dma_wait3A_38 = arith.constant 0 : i32
        %dma_wait3A_39 = tpu.memref_slice %arg7[%scan3A_21, %dma_wait3A_38] : memref<80x128xi32, #tpu.memory_space<vmem>> -> memref<1x128xi32, #tpu.memory_space<vmem>>
        %dma_wait3A_40 = tpu.memref_squeeze %dma_wait3A_39 : memref<1x128xi32, #tpu.memory_space<vmem>> -> memref<128xi32, #tpu.memory_space<vmem>>
        %dma_wait3A_41 = arith.constant 0 : i32
        %dma_wait3A_42 = arith.constant 0 : i32
        %dma_wait3A_43 = tpu.memref_slice %arg10[%dma_wait3A_41, %dma_wait3A_42] : memref<10240x128xf32, #tpu.memory_space<vmem_shared>> -> memref<10240x128xf32, #tpu.memory_space<vmem_shared>>
        tpu.wait_indirect_dma semaphore(%run_scoped3A : memref<!tpu.dma_semaphore, #tpu.memory_space<semaphore_mem>>) src(%arg8 : memref<128x128xf32, #tpu.memory_space<vmem>>) dst(%dma_wait3A_43 : memref<10240x128xf32, #tpu.memory_space<vmem_shared>>)
        tpu.yield
      }) : () -> ()
    }
    %scan3A_17 = arith.constant 80 : i32
    %barrier3A_18 = arith.constant 0 : index
    tpu.barrier barrier_id(%barrier3A_18)
    %mul3A_19 = arith.constant 640 : i32
    %mul3A_20 = arith.muli %arg1, %mul3A_19 : i32
    "tpu.region"() ({
      %run_scoped3A = tpu.sem_alloc : memref<!tpu.dma_semaphore, #tpu.memory_space<semaphore_mem>>
      %dma_start3A = arith.constant 0 : i32
      %dma_start3A_21 = tpu.memref_slice %arg5[%arg0, %mul3A_20, %dma_start3A] : memref<2x10240x128xf32, #tpu.memory_space<hbm>> -> memref<1x640x128xf32, #tpu.memory_space<hbm>>
      %dma_start3A_22 = tpu.memref_squeeze %dma_start3A_21 : memref<1x640x128xf32, #tpu.memory_space<hbm>> -> memref<640x128xf32, #tpu.memory_space<hbm>>
      %dma_start3A_23 = arith.constant 0 : i32
      %dma_start3A_24 = tpu.memref_slice %arg10[%mul3A_20, %dma_start3A_23] : memref<10240x128xf32, #tpu.memory_space<vmem_shared>> -> memref<640x128xf32, #tpu.memory_space<vmem_shared>>
      tpu.enqueue_dma source(%dma_start3A_24 : memref<640x128xf32, #tpu.memory_space<vmem_shared>>) target(%dma_start3A_22 : memref<640x128xf32, #tpu.memory_space<hbm>>) target_semaphore(%run_scoped3A : memref<!tpu.dma_semaphore, #tpu.memory_space<semaphore_mem>>)
      %dma_wait3A = arith.constant 0 : i32
      %dma_wait3A_25 = tpu.memref_slice %arg5[%arg0, %mul3A_20, %dma_wait3A] : memref<2x10240x128xf32, #tpu.memory_space<hbm>> -> memref<1x640x128xf32, #tpu.memory_space<hbm>>
      %dma_wait3A_26 = tpu.memref_squeeze %dma_wait3A_25 : memref<1x640x128xf32, #tpu.memory_space<hbm>> -> memref<640x128xf32, #tpu.memory_space<hbm>>
      %dma_wait3A_27 = arith.constant 0 : i32
      %dma_wait3A_28 = tpu.memref_slice %arg10[%mul3A_20, %dma_wait3A_27] : memref<10240x128xf32, #tpu.memory_space<vmem_shared>> -> memref<640x128xf32, #tpu.memory_space<vmem_shared>>
      tpu.wait_dma2 semaphore(%run_scoped3A : memref<!tpu.dma_semaphore, #tpu.memory_space<semaphore_mem>>) src(%dma_wait3A_28 : memref<640x128xf32, #tpu.memory_space<vmem_shared>>) dst(%dma_wait3A_26 : memref<640x128xf32, #tpu.memory_space<hbm>>)
      tpu.yield
    }) : () -> ()
    return
  }
}

#map = affine_map<(d0, d1) -> (0, 0)>
#map1 = affine_map<(d0, d1) -> (0, 0, 0)>
module attributes {stable_mosaic.version = 14 : i64} {
  func.func @k(%arg0: i32, %arg1: i32, %arg2: memref<10240x128xf32, #tpu.memory_space<hbm>>, %arg3: memref<32x80x128xi32, #tpu.memory_space<hbm>>, %arg4: memref<32x80x128xi32, #tpu.memory_space<hbm>>, %arg5: memref<2x10240x128xf32, #tpu.memory_space<hbm>>, %arg6: memref<80x128xi32, #tpu.memory_space<vmem>>, %arg7: memref<80x128xi32, #tpu.memory_space<vmem>>, %arg8: memref<128x128xf32, #tpu.memory_space<vmem>>, %arg9: memref<64x128xf32, #tpu.memory_space<vmem>>, %arg10: memref<10240x128xf32, #tpu.memory_space<vmem_shared>>, %arg11: memref<!tpu.dma_semaphore, #tpu.memory_space<semaphore_mem>>) attributes {dimension_semantics = [#tpu.dimension_semantics<core_parallel>, #tpu.dimension_semantics<subcore_parallel>], iteration_bounds = array<i64: 2, 16>, scalar_prefetch = 0 : i64, scratch_operands = 6 : i64, tpu.core_type = #tpu.core_type<sc_vector_subcore>, window_params = [{transform_indices = #map}, {transform_indices = #map1}, {transform_indices = #map1}, {transform_indices = #map1}]} {
    %mul3A = arith.constant 16 : i32
    %mul3A_0 = arith.muli %arg0, %mul3A : i32
    %add3A = arith.addi %mul3A_0, %arg1 : i32
    %scan3A = arith.constant 0 : i32
    %scan3A_1 = arith.constant 0 : i32
    %scan3A_2 = arith.constant 64 : i32
    %scan3A_3 = arith.addi %scan3A_1, %scan3A_2 : i32
    %scan3A_4 = arith.constant 1 : i32
    scf.for %scan3A_21 = %scan3A_1 to %scan3A_3 step %scan3A_4  : i32 {
      %broadcast_in_dim3A = arith.constant 0.000000e+00 : f32
      %broadcast_in_dim3A_22 = vector.broadcast %broadcast_in_dim3A : f32 to vector<16xf32>
      %swap3A = arith.index_cast %scan3A_21 : i32 to index
      %swap3A_23 = arith.constant 0 : index
      %swap3A_24 = tpu.vector_load %arg9[%swap3A, %swap3A_23] {strides = array<i32>} : memref<64x128xf32, #tpu.memory_space<vmem>>, vector<1x16xf32>,
      %swap3A_25 = vector.shape_cast %swap3A_24 : vector<1x16xf32> to vector<16xf32>
      %swap3A_26 = vector.shape_cast %broadcast_in_dim3A_22 : vector<16xf32> to vector<1x16xf32>
      tpu.vector_store %arg9[%swap3A, %swap3A_23], %swap3A_26 {strides = array<i32>} : memref<64x128xf32, #tpu.memory_space<vmem>>, vector<1x16xf32>,
      %broadcast_in_dim3A_27 = arith.constant 0.000000e+00 : f32
      %broadcast_in_dim3A_28 = vector.broadcast %broadcast_in_dim3A_27 : f32 to vector<16xf32>
      %swap3A_29 = arith.index_cast %scan3A_21 : i32 to index
      %swap3A_30 = arith.constant 16 : index
      %swap3A_31 = tpu.vector_load %arg9[%swap3A_29, %swap3A_30] {strides = array<i32>} : memref<64x128xf32, #tpu.memory_space<vmem>>, vector<1x16xf32>,
      %swap3A_32 = vector.shape_cast %swap3A_31 : vector<1x16xf32> to vector<16xf32>
      %swap3A_33 = vector.shape_cast %broadcast_in_dim3A_28 : vector<16xf32> to vector<1x16xf32>
      tpu.vector_store %arg9[%swap3A_29, %swap3A_30], %swap3A_33 {strides = array<i32>} : memref<64x128xf32, #tpu.memory_space<vmem>>, vector<1x16xf32>,
      %broadcast_in_dim3A_34 = arith.constant 0.000000e+00 : f32
      %broadcast_in_dim3A_35 = vector.broadcast %broadcast_in_dim3A_34 : f32 to vector<16xf32>
      %swap3A_36 = arith.index_cast %scan3A_21 : i32 to index
      %swap3A_37 = arith.constant 32 : index
      %swap3A_38 = tpu.vector_load %arg9[%swap3A_36, %swap3A_37] {strides = array<i32>} : memref<64x128xf32, #tpu.memory_space<vmem>>, vector<1x16xf32>,
      %swap3A_39 = vector.shape_cast %swap3A_38 : vector<1x16xf32> to vector<16xf32>
      %swap3A_40 = vector.shape_cast %broadcast_in_dim3A_35 : vector<16xf32> to vector<1x16xf32>
      tpu.vector_store %arg9[%swap3A_36, %swap3A_37], %swap3A_40 {strides = array<i32>} : memref<64x128xf32, #tpu.memory_space<vmem>>, vector<1x16xf32>,
      %broadcast_in_dim3A_41 = arith.constant 0.000000e+00 : f32
      %broadcast_in_dim3A_42 = vector.broadcast %broadcast_in_dim3A_41 : f32 to vector<16xf32>
      %swap3A_43 = arith.index_cast %scan3A_21 : i32 to index
      %swap3A_44 = arith.constant 48 : index
      %swap3A_45 = tpu.vector_load %arg9[%swap3A_43, %swap3A_44] {strides = array<i32>} : memref<64x128xf32, #tpu.memory_space<vmem>>, vector<1x16xf32>,
      %swap3A_46 = vector.shape_cast %swap3A_45 : vector<1x16xf32> to vector<16xf32>
      %swap3A_47 = vector.shape_cast %broadcast_in_dim3A_42 : vector<16xf32> to vector<1x16xf32>
      tpu.vector_store %arg9[%swap3A_43, %swap3A_44], %swap3A_47 {strides = array<i32>} : memref<64x128xf32, #tpu.memory_space<vmem>>, vector<1x16xf32>,
      %broadcast_in_dim3A_48 = arith.constant 0.000000e+00 : f32
      %broadcast_in_dim3A_49 = vector.broadcast %broadcast_in_dim3A_48 : f32 to vector<16xf32>
      %swap3A_50 = arith.index_cast %scan3A_21 : i32 to index
      %swap3A_51 = arith.constant 64 : index
      %swap3A_52 = tpu.vector_load %arg9[%swap3A_50, %swap3A_51] {strides = array<i32>} : memref<64x128xf32, #tpu.memory_space<vmem>>, vector<1x16xf32>,
      %swap3A_53 = vector.shape_cast %swap3A_52 : vector<1x16xf32> to vector<16xf32>
      %swap3A_54 = vector.shape_cast %broadcast_in_dim3A_49 : vector<16xf32> to vector<1x16xf32>
      tpu.vector_store %arg9[%swap3A_50, %swap3A_51], %swap3A_54 {strides = array<i32>} : memref<64x128xf32, #tpu.memory_space<vmem>>, vector<1x16xf32>,
      %broadcast_in_dim3A_55 = arith.constant 0.000000e+00 : f32
      %broadcast_in_dim3A_56 = vector.broadcast %broadcast_in_dim3A_55 : f32 to vector<16xf32>
      %swap3A_57 = arith.index_cast %scan3A_21 : i32 to index
      %swap3A_58 = arith.constant 80 : index
      %swap3A_59 = tpu.vector_load %arg9[%swap3A_57, %swap3A_58] {strides = array<i32>} : memref<64x128xf32, #tpu.memory_space<vmem>>, vector<1x16xf32>,
      %swap3A_60 = vector.shape_cast %swap3A_59 : vector<1x16xf32> to vector<16xf32>
      %swap3A_61 = vector.shape_cast %broadcast_in_dim3A_56 : vector<16xf32> to vector<1x16xf32>
      tpu.vector_store %arg9[%swap3A_57, %swap3A_58], %swap3A_61 {strides = array<i32>} : memref<64x128xf32, #tpu.memory_space<vmem>>, vector<1x16xf32>,
      %broadcast_in_dim3A_62 = arith.constant 0.000000e+00 : f32
      %broadcast_in_dim3A_63 = vector.broadcast %broadcast_in_dim3A_62 : f32 to vector<16xf32>
      %swap3A_64 = arith.index_cast %scan3A_21 : i32 to index
      %swap3A_65 = arith.constant 96 : index
      %swap3A_66 = tpu.vector_load %arg9[%swap3A_64, %swap3A_65] {strides = array<i32>} : memref<64x128xf32, #tpu.memory_space<vmem>>, vector<1x16xf32>,
      %swap3A_67 = vector.shape_cast %swap3A_66 : vector<1x16xf32> to vector<16xf32>
      %swap3A_68 = vector.shape_cast %broadcast_in_dim3A_63 : vector<16xf32> to vector<1x16xf32>
      tpu.vector_store %arg9[%swap3A_64, %swap3A_65], %swap3A_68 {strides = array<i32>} : memref<64x128xf32, #tpu.memory_space<vmem>>, vector<1x16xf32>,
      %broadcast_in_dim3A_69 = arith.constant 0.000000e+00 : f32
      %broadcast_in_dim3A_70 = vector.broadcast %broadcast_in_dim3A_69 : f32 to vector<16xf32>
      %swap3A_71 = arith.index_cast %scan3A_21 : i32 to index
      %swap3A_72 = arith.constant 112 : index
      %swap3A_73 = tpu.vector_load %arg9[%swap3A_71, %swap3A_72] {strides = array<i32>} : memref<64x128xf32, #tpu.memory_space<vmem>>, vector<1x16xf32>,
      %swap3A_74 = vector.shape_cast %swap3A_73 : vector<1x16xf32> to vector<16xf32>
      %swap3A_75 = vector.shape_cast %broadcast_in_dim3A_70 : vector<16xf32> to vector<1x16xf32>
      tpu.vector_store %arg9[%swap3A_71, %swap3A_72], %swap3A_75 {strides = array<i32>} : memref<64x128xf32, #tpu.memory_space<vmem>>, vector<1x16xf32>,
    }
    %scan3A_5 = arith.constant 64 : i32
    %scan3A_6 = arith.constant 0 : i32
    %scan3A_7 = arith.constant 0 : i32
    %scan3A_8 = arith.constant 10 : i32
    %scan3A_9 = arith.addi %scan3A_7, %scan3A_8 : i32
    %scan3A_10 = arith.constant 1 : i32
    scf.for %scan3A_21 = %scan3A_7 to %scan3A_9 step %scan3A_10  : i32 {
      %mul3A_22 = arith.constant 640 : i32
      %mul3A_23 = arith.muli %arg1, %mul3A_22 : i32
      %mul3A_24 = arith.constant 64 : i32
      %mul3A_25 = arith.muli %scan3A_21, %mul3A_24 : i32
      %add3A_26 = arith.addi %mul3A_23, %mul3A_25 : i32
      "tpu.region"() ({
        %run_scoped3A = tpu.sem_alloc : memref<!tpu.dma_semaphore, #tpu.memory_space<semaphore_mem>>
        %dma_start3A = arith.constant 0 : i32
        %dma_start3A_27 = tpu.memref_slice %arg10[%add3A_26, %dma_start3A] : memref<10240x128xf32, #tpu.memory_space<vmem_shared>> -> memref<64x128xf32, #tpu.memory_space<vmem_shared>>
        %dma_start3A_28 = arith.constant 0 : i32
        %dma_start3A_29 = tpu.memref_slice %arg10[%add3A_26, %dma_start3A_28] : memref<10240x128xf32, #tpu.memory_space<vmem_shared>> -> memref<64x128xf32, #tpu.memory_space<vmem_shared>>
        tpu.enqueue_dma source(%arg9 : memref<64x128xf32, #tpu.memory_space<vmem>>) target(%dma_start3A_29 : memref<64x128xf32, #tpu.memory_space<vmem_shared>>) target_semaphore(%run_scoped3A : memref<!tpu.dma_semaphore, #tpu.memory_space<semaphore_mem>>)
        %dma_wait3A = arith.constant 0 : i32
        %dma_wait3A_30 = tpu.memref_slice %arg10[%add3A_26, %dma_wait3A] : memref<10240x128xf32, #tpu.memory_space<vmem_shared>> -> memref<64x128xf32, #tpu.memory_space<vmem_shared>>
        %dma_wait3A_31 = arith.constant 0 : i32
        %dma_wait3A_32 = tpu.memref_slice %arg10[%add3A_26, %dma_wait3A_31] : memref<10240x128xf32, #tpu.memory_space<vmem_shared>> -> memref<64x128xf32, #tpu.memory_space<vmem_shared>>
        tpu.wait_dma2 semaphore(%run_scoped3A : memref<!tpu.dma_semaphore, #tpu.memory_space<semaphore_mem>>) src(%arg9 : memref<64x128xf32, #tpu.memory_space<vmem>>) dst(%dma_wait3A_32 : memref<64x128xf32, #tpu.memory_space<vmem_shared>>)
        tpu.yield
      }) : () -> ()
    }
    %scan3A_11 = arith.constant 10 : i32
    %barrier3A = arith.constant 0 : index
    tpu.barrier barrier_id(%barrier3A)
    "tpu.region"() ({
      %run_scoped3A = tpu.sem_alloc : memref<!tpu.dma_semaphore, #tpu.memory_space<semaphore_mem>>
      %dma_start3A = arith.constant 0 : i32
      %dma_start3A_21 = arith.constant 0 : i32
      %dma_start3A_22 = tpu.memref_slice %arg3[%add3A, %dma_start3A, %dma_start3A_21] : memref<32x80x128xi32, #tpu.memory_space<hbm>> -> memref<1x80x128xi32, #tpu.memory_space<hbm>>
      %dma_start3A_23 = tpu.memref_squeeze %dma_start3A_22 : memref<1x80x128xi32, #tpu.memory_space<hbm>> -> memref<80x128xi32, #tpu.memory_space<hbm>>
      %dma_start3A_24 = arith.constant 0 : i32
      %dma_start3A_25 = arith.constant 0 : i32
      %dma_start3A_26 = tpu.memref_slice %arg3[%add3A, %dma_start3A_24, %dma_start3A_25] : memref<32x80x128xi32, #tpu.memory_space<hbm>> -> memref<1x80x128xi32, #tpu.memory_space<hbm>>
      %dma_start3A_27 = tpu.memref_squeeze %dma_start3A_26 : memref<1x80x128xi32, #tpu.memory_space<hbm>> -> memref<80x128xi32, #tpu.memory_space<hbm>>
      tpu.enqueue_dma source(%dma_start3A_27 : memref<80x128xi32, #tpu.memory_space<hbm>>) target(%arg6 : memref<80x128xi32, #tpu.memory_space<vmem>>) target_semaphore(%run_scoped3A : memref<!tpu.dma_semaphore, #tpu.memory_space<semaphore_mem>>)
      %dma_wait3A = arith.constant 0 : i32
      %dma_wait3A_28 = arith.constant 0 : i32
      %dma_wait3A_29 = tpu.memref_slice %arg3[%add3A, %dma_wait3A, %dma_wait3A_28] : memref<32x80x128xi32, #tpu.memory_space<hbm>> -> memref<1x80x128xi32, #tpu.memory_space<hbm>>
      %dma_wait3A_30 = tpu.memref_squeeze %dma_wait3A_29 : memref<1x80x128xi32, #tpu.memory_space<hbm>> -> memref<80x128xi32, #tpu.memory_space<hbm>>
      %dma_wait3A_31 = arith.constant 0 : i32
      %dma_wait3A_32 = arith.constant 0 : i32
      %dma_wait3A_33 = tpu.memref_slice %arg3[%add3A, %dma_wait3A_31, %dma_wait3A_32] : memref<32x80x128xi32, #tpu.memory_space<hbm>> -> memref<1x80x128xi32, #tpu.memory_space<hbm>>
      %dma_wait3A_34 = tpu.memref_squeeze %dma_wait3A_33 : memref<1x80x128xi32, #tpu.memory_space<hbm>> -> memref<80x128xi32, #tpu.memory_space<hbm>>
      tpu.wait_dma2 semaphore(%run_scoped3A : memref<!tpu.dma_semaphore, #tpu.memory_space<semaphore_mem>>) src(%dma_wait3A_34 : memref<80x128xi32, #tpu.memory_space<hbm>>) dst(%arg6 : memref<80x128xi32, #tpu.memory_space<vmem>>)
      tpu.yield
    }) : () -> ()
    "tpu.region"() ({
      %run_scoped3A = tpu.sem_alloc : memref<!tpu.dma_semaphore, #tpu.memory_space<semaphore_mem>>
      %dma_start3A = arith.constant 0 : i32
      %dma_start3A_21 = arith.constant 0 : i32
      %dma_start3A_22 = tpu.memref_slice %arg4[%add3A, %dma_start3A, %dma_start3A_21] : memref<32x80x128xi32, #tpu.memory_space<hbm>> -> memref<1x80x128xi32, #tpu.memory_space<hbm>>
      %dma_start3A_23 = tpu.memref_squeeze %dma_start3A_22 : memref<1x80x128xi32, #tpu.memory_space<hbm>> -> memref<80x128xi32, #tpu.memory_space<hbm>>
      %dma_start3A_24 = arith.constant 0 : i32
      %dma_start3A_25 = arith.constant 0 : i32
      %dma_start3A_26 = tpu.memref_slice %arg4[%add3A, %dma_start3A_24, %dma_start3A_25] : memref<32x80x128xi32, #tpu.memory_space<hbm>> -> memref<1x80x128xi32, #tpu.memory_space<hbm>>
      %dma_start3A_27 = tpu.memref_squeeze %dma_start3A_26 : memref<1x80x128xi32, #tpu.memory_space<hbm>> -> memref<80x128xi32, #tpu.memory_space<hbm>>
      tpu.enqueue_dma source(%dma_start3A_27 : memref<80x128xi32, #tpu.memory_space<hbm>>) target(%arg7 : memref<80x128xi32, #tpu.memory_space<vmem>>) target_semaphore(%run_scoped3A : memref<!tpu.dma_semaphore, #tpu.memory_space<semaphore_mem>>)
      %dma_wait3A = arith.constant 0 : i32
      %dma_wait3A_28 = arith.constant 0 : i32
      %dma_wait3A_29 = tpu.memref_slice %arg4[%add3A, %dma_wait3A, %dma_wait3A_28] : memref<32x80x128xi32, #tpu.memory_space<hbm>> -> memref<1x80x128xi32, #tpu.memory_space<hbm>>
      %dma_wait3A_30 = tpu.memref_squeeze %dma_wait3A_29 : memref<1x80x128xi32, #tpu.memory_space<hbm>> -> memref<80x128xi32, #tpu.memory_space<hbm>>
      %dma_wait3A_31 = arith.constant 0 : i32
      %dma_wait3A_32 = arith.constant 0 : i32
      %dma_wait3A_33 = tpu.memref_slice %arg4[%add3A, %dma_wait3A_31, %dma_wait3A_32] : memref<32x80x128xi32, #tpu.memory_space<hbm>> -> memref<1x80x128xi32, #tpu.memory_space<hbm>>
      %dma_wait3A_34 = tpu.memref_squeeze %dma_wait3A_33 : memref<1x80x128xi32, #tpu.memory_space<hbm>> -> memref<80x128xi32, #tpu.memory_space<hbm>>
      tpu.wait_dma2 semaphore(%run_scoped3A : memref<!tpu.dma_semaphore, #tpu.memory_space<semaphore_mem>>) src(%dma_wait3A_34 : memref<80x128xi32, #tpu.memory_space<hbm>>) dst(%arg7 : memref<80x128xi32, #tpu.memory_space<vmem>>)
      tpu.yield
    }) : () -> ()
    %scan3A_12 = arith.constant 0 : i32
    %scan3A_13 = arith.constant 0 : i32
    %scan3A_14 = arith.constant 80 : i32
    %scan3A_15 = arith.addi %scan3A_13, %scan3A_14 : i32
    %scan3A_16 = arith.constant 1 : i32
    scf.for %scan3A_21 = %scan3A_13 to %scan3A_15 step %scan3A_16  : i32 {
      %dma_start3A = arith.constant 0 : i32
      %dma_start3A_22 = tpu.memref_slice %arg6[%scan3A_21, %dma_start3A] : memref<80x128xi32, #tpu.memory_space<vmem>> -> memref<1x128xi32, #tpu.memory_space<vmem>>
      %dma_start3A_23 = tpu.memref_squeeze %dma_start3A_22 : memref<1x128xi32, #tpu.memory_space<vmem>> -> memref<128xi32, #tpu.memory_space<vmem>>
      %dma_start3A_24 = arith.constant 0 : i32
      %dma_start3A_25 = arith.constant 0 : i32
      %dma_start3A_26 = tpu.memref_slice %arg2[%dma_start3A_24, %dma_start3A_25] : memref<10240x128xf32, #tpu.memory_space<hbm>> -> memref<10240x128xf32, #tpu.memory_space<hbm>>
      tpu.enqueue_indirect_dma source(%dma_start3A_26 : memref<10240x128xf32, #tpu.memory_space<hbm>>) target(%arg8 : memref<128x128xf32, #tpu.memory_space<vmem>>) offsets(%dma_start3A_23 : memref<128xi32, #tpu.memory_space<vmem>>) semaphore(%arg11 : memref<!tpu.dma_semaphore, #tpu.memory_space<semaphore_mem>>)
      %dma_wait3A = arith.constant 0 : i32
      %dma_wait3A_27 = tpu.memref_slice %arg6[%scan3A_21, %dma_wait3A] : memref<80x128xi32, #tpu.memory_space<vmem>> -> memref<1x128xi32, #tpu.memory_space<vmem>>
      %dma_wait3A_28 = tpu.memref_squeeze %dma_wait3A_27 : memref<1x128xi32, #tpu.memory_space<vmem>> -> memref<128xi32, #tpu.memory_space<vmem>>
      %dma_wait3A_29 = arith.constant 0 : i32
      %dma_wait3A_30 = arith.constant 0 : i32
      %dma_wait3A_31 = tpu.memref_slice %arg2[%dma_wait3A_29, %dma_wait3A_30] : memref<10240x128xf32, #tpu.memory_space<hbm>> -> memref<10240x128xf32, #tpu.memory_space<hbm>>
      tpu.wait_indirect_dma semaphore(%arg11 : memref<!tpu.dma_semaphore, #tpu.memory_space<semaphore_mem>>) src(%dma_wait3A_31 : memref<10240x128xf32, #tpu.memory_space<hbm>>) dst(%arg8 : memref<128x128xf32, #tpu.memory_space<vmem>>)
      "tpu.region"() ({
        %run_scoped3A = tpu.sem_alloc : memref<!tpu.dma_semaphore, #tpu.memory_space<semaphore_mem>>
        %dma_start3A_32 = arith.constant 0 : i32
        %dma_start3A_33 = tpu.memref_slice %arg7[%scan3A_21, %dma_start3A_32] : memref<80x128xi32, #tpu.memory_space<vmem>> -> memref<1x128xi32, #tpu.memory_space<vmem>>
        %dma_start3A_34 = tpu.memref_squeeze %dma_start3A_33 : memref<1x128xi32, #tpu.memory_space<vmem>> -> memref<128xi32, #tpu.memory_space<vmem>>
        %dma_start3A_35 = arith.constant 0 : i32
        %dma_start3A_36 = arith.constant 0 : i32
        %dma_start3A_37 = tpu.memref_slice %arg10[%dma_start3A_35, %dma_start3A_36] : memref<10240x128xf32, #tpu.memory_space<vmem_shared>> -> memref<10240x128xf32, #tpu.memory_space<vmem_shared>>
        tpu.enqueue_indirect_dma source(%arg8 : memref<128x128xf32, #tpu.memory_space<vmem>>) target(%dma_start3A_37 : memref<10240x128xf32, #tpu.memory_space<vmem_shared>>) offsets(%dma_start3A_34 : memref<128xi32, #tpu.memory_space<vmem>>) semaphore(%run_scoped3A : memref<!tpu.dma_semaphore, #tpu.memory_space<semaphore_mem>>) {add = true}
        %dma_wait3A_38 = arith.constant 0 : i32
        %dma_wait3A_39 = tpu.memref_slice %arg7[%scan3A_21, %dma_wait3A_38] : memref<80x128xi32, #tpu.memory_space<vmem>> -> memref<1x128xi32, #tpu.memory_space<vmem>>
        %dma_wait3A_40 = tpu.memref_squeeze %dma_wait3A_39 : memref<1x128xi32, #tpu.memory_space<vmem>> -> memref<128xi32, #tpu.memory_space<vmem>>
        %dma_wait3A_41 = arith.constant 0 : i32
        %dma_wait3A_42 = arith.constant 0 : i32
        %dma_wait3A_43 = tpu.memref_slice %arg10[%dma_wait3A_41, %dma_wait3A_42] : memref<10240x128xf32, #tpu.memory_space<vmem_shared>> -> memref<10240x128xf32, #tpu.memory_space<vmem_shared>>
        tpu.wait_indirect_dma semaphore(%run_scoped3A : memref<!tpu.dma_semaphore, #tpu.memory_space<semaphore_mem>>) src(%arg8 : memref<128x128xf32, #tpu.memory_space<vmem>>) dst(%dma_wait3A_43 : memref<10240x128xf32, #tpu.memory_space<vmem_shared>>)
        tpu.yield
      }) : () -> ()
    }
    %scan3A_17 = arith.constant 80 : i32
    %barrier3A_18 = arith.constant 0 : index
    tpu.barrier barrier_id(%barrier3A_18)
    %mul3A_19 = arith.constant 640 : i32
    %mul3A_20 = arith.muli %arg1, %mul3A_19 : i32
    "tpu.region"() ({
      %run_scoped3A = tpu.sem_alloc : memref<!tpu.dma_semaphore, #tpu.memory_space<semaphore_mem>>
      %dma_start3A = arith.constant 0 : i32
      %dma_start3A_21 = tpu.memref_slice %arg5[%arg0, %mul3A_20, %dma_start3A] : memref<2x10240x128xf32, #tpu.memory_space<hbm>> -> memref<1x640x128xf32, #tpu.memory_space<hbm>>
      %dma_start3A_22 = tpu.memref_squeeze %dma_start3A_21 : memref<1x640x128xf32, #tpu.memory_space<hbm>> -> memref<640x128xf32, #tpu.memory_space<hbm>>
      %dma_start3A_23 = arith.constant 0 : i32
      %dma_start3A_24 = tpu.memref_slice %arg10[%mul3A_20, %dma_start3A_23] : memref<10240x128xf32, #tpu.memory_space<vmem_shared>> -> memref<640x128xf32, #tpu.memory_space<vmem_shared>>
      tpu.enqueue_dma source(%dma_start3A_24 : memref<640x128xf32, #tpu.memory_space<vmem_shared>>) target(%dma_start3A_22 : memref<640x128xf32, #tpu.memory_space<hbm>>) target_semaphore(%run_scoped3A : memref<!tpu.dma_semaphore, #tpu.memory_space<semaphore_mem>>)
      %dma_wait3A = arith.constant 0 : i32
      %dma_wait3A_25 = tpu.memref_slice %arg5[%arg0, %mul3A_20, %dma_wait3A] : memref<2x10240x128xf32, #tpu.memory_space<hbm>> -> memref<1x640x128xf32, #tpu.memory_space<hbm>>
      %dma_wait3A_26 = tpu.memref_squeeze %dma_wait3A_25 : memref<1x640x128xf32, #tpu.memory_space<hbm>> -> memref<640x128xf32, #tpu.memory_space<hbm>>
      %dma_wait3A_27 = arith.constant 0 : i32
      %dma_wait3A_28 = tpu.memref_slice %arg10[%mul3A_20, %dma_wait3A_27] : memref<10240x128xf32, #tpu.memory_space<vmem_shared>> -> memref<640x128xf32, #tpu.memory_space<vmem_shared>>
      tpu.wait_dma2 semaphore(%run_scoped3A : memref<!tpu.dma_semaphore, #tpu.memory_space<semaphore_mem>>) src(%dma_wait3A_28 : memref<640x128xf32, #tpu.memory_space<vmem_shared>>) dst(%dma_wait3A_26 : memref<640x128xf32, #tpu.memory_space<hbm>>)
      tpu.yield
    }) : () -> ()
    return
  }
}

#map = affine_map<(d0, d1) -> (0, 0)>
#map1 = affine_map<(d0, d1) -> (0, 0, 0)>
module attributes {stable_mosaic.version = 14 : i64} {
  func.func @k(%arg0: i32, %arg1: i32, %arg2: memref<10240x128xf32, #tpu.memory_space<hbm>>, %arg3: memref<32x80x128xi32, #tpu.memory_space<hbm>>, %arg4: memref<32x80x128xi32, #tpu.memory_space<hbm>>, %arg5: memref<2x10240x128xf32, #tpu.memory_space<hbm>>, %arg6: memref<80x128xi32, #tpu.memory_space<vmem>>, %arg7: memref<80x128xi32, #tpu.memory_space<vmem>>, %arg8: memref<128x128xf32, #tpu.memory_space<vmem>>, %arg9: memref<64x128xf32, #tpu.memory_space<vmem>>, %arg10: memref<10240x128xf32, #tpu.memory_space<vmem_shared>>, %arg11: memref<!tpu.dma_semaphore, #tpu.memory_space<semaphore_mem>>) attributes {dimension_semantics = [#tpu.dimension_semantics<core_parallel>, #tpu.dimension_semantics<subcore_parallel>], iteration_bounds = array<i64: 2, 16>, scalar_prefetch = 0 : i64, scratch_operands = 6 : i64, tpu.core_type = #tpu.core_type<sc_vector_subcore>, window_params = [{transform_indices = #map}, {transform_indices = #map1}, {transform_indices = #map1}, {transform_indices = #map1}]} {
    %mul3A = arith.constant 16 : i32
    %mul3A_0 = arith.muli %arg0, %mul3A : i32
    %add3A = arith.addi %mul3A_0, %arg1 : i32
    %scan3A = arith.constant 0 : i32
    %scan3A_1 = arith.constant 0 : i32
    %scan3A_2 = arith.constant 64 : i32
    %scan3A_3 = arith.addi %scan3A_1, %scan3A_2 : i32
    %scan3A_4 = arith.constant 1 : i32
    scf.for %scan3A_21 = %scan3A_1 to %scan3A_3 step %scan3A_4  : i32 {
      %broadcast_in_dim3A = arith.constant 0.000000e+00 : f32
      %broadcast_in_dim3A_22 = vector.broadcast %broadcast_in_dim3A : f32 to vector<16xf32>
      %swap3A = arith.index_cast %scan3A_21 : i32 to index
      %swap3A_23 = arith.constant 0 : index
      %swap3A_24 = tpu.vector_load %arg9[%swap3A, %swap3A_23] {strides = array<i32>} : memref<64x128xf32, #tpu.memory_space<vmem>>, vector<1x16xf32>,
      %swap3A_25 = vector.shape_cast %swap3A_24 : vector<1x16xf32> to vector<16xf32>
      %swap3A_26 = vector.shape_cast %broadcast_in_dim3A_22 : vector<16xf32> to vector<1x16xf32>
      tpu.vector_store %arg9[%swap3A, %swap3A_23], %swap3A_26 {strides = array<i32>} : memref<64x128xf32, #tpu.memory_space<vmem>>, vector<1x16xf32>,
      %broadcast_in_dim3A_27 = arith.constant 0.000000e+00 : f32
      %broadcast_in_dim3A_28 = vector.broadcast %broadcast_in_dim3A_27 : f32 to vector<16xf32>
      %swap3A_29 = arith.index_cast %scan3A_21 : i32 to index
      %swap3A_30 = arith.constant 16 : index
      %swap3A_31 = tpu.vector_load %arg9[%swap3A_29, %swap3A_30] {strides = array<i32>} : memref<64x128xf32, #tpu.memory_space<vmem>>, vector<1x16xf32>,
      %swap3A_32 = vector.shape_cast %swap3A_31 : vector<1x16xf32> to vector<16xf32>
      %swap3A_33 = vector.shape_cast %broadcast_in_dim3A_28 : vector<16xf32> to vector<1x16xf32>
      tpu.vector_store %arg9[%swap3A_29, %swap3A_30], %swap3A_33 {strides = array<i32>} : memref<64x128xf32, #tpu.memory_space<vmem>>, vector<1x16xf32>,
      %broadcast_in_dim3A_34 = arith.constant 0.000000e+00 : f32
      %broadcast_in_dim3A_35 = vector.broadcast %broadcast_in_dim3A_34 : f32 to vector<16xf32>
      %swap3A_36 = arith.index_cast %scan3A_21 : i32 to index
      %swap3A_37 = arith.constant 32 : index
      %swap3A_38 = tpu.vector_load %arg9[%swap3A_36, %swap3A_37] {strides = array<i32>} : memref<64x128xf32, #tpu.memory_space<vmem>>, vector<1x16xf32>,
      %swap3A_39 = vector.shape_cast %swap3A_38 : vector<1x16xf32> to vector<16xf32>
      %swap3A_40 = vector.shape_cast %broadcast_in_dim3A_35 : vector<16xf32> to vector<1x16xf32>
      tpu.vector_store %arg9[%swap3A_36, %swap3A_37], %swap3A_40 {strides = array<i32>} : memref<64x128xf32, #tpu.memory_space<vmem>>, vector<1x16xf32>,
      %broadcast_in_dim3A_41 = arith.constant 0.000000e+00 : f32
      %broadcast_in_dim3A_42 = vector.broadcast %broadcast_in_dim3A_41 : f32 to vector<16xf32>
      %swap3A_43 = arith.index_cast %scan3A_21 : i32 to index
      %swap3A_44 = arith.constant 48 : index
      %swap3A_45 = tpu.vector_load %arg9[%swap3A_43, %swap3A_44] {strides = array<i32>} : memref<64x128xf32, #tpu.memory_space<vmem>>, vector<1x16xf32>,
      %swap3A_46 = vector.shape_cast %swap3A_45 : vector<1x16xf32> to vector<16xf32>
      %swap3A_47 = vector.shape_cast %broadcast_in_dim3A_42 : vector<16xf32> to vector<1x16xf32>
      tpu.vector_store %arg9[%swap3A_43, %swap3A_44], %swap3A_47 {strides = array<i32>} : memref<64x128xf32, #tpu.memory_space<vmem>>, vector<1x16xf32>,
      %broadcast_in_dim3A_48 = arith.constant 0.000000e+00 : f32
      %broadcast_in_dim3A_49 = vector.broadcast %broadcast_in_dim3A_48 : f32 to vector<16xf32>
      %swap3A_50 = arith.index_cast %scan3A_21 : i32 to index
      %swap3A_51 = arith.constant 64 : index
      %swap3A_52 = tpu.vector_load %arg9[%swap3A_50, %swap3A_51] {strides = array<i32>} : memref<64x128xf32, #tpu.memory_space<vmem>>, vector<1x16xf32>,
      %swap3A_53 = vector.shape_cast %swap3A_52 : vector<1x16xf32> to vector<16xf32>
      %swap3A_54 = vector.shape_cast %broadcast_in_dim3A_49 : vector<16xf32> to vector<1x16xf32>
      tpu.vector_store %arg9[%swap3A_50, %swap3A_51], %swap3A_54 {strides = array<i32>} : memref<64x128xf32, #tpu.memory_space<vmem>>, vector<1x16xf32>,
      %broadcast_in_dim3A_55 = arith.constant 0.000000e+00 : f32
      %broadcast_in_dim3A_56 = vector.broadcast %broadcast_in_dim3A_55 : f32 to vector<16xf32>
      %swap3A_57 = arith.index_cast %scan3A_21 : i32 to index
      %swap3A_58 = arith.constant 80 : index
      %swap3A_59 = tpu.vector_load %arg9[%swap3A_57, %swap3A_58] {strides = array<i32>} : memref<64x128xf32, #tpu.memory_space<vmem>>, vector<1x16xf32>,
      %swap3A_60 = vector.shape_cast %swap3A_59 : vector<1x16xf32> to vector<16xf32>
      %swap3A_61 = vector.shape_cast %broadcast_in_dim3A_56 : vector<16xf32> to vector<1x16xf32>
      tpu.vector_store %arg9[%swap3A_57, %swap3A_58], %swap3A_61 {strides = array<i32>} : memref<64x128xf32, #tpu.memory_space<vmem>>, vector<1x16xf32>,
      %broadcast_in_dim3A_62 = arith.constant 0.000000e+00 : f32
      %broadcast_in_dim3A_63 = vector.broadcast %broadcast_in_dim3A_62 : f32 to vector<16xf32>
      %swap3A_64 = arith.index_cast %scan3A_21 : i32 to index
      %swap3A_65 = arith.constant 96 : index
      %swap3A_66 = tpu.vector_load %arg9[%swap3A_64, %swap3A_65] {strides = array<i32>} : memref<64x128xf32, #tpu.memory_space<vmem>>, vector<1x16xf32>,
      %swap3A_67 = vector.shape_cast %swap3A_66 : vector<1x16xf32> to vector<16xf32>
      %swap3A_68 = vector.shape_cast %broadcast_in_dim3A_63 : vector<16xf32> to vector<1x16xf32>
      tpu.vector_store %arg9[%swap3A_64, %swap3A_65], %swap3A_68 {strides = array<i32>} : memref<64x128xf32, #tpu.memory_space<vmem>>, vector<1x16xf32>,
      %broadcast_in_dim3A_69 = arith.constant 0.000000e+00 : f32
      %broadcast_in_dim3A_70 = vector.broadcast %broadcast_in_dim3A_69 : f32 to vector<16xf32>
      %swap3A_71 = arith.index_cast %scan3A_21 : i32 to index
      %swap3A_72 = arith.constant 112 : index
      %swap3A_73 = tpu.vector_load %arg9[%swap3A_71, %swap3A_72] {strides = array<i32>} : memref<64x128xf32, #tpu.memory_space<vmem>>, vector<1x16xf32>,
      %swap3A_74 = vector.shape_cast %swap3A_73 : vector<1x16xf32> to vector<16xf32>
      %swap3A_75 = vector.shape_cast %broadcast_in_dim3A_70 : vector<16xf32> to vector<1x16xf32>
      tpu.vector_store %arg9[%swap3A_71, %swap3A_72], %swap3A_75 {strides = array<i32>} : memref<64x128xf32, #tpu.memory_space<vmem>>, vector<1x16xf32>,
    }
    %scan3A_5 = arith.constant 64 : i32
    %scan3A_6 = arith.constant 0 : i32
    %scan3A_7 = arith.constant 0 : i32
    %scan3A_8 = arith.constant 10 : i32
    %scan3A_9 = arith.addi %scan3A_7, %scan3A_8 : i32
    %scan3A_10 = arith.constant 1 : i32
    scf.for %scan3A_21 = %scan3A_7 to %scan3A_9 step %scan3A_10  : i32 {
      %mul3A_22 = arith.constant 640 : i32
      %mul3A_23 = arith.muli %arg1, %mul3A_22 : i32
      %mul3A_24 = arith.constant 64 : i32
      %mul3A_25 = arith.muli %scan3A_21, %mul3A_24 : i32
      %add3A_26 = arith.addi %mul3A_23, %mul3A_25 : i32
      "tpu.region"() ({
        %run_scoped3A = tpu.sem_alloc : memref<!tpu.dma_semaphore, #tpu.memory_space<semaphore_mem>>
        %dma_start3A = arith.constant 0 : i32
        %dma_start3A_27 = tpu.memref_slice %arg10[%add3A_26, %dma_start3A] : memref<10240x128xf32, #tpu.memory_space<vmem_shared>> -> memref<64x128xf32, #tpu.memory_space<vmem_shared>>
        %dma_start3A_28 = arith.constant 0 : i32
        %dma_start3A_29 = tpu.memref_slice %arg10[%add3A_26, %dma_start3A_28] : memref<10240x128xf32, #tpu.memory_space<vmem_shared>> -> memref<64x128xf32, #tpu.memory_space<vmem_shared>>
        tpu.enqueue_dma source(%arg9 : memref<64x128xf32, #tpu.memory_space<vmem>>) target(%dma_start3A_29 : memref<64x128xf32, #tpu.memory_space<vmem_shared>>) target_semaphore(%run_scoped3A : memref<!tpu.dma_semaphore, #tpu.memory_space<semaphore_mem>>)
        %dma_wait3A = arith.constant 0 : i32
        %dma_wait3A_30 = tpu.memref_slice %arg10[%add3A_26, %dma_wait3A] : memref<10240x128xf32, #tpu.memory_space<vmem_shared>> -> memref<64x128xf32, #tpu.memory_space<vmem_shared>>
        %dma_wait3A_31 = arith.constant 0 : i32
        %dma_wait3A_32 = tpu.memref_slice %arg10[%add3A_26, %dma_wait3A_31] : memref<10240x128xf32, #tpu.memory_space<vmem_shared>> -> memref<64x128xf32, #tpu.memory_space<vmem_shared>>
        tpu.wait_dma2 semaphore(%run_scoped3A : memref<!tpu.dma_semaphore, #tpu.memory_space<semaphore_mem>>) src(%arg9 : memref<64x128xf32, #tpu.memory_space<vmem>>) dst(%dma_wait3A_32 : memref<64x128xf32, #tpu.memory_space<vmem_shared>>)
        tpu.yield
      }) : () -> ()
    }
    %scan3A_11 = arith.constant 10 : i32
    %barrier3A = arith.constant 0 : index
    tpu.barrier barrier_id(%barrier3A)
    "tpu.region"() ({
      %run_scoped3A = tpu.sem_alloc : memref<!tpu.dma_semaphore, #tpu.memory_space<semaphore_mem>>
      %dma_start3A = arith.constant 0 : i32
      %dma_start3A_21 = arith.constant 0 : i32
      %dma_start3A_22 = tpu.memref_slice %arg3[%add3A, %dma_start3A, %dma_start3A_21] : memref<32x80x128xi32, #tpu.memory_space<hbm>> -> memref<1x80x128xi32, #tpu.memory_space<hbm>>
      %dma_start3A_23 = tpu.memref_squeeze %dma_start3A_22 : memref<1x80x128xi32, #tpu.memory_space<hbm>> -> memref<80x128xi32, #tpu.memory_space<hbm>>
      %dma_start3A_24 = arith.constant 0 : i32
      %dma_start3A_25 = arith.constant 0 : i32
      %dma_start3A_26 = tpu.memref_slice %arg3[%add3A, %dma_start3A_24, %dma_start3A_25] : memref<32x80x128xi32, #tpu.memory_space<hbm>> -> memref<1x80x128xi32, #tpu.memory_space<hbm>>
      %dma_start3A_27 = tpu.memref_squeeze %dma_start3A_26 : memref<1x80x128xi32, #tpu.memory_space<hbm>> -> memref<80x128xi32, #tpu.memory_space<hbm>>
      tpu.enqueue_dma source(%dma_start3A_27 : memref<80x128xi32, #tpu.memory_space<hbm>>) target(%arg6 : memref<80x128xi32, #tpu.memory_space<vmem>>) target_semaphore(%run_scoped3A : memref<!tpu.dma_semaphore, #tpu.memory_space<semaphore_mem>>)
      %dma_wait3A = arith.constant 0 : i32
      %dma_wait3A_28 = arith.constant 0 : i32
      %dma_wait3A_29 = tpu.memref_slice %arg3[%add3A, %dma_wait3A, %dma_wait3A_28] : memref<32x80x128xi32, #tpu.memory_space<hbm>> -> memref<1x80x128xi32, #tpu.memory_space<hbm>>
      %dma_wait3A_30 = tpu.memref_squeeze %dma_wait3A_29 : memref<1x80x128xi32, #tpu.memory_space<hbm>> -> memref<80x128xi32, #tpu.memory_space<hbm>>
      %dma_wait3A_31 = arith.constant 0 : i32
      %dma_wait3A_32 = arith.constant 0 : i32
      %dma_wait3A_33 = tpu.memref_slice %arg3[%add3A, %dma_wait3A_31, %dma_wait3A_32] : memref<32x80x128xi32, #tpu.memory_space<hbm>> -> memref<1x80x128xi32, #tpu.memory_space<hbm>>
      %dma_wait3A_34 = tpu.memref_squeeze %dma_wait3A_33 : memref<1x80x128xi32, #tpu.memory_space<hbm>> -> memref<80x128xi32, #tpu.memory_space<hbm>>
      tpu.wait_dma2 semaphore(%run_scoped3A : memref<!tpu.dma_semaphore, #tpu.memory_space<semaphore_mem>>) src(%dma_wait3A_34 : memref<80x128xi32, #tpu.memory_space<hbm>>) dst(%arg6 : memref<80x128xi32, #tpu.memory_space<vmem>>)
      tpu.yield
    }) : () -> ()
    "tpu.region"() ({
      %run_scoped3A = tpu.sem_alloc : memref<!tpu.dma_semaphore, #tpu.memory_space<semaphore_mem>>
      %dma_start3A = arith.constant 0 : i32
      %dma_start3A_21 = arith.constant 0 : i32
      %dma_start3A_22 = tpu.memref_slice %arg4[%add3A, %dma_start3A, %dma_start3A_21] : memref<32x80x128xi32, #tpu.memory_space<hbm>> -> memref<1x80x128xi32, #tpu.memory_space<hbm>>
      %dma_start3A_23 = tpu.memref_squeeze %dma_start3A_22 : memref<1x80x128xi32, #tpu.memory_space<hbm>> -> memref<80x128xi32, #tpu.memory_space<hbm>>
      %dma_start3A_24 = arith.constant 0 : i32
      %dma_start3A_25 = arith.constant 0 : i32
      %dma_start3A_26 = tpu.memref_slice %arg4[%add3A, %dma_start3A_24, %dma_start3A_25] : memref<32x80x128xi32, #tpu.memory_space<hbm>> -> memref<1x80x128xi32, #tpu.memory_space<hbm>>
      %dma_start3A_27 = tpu.memref_squeeze %dma_start3A_26 : memref<1x80x128xi32, #tpu.memory_space<hbm>> -> memref<80x128xi32, #tpu.memory_space<hbm>>
      tpu.enqueue_dma source(%dma_start3A_27 : memref<80x128xi32, #tpu.memory_space<hbm>>) target(%arg7 : memref<80x128xi32, #tpu.memory_space<vmem>>) target_semaphore(%run_scoped3A : memref<!tpu.dma_semaphore, #tpu.memory_space<semaphore_mem>>)
      %dma_wait3A = arith.constant 0 : i32
      %dma_wait3A_28 = arith.constant 0 : i32
      %dma_wait3A_29 = tpu.memref_slice %arg4[%add3A, %dma_wait3A, %dma_wait3A_28] : memref<32x80x128xi32, #tpu.memory_space<hbm>> -> memref<1x80x128xi32, #tpu.memory_space<hbm>>
      %dma_wait3A_30 = tpu.memref_squeeze %dma_wait3A_29 : memref<1x80x128xi32, #tpu.memory_space<hbm>> -> memref<80x128xi32, #tpu.memory_space<hbm>>
      %dma_wait3A_31 = arith.constant 0 : i32
      %dma_wait3A_32 = arith.constant 0 : i32
      %dma_wait3A_33 = tpu.memref_slice %arg4[%add3A, %dma_wait3A_31, %dma_wait3A_32] : memref<32x80x128xi32, #tpu.memory_space<hbm>> -> memref<1x80x128xi32, #tpu.memory_space<hbm>>
      %dma_wait3A_34 = tpu.memref_squeeze %dma_wait3A_33 : memref<1x80x128xi32, #tpu.memory_space<hbm>> -> memref<80x128xi32, #tpu.memory_space<hbm>>
      tpu.wait_dma2 semaphore(%run_scoped3A : memref<!tpu.dma_semaphore, #tpu.memory_space<semaphore_mem>>) src(%dma_wait3A_34 : memref<80x128xi32, #tpu.memory_space<hbm>>) dst(%arg7 : memref<80x128xi32, #tpu.memory_space<vmem>>)
      tpu.yield
    }) : () -> ()
    %scan3A_12 = arith.constant 0 : i32
    %scan3A_13 = arith.constant 0 : i32
    %scan3A_14 = arith.constant 80 : i32
    %scan3A_15 = arith.addi %scan3A_13, %scan3A_14 : i32
    %scan3A_16 = arith.constant 1 : i32
    scf.for %scan3A_21 = %scan3A_13 to %scan3A_15 step %scan3A_16  : i32 {
      %dma_start3A = arith.constant 0 : i32
      %dma_start3A_22 = tpu.memref_slice %arg6[%scan3A_21, %dma_start3A] : memref<80x128xi32, #tpu.memory_space<vmem>> -> memref<1x128xi32, #tpu.memory_space<vmem>>
      %dma_start3A_23 = tpu.memref_squeeze %dma_start3A_22 : memref<1x128xi32, #tpu.memory_space<vmem>> -> memref<128xi32, #tpu.memory_space<vmem>>
      %dma_start3A_24 = arith.constant 0 : i32
      %dma_start3A_25 = arith.constant 0 : i32
      %dma_start3A_26 = tpu.memref_slice %arg2[%dma_start3A_24, %dma_start3A_25] : memref<10240x128xf32, #tpu.memory_space<hbm>> -> memref<10240x128xf32, #tpu.memory_space<hbm>>
      tpu.enqueue_indirect_dma source(%dma_start3A_26 : memref<10240x128xf32, #tpu.memory_space<hbm>>) target(%arg8 : memref<128x128xf32, #tpu.memory_space<vmem>>) offsets(%dma_start3A_23 : memref<128xi32, #tpu.memory_space<vmem>>) semaphore(%arg11 : memref<!tpu.dma_semaphore, #tpu.memory_space<semaphore_mem>>)
      %dma_wait3A = arith.constant 0 : i32
      %dma_wait3A_27 = tpu.memref_slice %arg6[%scan3A_21, %dma_wait3A] : memref<80x128xi32, #tpu.memory_space<vmem>> -> memref<1x128xi32, #tpu.memory_space<vmem>>
      %dma_wait3A_28 = tpu.memref_squeeze %dma_wait3A_27 : memref<1x128xi32, #tpu.memory_space<vmem>> -> memref<128xi32, #tpu.memory_space<vmem>>
      %dma_wait3A_29 = arith.constant 0 : i32
      %dma_wait3A_30 = arith.constant 0 : i32
      %dma_wait3A_31 = tpu.memref_slice %arg2[%dma_wait3A_29, %dma_wait3A_30] : memref<10240x128xf32, #tpu.memory_space<hbm>> -> memref<10240x128xf32, #tpu.memory_space<hbm>>
      tpu.wait_indirect_dma semaphore(%arg11 : memref<!tpu.dma_semaphore, #tpu.memory_space<semaphore_mem>>) src(%dma_wait3A_31 : memref<10240x128xf32, #tpu.memory_space<hbm>>) dst(%arg8 : memref<128x128xf32, #tpu.memory_space<vmem>>)
      "tpu.region"() ({
        %run_scoped3A = tpu.sem_alloc : memref<!tpu.dma_semaphore, #tpu.memory_space<semaphore_mem>>
        %dma_start3A_32 = arith.constant 0 : i32
        %dma_start3A_33 = tpu.memref_slice %arg7[%scan3A_21, %dma_start3A_32] : memref<80x128xi32, #tpu.memory_space<vmem>> -> memref<1x128xi32, #tpu.memory_space<vmem>>
        %dma_start3A_34 = tpu.memref_squeeze %dma_start3A_33 : memref<1x128xi32, #tpu.memory_space<vmem>> -> memref<128xi32, #tpu.memory_space<vmem>>
        %dma_start3A_35 = arith.constant 0 : i32
        %dma_start3A_36 = arith.constant 0 : i32
        %dma_start3A_37 = tpu.memref_slice %arg10[%dma_start3A_35, %dma_start3A_36] : memref<10240x128xf32, #tpu.memory_space<vmem_shared>> -> memref<10240x128xf32, #tpu.memory_space<vmem_shared>>
        tpu.enqueue_indirect_dma source(%arg8 : memref<128x128xf32, #tpu.memory_space<vmem>>) target(%dma_start3A_37 : memref<10240x128xf32, #tpu.memory_space<vmem_shared>>) offsets(%dma_start3A_34 : memref<128xi32, #tpu.memory_space<vmem>>) semaphore(%run_scoped3A : memref<!tpu.dma_semaphore, #tpu.memory_space<semaphore_mem>>) {add = true}
        %dma_wait3A_38 = arith.constant 0 : i32
        %dma_wait3A_39 = tpu.memref_slice %arg7[%scan3A_21, %dma_wait3A_38] : memref<80x128xi32, #tpu.memory_space<vmem>> -> memref<1x128xi32, #tpu.memory_space<vmem>>
        %dma_wait3A_40 = tpu.memref_squeeze %dma_wait3A_39 : memref<1x128xi32, #tpu.memory_space<vmem>> -> memref<128xi32, #tpu.memory_space<vmem>>
        %dma_wait3A_41 = arith.constant 0 : i32
        %dma_wait3A_42 = arith.constant 0 : i32
        %dma_wait3A_43 = tpu.memref_slice %arg10[%dma_wait3A_41, %dma_wait3A_42] : memref<10240x128xf32, #tpu.memory_space<vmem_shared>> -> memref<10240x128xf32, #tpu.memory_space<vmem_shared>>
        tpu.wait_indirect_dma semaphore(%run_scoped3A : memref<!tpu.dma_semaphore, #tpu.memory_space<semaphore_mem>>) src(%arg8 : memref<128x128xf32, #tpu.memory_space<vmem>>) dst(%dma_wait3A_43 : memref<10240x128xf32, #tpu.memory_space<vmem_shared>>)
        tpu.yield
      }) : () -> ()
    }
    %scan3A_17 = arith.constant 80 : i32
    %barrier3A_18 = arith.constant 0 : index
    tpu.barrier barrier_id(%barrier3A_18)
    %mul3A_19 = arith.constant 640 : i32
    %mul3A_20 = arith.muli %arg1, %mul3A_19 : i32
    "tpu.region"() ({
      %run_scoped3A = tpu.sem_alloc : memref<!tpu.dma_semaphore, #tpu.memory_space<semaphore_mem>>
      %dma_start3A = arith.constant 0 : i32
      %dma_start3A_21 = tpu.memref_slice %arg5[%arg0, %mul3A_20, %dma_start3A] : memref<2x10240x128xf32, #tpu.memory_space<hbm>> -> memref<1x640x128xf32, #tpu.memory_space<hbm>>
      %dma_start3A_22 = tpu.memref_squeeze %dma_start3A_21 : memref<1x640x128xf32, #tpu.memory_space<hbm>> -> memref<640x128xf32, #tpu.memory_space<hbm>>
      %dma_start3A_23 = arith.constant 0 : i32
      %dma_start3A_24 = tpu.memref_slice %arg10[%mul3A_20, %dma_start3A_23] : memref<10240x128xf32, #tpu.memory_space<vmem_shared>> -> memref<640x128xf32, #tpu.memory_space<vmem_shared>>
      tpu.enqueue_dma source(%dma_start3A_24 : memref<640x128xf32, #tpu.memory_space<vmem_shared>>) target(%dma_start3A_22 : memref<640x128xf32, #tpu.memory_space<hbm>>) target_semaphore(%run_scoped3A : memref<!tpu.dma_semaphore, #tpu.memory_space<semaphore_mem>>)
      %dma_wait3A = arith.constant 0 : i32
      %dma_wait3A_25 = tpu.memref_slice %arg5[%arg0, %mul3A_20, %dma_wait3A] : memref<2x10240x128xf32, #tpu.memory_space<hbm>> -> memref<1x640x128xf32, #tpu.memory_space<hbm>>
      %dma_wait3A_26 = tpu.memref_squeeze %dma_wait3A_25 : memref<1x640x128xf32, #tpu.memory_space<hbm>> -> memref<640x128xf32, #tpu.memory_space<hbm>>
      %dma_wait3A_27 = arith.constant 0 : i32
      %dma_wait3A_28 = tpu.memref_slice %arg10[%mul3A_20, %dma_wait3A_27] : memref<10240x128xf32, #tpu.memory_space<vmem_shared>> -> memref<640x128xf32, #tpu.memory_space<vmem_shared>>
      tpu.wait_dma2 semaphore(%run_scoped3A : memref<!tpu.dma_semaphore, #tpu.memory_space<semaphore_mem>>) src(%dma_wait3A_28 : memref<640x128xf32, #tpu.memory_space<vmem_shared>>) dst(%dma_wait3A_26 : memref<640x128xf32, #tpu.memory_space<hbm>>)
      tpu.yield
    }) : () -> ()
    return
  }
}

#map = affine_map<(d0, d1) -> (0, 0)>
#map1 = affine_map<(d0, d1) -> (0, 0, 0)>
module attributes {stable_mosaic.version = 14 : i64} {
  func.func @k(%arg0: i32, %arg1: i32, %arg2: memref<10240x128xf32, #tpu.memory_space<hbm>>, %arg3: memref<32x80x128xi32, #tpu.memory_space<hbm>>, %arg4: memref<32x80x128xi32, #tpu.memory_space<hbm>>, %arg5: memref<2x10240x128xf32, #tpu.memory_space<hbm>>, %arg6: memref<80x128xi32, #tpu.memory_space<vmem>>, %arg7: memref<80x128xi32, #tpu.memory_space<vmem>>, %arg8: memref<128x128xf32, #tpu.memory_space<vmem>>, %arg9: memref<64x128xf32, #tpu.memory_space<vmem>>, %arg10: memref<10240x128xf32, #tpu.memory_space<vmem_shared>>, %arg11: memref<!tpu.dma_semaphore, #tpu.memory_space<semaphore_mem>>) attributes {dimension_semantics = [#tpu.dimension_semantics<core_parallel>, #tpu.dimension_semantics<subcore_parallel>], iteration_bounds = array<i64: 2, 16>, scalar_prefetch = 0 : i64, scratch_operands = 6 : i64, tpu.core_type = #tpu.core_type<sc_vector_subcore>, window_params = [{transform_indices = #map}, {transform_indices = #map1}, {transform_indices = #map1}, {transform_indices = #map1}]} {
    %mul3A = arith.constant 16 : i32
    %mul3A_0 = arith.muli %arg0, %mul3A : i32
    %add3A = arith.addi %mul3A_0, %arg1 : i32
    %scan3A = arith.constant 0 : i32
    %scan3A_1 = arith.constant 0 : i32
    %scan3A_2 = arith.constant 64 : i32
    %scan3A_3 = arith.addi %scan3A_1, %scan3A_2 : i32
    %scan3A_4 = arith.constant 1 : i32
    scf.for %scan3A_21 = %scan3A_1 to %scan3A_3 step %scan3A_4  : i32 {
      %broadcast_in_dim3A = arith.constant 0.000000e+00 : f32
      %broadcast_in_dim3A_22 = vector.broadcast %broadcast_in_dim3A : f32 to vector<16xf32>
      %swap3A = arith.index_cast %scan3A_21 : i32 to index
      %swap3A_23 = arith.constant 0 : index
      %swap3A_24 = tpu.vector_load %arg9[%swap3A, %swap3A_23] {strides = array<i32>} : memref<64x128xf32, #tpu.memory_space<vmem>>, vector<1x16xf32>,
      %swap3A_25 = vector.shape_cast %swap3A_24 : vector<1x16xf32> to vector<16xf32>
      %swap3A_26 = vector.shape_cast %broadcast_in_dim3A_22 : vector<16xf32> to vector<1x16xf32>
      tpu.vector_store %arg9[%swap3A, %swap3A_23], %swap3A_26 {strides = array<i32>} : memref<64x128xf32, #tpu.memory_space<vmem>>, vector<1x16xf32>,
      %broadcast_in_dim3A_27 = arith.constant 0.000000e+00 : f32
      %broadcast_in_dim3A_28 = vector.broadcast %broadcast_in_dim3A_27 : f32 to vector<16xf32>
      %swap3A_29 = arith.index_cast %scan3A_21 : i32 to index
      %swap3A_30 = arith.constant 16 : index
      %swap3A_31 = tpu.vector_load %arg9[%swap3A_29, %swap3A_30] {strides = array<i32>} : memref<64x128xf32, #tpu.memory_space<vmem>>, vector<1x16xf32>,
      %swap3A_32 = vector.shape_cast %swap3A_31 : vector<1x16xf32> to vector<16xf32>
      %swap3A_33 = vector.shape_cast %broadcast_in_dim3A_28 : vector<16xf32> to vector<1x16xf32>
      tpu.vector_store %arg9[%swap3A_29, %swap3A_30], %swap3A_33 {strides = array<i32>} : memref<64x128xf32, #tpu.memory_space<vmem>>, vector<1x16xf32>,
      %broadcast_in_dim3A_34 = arith.constant 0.000000e+00 : f32
      %broadcast_in_dim3A_35 = vector.broadcast %broadcast_in_dim3A_34 : f32 to vector<16xf32>
      %swap3A_36 = arith.index_cast %scan3A_21 : i32 to index
      %swap3A_37 = arith.constant 32 : index
      %swap3A_38 = tpu.vector_load %arg9[%swap3A_36, %swap3A_37] {strides = array<i32>} : memref<64x128xf32, #tpu.memory_space<vmem>>, vector<1x16xf32>,
      %swap3A_39 = vector.shape_cast %swap3A_38 : vector<1x16xf32> to vector<16xf32>
      %swap3A_40 = vector.shape_cast %broadcast_in_dim3A_35 : vector<16xf32> to vector<1x16xf32>
      tpu.vector_store %arg9[%swap3A_36, %swap3A_37], %swap3A_40 {strides = array<i32>} : memref<64x128xf32, #tpu.memory_space<vmem>>, vector<1x16xf32>,
      %broadcast_in_dim3A_41 = arith.constant 0.000000e+00 : f32
      %broadcast_in_dim3A_42 = vector.broadcast %broadcast_in_dim3A_41 : f32 to vector<16xf32>
      %swap3A_43 = arith.index_cast %scan3A_21 : i32 to index
      %swap3A_44 = arith.constant 48 : index
      %swap3A_45 = tpu.vector_load %arg9[%swap3A_43, %swap3A_44] {strides = array<i32>} : memref<64x128xf32, #tpu.memory_space<vmem>>, vector<1x16xf32>,
      %swap3A_46 = vector.shape_cast %swap3A_45 : vector<1x16xf32> to vector<16xf32>
      %swap3A_47 = vector.shape_cast %broadcast_in_dim3A_42 : vector<16xf32> to vector<1x16xf32>
      tpu.vector_store %arg9[%swap3A_43, %swap3A_44], %swap3A_47 {strides = array<i32>} : memref<64x128xf32, #tpu.memory_space<vmem>>, vector<1x16xf32>,
      %broadcast_in_dim3A_48 = arith.constant 0.000000e+00 : f32
      %broadcast_in_dim3A_49 = vector.broadcast %broadcast_in_dim3A_48 : f32 to vector<16xf32>
      %swap3A_50 = arith.index_cast %scan3A_21 : i32 to index
      %swap3A_51 = arith.constant 64 : index
      %swap3A_52 = tpu.vector_load %arg9[%swap3A_50, %swap3A_51] {strides = array<i32>} : memref<64x128xf32, #tpu.memory_space<vmem>>, vector<1x16xf32>,
      %swap3A_53 = vector.shape_cast %swap3A_52 : vector<1x16xf32> to vector<16xf32>
      %swap3A_54 = vector.shape_cast %broadcast_in_dim3A_49 : vector<16xf32> to vector<1x16xf32>
      tpu.vector_store %arg9[%swap3A_50, %swap3A_51], %swap3A_54 {strides = array<i32>} : memref<64x128xf32, #tpu.memory_space<vmem>>, vector<1x16xf32>,
      %broadcast_in_dim3A_55 = arith.constant 0.000000e+00 : f32
      %broadcast_in_dim3A_56 = vector.broadcast %broadcast_in_dim3A_55 : f32 to vector<16xf32>
      %swap3A_57 = arith.index_cast %scan3A_21 : i32 to index
      %swap3A_58 = arith.constant 80 : index
      %swap3A_59 = tpu.vector_load %arg9[%swap3A_57, %swap3A_58] {strides = array<i32>} : memref<64x128xf32, #tpu.memory_space<vmem>>, vector<1x16xf32>,
      %swap3A_60 = vector.shape_cast %swap3A_59 : vector<1x16xf32> to vector<16xf32>
      %swap3A_61 = vector.shape_cast %broadcast_in_dim3A_56 : vector<16xf32> to vector<1x16xf32>
      tpu.vector_store %arg9[%swap3A_57, %swap3A_58], %swap3A_61 {strides = array<i32>} : memref<64x128xf32, #tpu.memory_space<vmem>>, vector<1x16xf32>,
      %broadcast_in_dim3A_62 = arith.constant 0.000000e+00 : f32
      %broadcast_in_dim3A_63 = vector.broadcast %broadcast_in_dim3A_62 : f32 to vector<16xf32>
      %swap3A_64 = arith.index_cast %scan3A_21 : i32 to index
      %swap3A_65 = arith.constant 96 : index
      %swap3A_66 = tpu.vector_load %arg9[%swap3A_64, %swap3A_65] {strides = array<i32>} : memref<64x128xf32, #tpu.memory_space<vmem>>, vector<1x16xf32>,
      %swap3A_67 = vector.shape_cast %swap3A_66 : vector<1x16xf32> to vector<16xf32>
      %swap3A_68 = vector.shape_cast %broadcast_in_dim3A_63 : vector<16xf32> to vector<1x16xf32>
      tpu.vector_store %arg9[%swap3A_64, %swap3A_65], %swap3A_68 {strides = array<i32>} : memref<64x128xf32, #tpu.memory_space<vmem>>, vector<1x16xf32>,
      %broadcast_in_dim3A_69 = arith.constant 0.000000e+00 : f32
      %broadcast_in_dim3A_70 = vector.broadcast %broadcast_in_dim3A_69 : f32 to vector<16xf32>
      %swap3A_71 = arith.index_cast %scan3A_21 : i32 to index
      %swap3A_72 = arith.constant 112 : index
      %swap3A_73 = tpu.vector_load %arg9[%swap3A_71, %swap3A_72] {strides = array<i32>} : memref<64x128xf32, #tpu.memory_space<vmem>>, vector<1x16xf32>,
      %swap3A_74 = vector.shape_cast %swap3A_73 : vector<1x16xf32> to vector<16xf32>
      %swap3A_75 = vector.shape_cast %broadcast_in_dim3A_70 : vector<16xf32> to vector<1x16xf32>
      tpu.vector_store %arg9[%swap3A_71, %swap3A_72], %swap3A_75 {strides = array<i32>} : memref<64x128xf32, #tpu.memory_space<vmem>>, vector<1x16xf32>,
    }
    %scan3A_5 = arith.constant 64 : i32
    %scan3A_6 = arith.constant 0 : i32
    %scan3A_7 = arith.constant 0 : i32
    %scan3A_8 = arith.constant 10 : i32
    %scan3A_9 = arith.addi %scan3A_7, %scan3A_8 : i32
    %scan3A_10 = arith.constant 1 : i32
    scf.for %scan3A_21 = %scan3A_7 to %scan3A_9 step %scan3A_10  : i32 {
      %mul3A_22 = arith.constant 640 : i32
      %mul3A_23 = arith.muli %arg1, %mul3A_22 : i32
      %mul3A_24 = arith.constant 64 : i32
      %mul3A_25 = arith.muli %scan3A_21, %mul3A_24 : i32
      %add3A_26 = arith.addi %mul3A_23, %mul3A_25 : i32
      "tpu.region"() ({
        %run_scoped3A = tpu.sem_alloc : memref<!tpu.dma_semaphore, #tpu.memory_space<semaphore_mem>>
        %dma_start3A = arith.constant 0 : i32
        %dma_start3A_27 = tpu.memref_slice %arg10[%add3A_26, %dma_start3A] : memref<10240x128xf32, #tpu.memory_space<vmem_shared>> -> memref<64x128xf32, #tpu.memory_space<vmem_shared>>
        %dma_start3A_28 = arith.constant 0 : i32
        %dma_start3A_29 = tpu.memref_slice %arg10[%add3A_26, %dma_start3A_28] : memref<10240x128xf32, #tpu.memory_space<vmem_shared>> -> memref<64x128xf32, #tpu.memory_space<vmem_shared>>
        tpu.enqueue_dma source(%arg9 : memref<64x128xf32, #tpu.memory_space<vmem>>) target(%dma_start3A_29 : memref<64x128xf32, #tpu.memory_space<vmem_shared>>) target_semaphore(%run_scoped3A : memref<!tpu.dma_semaphore, #tpu.memory_space<semaphore_mem>>)
        %dma_wait3A = arith.constant 0 : i32
        %dma_wait3A_30 = tpu.memref_slice %arg10[%add3A_26, %dma_wait3A] : memref<10240x128xf32, #tpu.memory_space<vmem_shared>> -> memref<64x128xf32, #tpu.memory_space<vmem_shared>>
        %dma_wait3A_31 = arith.constant 0 : i32
        %dma_wait3A_32 = tpu.memref_slice %arg10[%add3A_26, %dma_wait3A_31] : memref<10240x128xf32, #tpu.memory_space<vmem_shared>> -> memref<64x128xf32, #tpu.memory_space<vmem_shared>>
        tpu.wait_dma2 semaphore(%run_scoped3A : memref<!tpu.dma_semaphore, #tpu.memory_space<semaphore_mem>>) src(%arg9 : memref<64x128xf32, #tpu.memory_space<vmem>>) dst(%dma_wait3A_32 : memref<64x128xf32, #tpu.memory_space<vmem_shared>>)
        tpu.yield
      }) : () -> ()
    }
    %scan3A_11 = arith.constant 10 : i32
    %barrier3A = arith.constant 0 : index
    tpu.barrier barrier_id(%barrier3A)
    "tpu.region"() ({
      %run_scoped3A = tpu.sem_alloc : memref<!tpu.dma_semaphore, #tpu.memory_space<semaphore_mem>>
      %dma_start3A = arith.constant 0 : i32
      %dma_start3A_21 = arith.constant 0 : i32
      %dma_start3A_22 = tpu.memref_slice %arg3[%add3A, %dma_start3A, %dma_start3A_21] : memref<32x80x128xi32, #tpu.memory_space<hbm>> -> memref<1x80x128xi32, #tpu.memory_space<hbm>>
      %dma_start3A_23 = tpu.memref_squeeze %dma_start3A_22 : memref<1x80x128xi32, #tpu.memory_space<hbm>> -> memref<80x128xi32, #tpu.memory_space<hbm>>
      %dma_start3A_24 = arith.constant 0 : i32
      %dma_start3A_25 = arith.constant 0 : i32
      %dma_start3A_26 = tpu.memref_slice %arg3[%add3A, %dma_start3A_24, %dma_start3A_25] : memref<32x80x128xi32, #tpu.memory_space<hbm>> -> memref<1x80x128xi32, #tpu.memory_space<hbm>>
      %dma_start3A_27 = tpu.memref_squeeze %dma_start3A_26 : memref<1x80x128xi32, #tpu.memory_space<hbm>> -> memref<80x128xi32, #tpu.memory_space<hbm>>
      tpu.enqueue_dma source(%dma_start3A_27 : memref<80x128xi32, #tpu.memory_space<hbm>>) target(%arg6 : memref<80x128xi32, #tpu.memory_space<vmem>>) target_semaphore(%run_scoped3A : memref<!tpu.dma_semaphore, #tpu.memory_space<semaphore_mem>>)
      %dma_wait3A = arith.constant 0 : i32
      %dma_wait3A_28 = arith.constant 0 : i32
      %dma_wait3A_29 = tpu.memref_slice %arg3[%add3A, %dma_wait3A, %dma_wait3A_28] : memref<32x80x128xi32, #tpu.memory_space<hbm>> -> memref<1x80x128xi32, #tpu.memory_space<hbm>>
      %dma_wait3A_30 = tpu.memref_squeeze %dma_wait3A_29 : memref<1x80x128xi32, #tpu.memory_space<hbm>> -> memref<80x128xi32, #tpu.memory_space<hbm>>
      %dma_wait3A_31 = arith.constant 0 : i32
      %dma_wait3A_32 = arith.constant 0 : i32
      %dma_wait3A_33 = tpu.memref_slice %arg3[%add3A, %dma_wait3A_31, %dma_wait3A_32] : memref<32x80x128xi32, #tpu.memory_space<hbm>> -> memref<1x80x128xi32, #tpu.memory_space<hbm>>
      %dma_wait3A_34 = tpu.memref_squeeze %dma_wait3A_33 : memref<1x80x128xi32, #tpu.memory_space<hbm>> -> memref<80x128xi32, #tpu.memory_space<hbm>>
      tpu.wait_dma2 semaphore(%run_scoped3A : memref<!tpu.dma_semaphore, #tpu.memory_space<semaphore_mem>>) src(%dma_wait3A_34 : memref<80x128xi32, #tpu.memory_space<hbm>>) dst(%arg6 : memref<80x128xi32, #tpu.memory_space<vmem>>)
      tpu.yield
    }) : () -> ()
    "tpu.region"() ({
      %run_scoped3A = tpu.sem_alloc : memref<!tpu.dma_semaphore, #tpu.memory_space<semaphore_mem>>
      %dma_start3A = arith.constant 0 : i32
      %dma_start3A_21 = arith.constant 0 : i32
      %dma_start3A_22 = tpu.memref_slice %arg4[%add3A, %dma_start3A, %dma_start3A_21] : memref<32x80x128xi32, #tpu.memory_space<hbm>> -> memref<1x80x128xi32, #tpu.memory_space<hbm>>
      %dma_start3A_23 = tpu.memref_squeeze %dma_start3A_22 : memref<1x80x128xi32, #tpu.memory_space<hbm>> -> memref<80x128xi32, #tpu.memory_space<hbm>>
      %dma_start3A_24 = arith.constant 0 : i32
      %dma_start3A_25 = arith.constant 0 : i32
      %dma_start3A_26 = tpu.memref_slice %arg4[%add3A, %dma_start3A_24, %dma_start3A_25] : memref<32x80x128xi32, #tpu.memory_space<hbm>> -> memref<1x80x128xi32, #tpu.memory_space<hbm>>
      %dma_start3A_27 = tpu.memref_squeeze %dma_start3A_26 : memref<1x80x128xi32, #tpu.memory_space<hbm>> -> memref<80x128xi32, #tpu.memory_space<hbm>>
      tpu.enqueue_dma source(%dma_start3A_27 : memref<80x128xi32, #tpu.memory_space<hbm>>) target(%arg7 : memref<80x128xi32, #tpu.memory_space<vmem>>) target_semaphore(%run_scoped3A : memref<!tpu.dma_semaphore, #tpu.memory_space<semaphore_mem>>)
      %dma_wait3A = arith.constant 0 : i32
      %dma_wait3A_28 = arith.constant 0 : i32
      %dma_wait3A_29 = tpu.memref_slice %arg4[%add3A, %dma_wait3A, %dma_wait3A_28] : memref<32x80x128xi32, #tpu.memory_space<hbm>> -> memref<1x80x128xi32, #tpu.memory_space<hbm>>
      %dma_wait3A_30 = tpu.memref_squeeze %dma_wait3A_29 : memref<1x80x128xi32, #tpu.memory_space<hbm>> -> memref<80x128xi32, #tpu.memory_space<hbm>>
      %dma_wait3A_31 = arith.constant 0 : i32
      %dma_wait3A_32 = arith.constant 0 : i32
      %dma_wait3A_33 = tpu.memref_slice %arg4[%add3A, %dma_wait3A_31, %dma_wait3A_32] : memref<32x80x128xi32, #tpu.memory_space<hbm>> -> memref<1x80x128xi32, #tpu.memory_space<hbm>>
      %dma_wait3A_34 = tpu.memref_squeeze %dma_wait3A_33 : memref<1x80x128xi32, #tpu.memory_space<hbm>> -> memref<80x128xi32, #tpu.memory_space<hbm>>
      tpu.wait_dma2 semaphore(%run_scoped3A : memref<!tpu.dma_semaphore, #tpu.memory_space<semaphore_mem>>) src(%dma_wait3A_34 : memref<80x128xi32, #tpu.memory_space<hbm>>) dst(%arg7 : memref<80x128xi32, #tpu.memory_space<vmem>>)
      tpu.yield
    }) : () -> ()
    %scan3A_12 = arith.constant 0 : i32
    %scan3A_13 = arith.constant 0 : i32
    %scan3A_14 = arith.constant 80 : i32
    %scan3A_15 = arith.addi %scan3A_13, %scan3A_14 : i32
    %scan3A_16 = arith.constant 1 : i32
    scf.for %scan3A_21 = %scan3A_13 to %scan3A_15 step %scan3A_16  : i32 {
      %dma_start3A = arith.constant 0 : i32
      %dma_start3A_22 = tpu.memref_slice %arg6[%scan3A_21, %dma_start3A] : memref<80x128xi32, #tpu.memory_space<vmem>> -> memref<1x128xi32, #tpu.memory_space<vmem>>
      %dma_start3A_23 = tpu.memref_squeeze %dma_start3A_22 : memref<1x128xi32, #tpu.memory_space<vmem>> -> memref<128xi32, #tpu.memory_space<vmem>>
      %dma_start3A_24 = arith.constant 0 : i32
      %dma_start3A_25 = arith.constant 0 : i32
      %dma_start3A_26 = tpu.memref_slice %arg2[%dma_start3A_24, %dma_start3A_25] : memref<10240x128xf32, #tpu.memory_space<hbm>> -> memref<10240x128xf32, #tpu.memory_space<hbm>>
      tpu.enqueue_indirect_dma source(%dma_start3A_26 : memref<10240x128xf32, #tpu.memory_space<hbm>>) target(%arg8 : memref<128x128xf32, #tpu.memory_space<vmem>>) offsets(%dma_start3A_23 : memref<128xi32, #tpu.memory_space<vmem>>) semaphore(%arg11 : memref<!tpu.dma_semaphore, #tpu.memory_space<semaphore_mem>>)
      %dma_wait3A = arith.constant 0 : i32
      %dma_wait3A_27 = tpu.memref_slice %arg6[%scan3A_21, %dma_wait3A] : memref<80x128xi32, #tpu.memory_space<vmem>> -> memref<1x128xi32, #tpu.memory_space<vmem>>
      %dma_wait3A_28 = tpu.memref_squeeze %dma_wait3A_27 : memref<1x128xi32, #tpu.memory_space<vmem>> -> memref<128xi32, #tpu.memory_space<vmem>>
      %dma_wait3A_29 = arith.constant 0 : i32
      %dma_wait3A_30 = arith.constant 0 : i32
      %dma_wait3A_31 = tpu.memref_slice %arg2[%dma_wait3A_29, %dma_wait3A_30] : memref<10240x128xf32, #tpu.memory_space<hbm>> -> memref<10240x128xf32, #tpu.memory_space<hbm>>
      tpu.wait_indirect_dma semaphore(%arg11 : memref<!tpu.dma_semaphore, #tpu.memory_space<semaphore_mem>>) src(%dma_wait3A_31 : memref<10240x128xf32, #tpu.memory_space<hbm>>) dst(%arg8 : memref<128x128xf32, #tpu.memory_space<vmem>>)
      "tpu.region"() ({
        %run_scoped3A = tpu.sem_alloc : memref<!tpu.dma_semaphore, #tpu.memory_space<semaphore_mem>>
        %dma_start3A_32 = arith.constant 0 : i32
        %dma_start3A_33 = tpu.memref_slice %arg7[%scan3A_21, %dma_start3A_32] : memref<80x128xi32, #tpu.memory_space<vmem>> -> memref<1x128xi32, #tpu.memory_space<vmem>>
        %dma_start3A_34 = tpu.memref_squeeze %dma_start3A_33 : memref<1x128xi32, #tpu.memory_space<vmem>> -> memref<128xi32, #tpu.memory_space<vmem>>
        %dma_start3A_35 = arith.constant 0 : i32
        %dma_start3A_36 = arith.constant 0 : i32
        %dma_start3A_37 = tpu.memref_slice %arg10[%dma_start3A_35, %dma_start3A_36] : memref<10240x128xf32, #tpu.memory_space<vmem_shared>> -> memref<10240x128xf32, #tpu.memory_space<vmem_shared>>
        tpu.enqueue_indirect_dma source(%arg8 : memref<128x128xf32, #tpu.memory_space<vmem>>) target(%dma_start3A_37 : memref<10240x128xf32, #tpu.memory_space<vmem_shared>>) offsets(%dma_start3A_34 : memref<128xi32, #tpu.memory_space<vmem>>) semaphore(%run_scoped3A : memref<!tpu.dma_semaphore, #tpu.memory_space<semaphore_mem>>) {add = true}
        %dma_wait3A_38 = arith.constant 0 : i32
        %dma_wait3A_39 = tpu.memref_slice %arg7[%scan3A_21, %dma_wait3A_38] : memref<80x128xi32, #tpu.memory_space<vmem>> -> memref<1x128xi32, #tpu.memory_space<vmem>>
        %dma_wait3A_40 = tpu.memref_squeeze %dma_wait3A_39 : memref<1x128xi32, #tpu.memory_space<vmem>> -> memref<128xi32, #tpu.memory_space<vmem>>
        %dma_wait3A_41 = arith.constant 0 : i32
        %dma_wait3A_42 = arith.constant 0 : i32
        %dma_wait3A_43 = tpu.memref_slice %arg10[%dma_wait3A_41, %dma_wait3A_42] : memref<10240x128xf32, #tpu.memory_space<vmem_shared>> -> memref<10240x128xf32, #tpu.memory_space<vmem_shared>>
        tpu.wait_indirect_dma semaphore(%run_scoped3A : memref<!tpu.dma_semaphore, #tpu.memory_space<semaphore_mem>>) src(%arg8 : memref<128x128xf32, #tpu.memory_space<vmem>>) dst(%dma_wait3A_43 : memref<10240x128xf32, #tpu.memory_space<vmem_shared>>)
        tpu.yield
      }) : () -> ()
    }
    %scan3A_17 = arith.constant 80 : i32
    %barrier3A_18 = arith.constant 0 : index
    tpu.barrier barrier_id(%barrier3A_18)
    %mul3A_19 = arith.constant 640 : i32
    %mul3A_20 = arith.muli %arg1, %mul3A_19 : i32
    "tpu.region"() ({
      %run_scoped3A = tpu.sem_alloc : memref<!tpu.dma_semaphore, #tpu.memory_space<semaphore_mem>>
      %dma_start3A = arith.constant 0 : i32
      %dma_start3A_21 = tpu.memref_slice %arg5[%arg0, %mul3A_20, %dma_start3A] : memref<2x10240x128xf32, #tpu.memory_space<hbm>> -> memref<1x640x128xf32, #tpu.memory_space<hbm>>
      %dma_start3A_22 = tpu.memref_squeeze %dma_start3A_21 : memref<1x640x128xf32, #tpu.memory_space<hbm>> -> memref<640x128xf32, #tpu.memory_space<hbm>>
      %dma_start3A_23 = arith.constant 0 : i32
      %dma_start3A_24 = tpu.memref_slice %arg10[%mul3A_20, %dma_start3A_23] : memref<10240x128xf32, #tpu.memory_space<vmem_shared>> -> memref<640x128xf32, #tpu.memory_space<vmem_shared>>
      tpu.enqueue_dma source(%dma_start3A_24 : memref<640x128xf32, #tpu.memory_space<vmem_shared>>) target(%dma_start3A_22 : memref<640x128xf32, #tpu.memory_space<hbm>>) target_semaphore(%run_scoped3A : memref<!tpu.dma_semaphore, #tpu.memory_space<semaphore_mem>>)
      %dma_wait3A = arith.constant 0 : i32
      %dma_wait3A_25 = tpu.memref_slice %arg5[%arg0, %mul3A_20, %dma_wait3A] : memref<2x10240x128xf32, #tpu.memory_space<hbm>> -> memref<1x640x128xf32, #tpu.memory_space<hbm>>
      %dma_wait3A_26 = tpu.memref_squeeze %dma_wait3A_25 : memref<1x640x128xf32, #tpu.memory_space<hbm>> -> memref<640x128xf32, #tpu.memory_space<hbm>>
      %dma_wait3A_27 = arith.constant 0 : i32
      %dma_wait3A_28 = tpu.memref_slice %arg10[%mul3A_20, %dma_wait3A_27] : memref<10240x128xf32, #tpu.memory_space<vmem_shared>> -> memref<640x128xf32, #tpu.memory_space<vmem_shared>>
      tpu.wait_dma2 semaphore(%run_scoped3A : memref<!tpu.dma_semaphore, #tpu.memory_space<semaphore_mem>>) src(%dma_wait3A_28 : memref<640x128xf32, #tpu.memory_space<vmem_shared>>) dst(%dma_wait3A_26 : memref<640x128xf32, #tpu.memory_space<hbm>>)
      tpu.yield
    }) : () -> ()
    return
  }
}

#map = affine_map<(d0, d1) -> (0, 0)>
#map1 = affine_map<(d0, d1) -> (0, 0, 0)>
module attributes {stable_mosaic.version = 14 : i64} {
  func.func @k(%arg0: i32, %arg1: i32, %arg2: memref<10240x128xf32, #tpu.memory_space<hbm>>, %arg3: memref<80x128xi32, #tpu.memory_space<hbm>>, %arg4: memref<2x512x128xf32, #tpu.memory_space<hbm>>, %arg5: memref<2x512x128xf32, #tpu.memory_space<hbm>>, %arg6: memref<128x128xf32, #tpu.memory_space<vmem>>, %arg7: memref<1x128xi32, #tpu.memory_space<vmem>>, %arg8: memref<128x128xf32, #tpu.memory_space<vmem>>, %arg9: memref<33x128xf32, #tpu.memory_space<vmem>>, %arg10: memref<528x128xf32, #tpu.memory_space<vmem_shared>>, %arg11: memref<528x128xf32, #tpu.memory_space<vmem_shared>>) attributes {dimension_semantics = [#tpu.dimension_semantics<core_parallel>, #tpu.dimension_semantics<subcore_parallel>], iteration_bounds = array<i64: 2, 16>, scalar_prefetch = 0 : i64, scratch_operands = 6 : i64, tpu.core_type = #tpu.core_type<sc_vector_subcore>, window_params = [{transform_indices = #map}, {transform_indices = #map}, {transform_indices = #map1}, {transform_indices = #map1}]} {
    %mul3A = arith.constant 16 : i32
    %mul3A_0 = arith.muli %arg0, %mul3A : i32
    %add3A = arith.addi %mul3A_0, %arg1 : i32
    %scan3A = arith.constant 0 : i32
    %scan3A_1 = arith.constant 0 : i32
    %scan3A_2 = arith.constant 128 : i32
    %scan3A_3 = arith.addi %scan3A_1, %scan3A_2 : i32
    %scan3A_4 = arith.constant 1 : i32
    scf.for %scan3A_37 = %scan3A_1 to %scan3A_3 step %scan3A_4  : i32 {
      %broadcast_in_dim3A = arith.constant 1.000000e+00 : f32
      %broadcast_in_dim3A_38 = vector.broadcast %broadcast_in_dim3A : f32 to vector<16xf32>
      %swap3A = arith.index_cast %scan3A_37 : i32 to index
      %swap3A_39 = arith.constant 0 : index
      %swap3A_40 = tpu.vector_load %arg8[%swap3A, %swap3A_39] {strides = array<i32>} : memref<128x128xf32, #tpu.memory_space<vmem>>, vector<1x16xf32>,
      %swap3A_41 = vector.shape_cast %swap3A_40 : vector<1x16xf32> to vector<16xf32>
      %swap3A_42 = vector.shape_cast %broadcast_in_dim3A_38 : vector<16xf32> to vector<1x16xf32>
      tpu.vector_store %arg8[%swap3A, %swap3A_39], %swap3A_42 {strides = array<i32>} : memref<128x128xf32, #tpu.memory_space<vmem>>, vector<1x16xf32>,
      %broadcast_in_dim3A_43 = arith.constant 1.000000e+00 : f32
      %broadcast_in_dim3A_44 = vector.broadcast %broadcast_in_dim3A_43 : f32 to vector<16xf32>
      %swap3A_45 = arith.index_cast %scan3A_37 : i32 to index
      %swap3A_46 = arith.constant 16 : index
      %swap3A_47 = tpu.vector_load %arg8[%swap3A_45, %swap3A_46] {strides = array<i32>} : memref<128x128xf32, #tpu.memory_space<vmem>>, vector<1x16xf32>,
      %swap3A_48 = vector.shape_cast %swap3A_47 : vector<1x16xf32> to vector<16xf32>
      %swap3A_49 = vector.shape_cast %broadcast_in_dim3A_44 : vector<16xf32> to vector<1x16xf32>
      tpu.vector_store %arg8[%swap3A_45, %swap3A_46], %swap3A_49 {strides = array<i32>} : memref<128x128xf32, #tpu.memory_space<vmem>>, vector<1x16xf32>,
      %broadcast_in_dim3A_50 = arith.constant 1.000000e+00 : f32
      %broadcast_in_dim3A_51 = vector.broadcast %broadcast_in_dim3A_50 : f32 to vector<16xf32>
      %swap3A_52 = arith.index_cast %scan3A_37 : i32 to index
      %swap3A_53 = arith.constant 32 : index
      %swap3A_54 = tpu.vector_load %arg8[%swap3A_52, %swap3A_53] {strides = array<i32>} : memref<128x128xf32, #tpu.memory_space<vmem>>, vector<1x16xf32>,
      %swap3A_55 = vector.shape_cast %swap3A_54 : vector<1x16xf32> to vector<16xf32>
      %swap3A_56 = vector.shape_cast %broadcast_in_dim3A_51 : vector<16xf32> to vector<1x16xf32>
      tpu.vector_store %arg8[%swap3A_52, %swap3A_53], %swap3A_56 {strides = array<i32>} : memref<128x128xf32, #tpu.memory_space<vmem>>, vector<1x16xf32>,
      %broadcast_in_dim3A_57 = arith.constant 1.000000e+00 : f32
      %broadcast_in_dim3A_58 = vector.broadcast %broadcast_in_dim3A_57 : f32 to vector<16xf32>
      %swap3A_59 = arith.index_cast %scan3A_37 : i32 to index
      %swap3A_60 = arith.constant 48 : index
      %swap3A_61 = tpu.vector_load %arg8[%swap3A_59, %swap3A_60] {strides = array<i32>} : memref<128x128xf32, #tpu.memory_space<vmem>>, vector<1x16xf32>,
      %swap3A_62 = vector.shape_cast %swap3A_61 : vector<1x16xf32> to vector<16xf32>
      %swap3A_63 = vector.shape_cast %broadcast_in_dim3A_58 : vector<16xf32> to vector<1x16xf32>
      tpu.vector_store %arg8[%swap3A_59, %swap3A_60], %swap3A_63 {strides = array<i32>} : memref<128x128xf32, #tpu.memory_space<vmem>>, vector<1x16xf32>,
      %broadcast_in_dim3A_64 = arith.constant 1.000000e+00 : f32
      %broadcast_in_dim3A_65 = vector.broadcast %broadcast_in_dim3A_64 : f32 to vector<16xf32>
      %swap3A_66 = arith.index_cast %scan3A_37 : i32 to index
      %swap3A_67 = arith.constant 64 : index
      %swap3A_68 = tpu.vector_load %arg8[%swap3A_66, %swap3A_67] {strides = array<i32>} : memref<128x128xf32, #tpu.memory_space<vmem>>, vector<1x16xf32>,
      %swap3A_69 = vector.shape_cast %swap3A_68 : vector<1x16xf32> to vector<16xf32>
      %swap3A_70 = vector.shape_cast %broadcast_in_dim3A_65 : vector<16xf32> to vector<1x16xf32>
      tpu.vector_store %arg8[%swap3A_66, %swap3A_67], %swap3A_70 {strides = array<i32>} : memref<128x128xf32, #tpu.memory_space<vmem>>, vector<1x16xf32>,
      %broadcast_in_dim3A_71 = arith.constant 1.000000e+00 : f32
      %broadcast_in_dim3A_72 = vector.broadcast %broadcast_in_dim3A_71 : f32 to vector<16xf32>
      %swap3A_73 = arith.index_cast %scan3A_37 : i32 to index
      %swap3A_74 = arith.constant 80 : index
      %swap3A_75 = tpu.vector_load %arg8[%swap3A_73, %swap3A_74] {strides = array<i32>} : memref<128x128xf32, #tpu.memory_space<vmem>>, vector<1x16xf32>,
      %swap3A_76 = vector.shape_cast %swap3A_75 : vector<1x16xf32> to vector<16xf32>
      %swap3A_77 = vector.shape_cast %broadcast_in_dim3A_72 : vector<16xf32> to vector<1x16xf32>
      tpu.vector_store %arg8[%swap3A_73, %swap3A_74], %swap3A_77 {strides = array<i32>} : memref<128x128xf32, #tpu.memory_space<vmem>>, vector<1x16xf32>,
      %broadcast_in_dim3A_78 = arith.constant 1.000000e+00 : f32
      %broadcast_in_dim3A_79 = vector.broadcast %broadcast_in_dim3A_78 : f32 to vector<16xf32>
      %swap3A_80 = arith.index_cast %scan3A_37 : i32 to index
      %swap3A_81 = arith.constant 96 : index
      %swap3A_82 = tpu.vector_load %arg8[%swap3A_80, %swap3A_81] {strides = array<i32>} : memref<128x128xf32, #tpu.memory_space<vmem>>, vector<1x16xf32>,
      %swap3A_83 = vector.shape_cast %swap3A_82 : vector<1x16xf32> to vector<16xf32>
      %swap3A_84 = vector.shape_cast %broadcast_in_dim3A_79 : vector<16xf32> to vector<1x16xf32>
      tpu.vector_store %arg8[%swap3A_80, %swap3A_81], %swap3A_84 {strides = array<i32>} : memref<128x128xf32, #tpu.memory_space<vmem>>, vector<1x16xf32>,
      %broadcast_in_dim3A_85 = arith.constant 1.000000e+00 : f32
      %broadcast_in_dim3A_86 = vector.broadcast %broadcast_in_dim3A_85 : f32 to vector<16xf32>
      %swap3A_87 = arith.index_cast %scan3A_37 : i32 to index
      %swap3A_88 = arith.constant 112 : index
      %swap3A_89 = tpu.vector_load %arg8[%swap3A_87, %swap3A_88] {strides = array<i32>} : memref<128x128xf32, #tpu.memory_space<vmem>>, vector<1x16xf32>,
      %swap3A_90 = vector.shape_cast %swap3A_89 : vector<1x16xf32> to vector<16xf32>
      %swap3A_91 = vector.shape_cast %broadcast_in_dim3A_86 : vector<16xf32> to vector<1x16xf32>
      tpu.vector_store %arg8[%swap3A_87, %swap3A_88], %swap3A_91 {strides = array<i32>} : memref<128x128xf32, #tpu.memory_space<vmem>>, vector<1x16xf32>,
    }
    %scan3A_5 = arith.constant 128 : i32
    %scan3A_6 = arith.constant 0 : i32
    %scan3A_7 = arith.constant 0 : i32
    %scan3A_8 = arith.constant 33 : i32
    %scan3A_9 = arith.addi %scan3A_7, %scan3A_8 : i32
    %scan3A_10 = arith.constant 1 : i32
    scf.for %scan3A_37 = %scan3A_7 to %scan3A_9 step %scan3A_10  : i32 {
      %broadcast_in_dim3A = arith.constant 0.000000e+00 : f32
      %broadcast_in_dim3A_38 = vector.broadcast %broadcast_in_dim3A : f32 to vector<16xf32>
      %swap3A = arith.index_cast %scan3A_37 : i32 to index
      %swap3A_39 = arith.constant 0 : index
      %swap3A_40 = tpu.vector_load %arg9[%swap3A, %swap3A_39] {strides = array<i32>} : memref<33x128xf32, #tpu.memory_space<vmem>>, vector<1x16xf32>,
      %swap3A_41 = vector.shape_cast %swap3A_40 : vector<1x16xf32> to vector<16xf32>
      %swap3A_42 = vector.shape_cast %broadcast_in_dim3A_38 : vector<16xf32> to vector<1x16xf32>
      tpu.vector_store %arg9[%swap3A, %swap3A_39], %swap3A_42 {strides = array<i32>} : memref<33x128xf32, #tpu.memory_space<vmem>>, vector<1x16xf32>,
      %broadcast_in_dim3A_43 = arith.constant 0.000000e+00 : f32
      %broadcast_in_dim3A_44 = vector.broadcast %broadcast_in_dim3A_43 : f32 to vector<16xf32>
      %swap3A_45 = arith.index_cast %scan3A_37 : i32 to index
      %swap3A_46 = arith.constant 16 : index
      %swap3A_47 = tpu.vector_load %arg9[%swap3A_45, %swap3A_46] {strides = array<i32>} : memref<33x128xf32, #tpu.memory_space<vmem>>, vector<1x16xf32>,
      %swap3A_48 = vector.shape_cast %swap3A_47 : vector<1x16xf32> to vector<16xf32>
      %swap3A_49 = vector.shape_cast %broadcast_in_dim3A_44 : vector<16xf32> to vector<1x16xf32>
      tpu.vector_store %arg9[%swap3A_45, %swap3A_46], %swap3A_49 {strides = array<i32>} : memref<33x128xf32, #tpu.memory_space<vmem>>, vector<1x16xf32>,
      %broadcast_in_dim3A_50 = arith.constant 0.000000e+00 : f32
      %broadcast_in_dim3A_51 = vector.broadcast %broadcast_in_dim3A_50 : f32 to vector<16xf32>
      %swap3A_52 = arith.index_cast %scan3A_37 : i32 to index
      %swap3A_53 = arith.constant 32 : index
      %swap3A_54 = tpu.vector_load %arg9[%swap3A_52, %swap3A_53] {strides = array<i32>} : memref<33x128xf32, #tpu.memory_space<vmem>>, vector<1x16xf32>,
      %swap3A_55 = vector.shape_cast %swap3A_54 : vector<1x16xf32> to vector<16xf32>
      %swap3A_56 = vector.shape_cast %broadcast_in_dim3A_51 : vector<16xf32> to vector<1x16xf32>
      tpu.vector_store %arg9[%swap3A_52, %swap3A_53], %swap3A_56 {strides = array<i32>} : memref<33x128xf32, #tpu.memory_space<vmem>>, vector<1x16xf32>,
      %broadcast_in_dim3A_57 = arith.constant 0.000000e+00 : f32
      %broadcast_in_dim3A_58 = vector.broadcast %broadcast_in_dim3A_57 : f32 to vector<16xf32>
      %swap3A_59 = arith.index_cast %scan3A_37 : i32 to index
      %swap3A_60 = arith.constant 48 : index
      %swap3A_61 = tpu.vector_load %arg9[%swap3A_59, %swap3A_60] {strides = array<i32>} : memref<33x128xf32, #tpu.memory_space<vmem>>, vector<1x16xf32>,
      %swap3A_62 = vector.shape_cast %swap3A_61 : vector<1x16xf32> to vector<16xf32>
      %swap3A_63 = vector.shape_cast %broadcast_in_dim3A_58 : vector<16xf32> to vector<1x16xf32>
      tpu.vector_store %arg9[%swap3A_59, %swap3A_60], %swap3A_63 {strides = array<i32>} : memref<33x128xf32, #tpu.memory_space<vmem>>, vector<1x16xf32>,
      %broadcast_in_dim3A_64 = arith.constant 0.000000e+00 : f32
      %broadcast_in_dim3A_65 = vector.broadcast %broadcast_in_dim3A_64 : f32 to vector<16xf32>
      %swap3A_66 = arith.index_cast %scan3A_37 : i32 to index
      %swap3A_67 = arith.constant 64 : index
      %swap3A_68 = tpu.vector_load %arg9[%swap3A_66, %swap3A_67] {strides = array<i32>} : memref<33x128xf32, #tpu.memory_space<vmem>>, vector<1x16xf32>,
      %swap3A_69 = vector.shape_cast %swap3A_68 : vector<1x16xf32> to vector<16xf32>
      %swap3A_70 = vector.shape_cast %broadcast_in_dim3A_65 : vector<16xf32> to vector<1x16xf32>
      tpu.vector_store %arg9[%swap3A_66, %swap3A_67], %swap3A_70 {strides = array<i32>} : memref<33x128xf32, #tpu.memory_space<vmem>>, vector<1x16xf32>,
      %broadcast_in_dim3A_71 = arith.constant 0.000000e+00 : f32
      %broadcast_in_dim3A_72 = vector.broadcast %broadcast_in_dim3A_71 : f32 to vector<16xf32>
      %swap3A_73 = arith.index_cast %scan3A_37 : i32 to index
      %swap3A_74 = arith.constant 80 : index
      %swap3A_75 = tpu.vector_load %arg9[%swap3A_73, %swap3A_74] {strides = array<i32>} : memref<33x128xf32, #tpu.memory_space<vmem>>, vector<1x16xf32>,
      %swap3A_76 = vector.shape_cast %swap3A_75 : vector<1x16xf32> to vector<16xf32>
      %swap3A_77 = vector.shape_cast %broadcast_in_dim3A_72 : vector<16xf32> to vector<1x16xf32>
      tpu.vector_store %arg9[%swap3A_73, %swap3A_74], %swap3A_77 {strides = array<i32>} : memref<33x128xf32, #tpu.memory_space<vmem>>, vector<1x16xf32>,
      %broadcast_in_dim3A_78 = arith.constant 0.000000e+00 : f32
      %broadcast_in_dim3A_79 = vector.broadcast %broadcast_in_dim3A_78 : f32 to vector<16xf32>
      %swap3A_80 = arith.index_cast %scan3A_37 : i32 to index
      %swap3A_81 = arith.constant 96 : index
      %swap3A_82 = tpu.vector_load %arg9[%swap3A_80, %swap3A_81] {strides = array<i32>} : memref<33x128xf32, #tpu.memory_space<vmem>>, vector<1x16xf32>,
      %swap3A_83 = vector.shape_cast %swap3A_82 : vector<1x16xf32> to vector<16xf32>
      %swap3A_84 = vector.shape_cast %broadcast_in_dim3A_79 : vector<16xf32> to vector<1x16xf32>
      tpu.vector_store %arg9[%swap3A_80, %swap3A_81], %swap3A_84 {strides = array<i32>} : memref<33x128xf32, #tpu.memory_space<vmem>>, vector<1x16xf32>,
      %broadcast_in_dim3A_85 = arith.constant 0.000000e+00 : f32
      %broadcast_in_dim3A_86 = vector.broadcast %broadcast_in_dim3A_85 : f32 to vector<16xf32>
      %swap3A_87 = arith.index_cast %scan3A_37 : i32 to index
      %swap3A_88 = arith.constant 112 : index
      %swap3A_89 = tpu.vector_load %arg9[%swap3A_87, %swap3A_88] {strides = array<i32>} : memref<33x128xf32, #tpu.memory_space<vmem>>, vector<1x16xf32>,
      %swap3A_90 = vector.shape_cast %swap3A_89 : vector<1x16xf32> to vector<16xf32>
      %swap3A_91 = vector.shape_cast %broadcast_in_dim3A_86 : vector<16xf32> to vector<1x16xf32>
      tpu.vector_store %arg9[%swap3A_87, %swap3A_88], %swap3A_91 {strides = array<i32>} : memref<33x128xf32, #tpu.memory_space<vmem>>, vector<1x16xf32>,
    }
    %scan3A_11 = arith.constant 33 : i32
    %mul3A_12 = arith.constant 33 : i32
    %mul3A_13 = arith.muli %arg1, %mul3A_12 : i32
    "tpu.region"() ({
      %run_scoped3A = tpu.sem_alloc : memref<!tpu.dma_semaphore, #tpu.memory_space<semaphore_mem>>
      %dma_start3A = arith.constant 0 : i32
      %dma_start3A_37 = tpu.memref_slice %arg10[%mul3A_13, %dma_start3A] : memref<528x128xf32, #tpu.memory_space<vmem_shared>> -> memref<33x128xf32, #tpu.memory_space<vmem_shared>>
      %dma_start3A_38 = arith.constant 0 : i32
      %dma_start3A_39 = tpu.memref_slice %arg10[%mul3A_13, %dma_start3A_38] : memref<528x128xf32, #tpu.memory_space<vmem_shared>> -> memref<33x128xf32, #tpu.memory_space<vmem_shared>>
      tpu.enqueue_dma source(%arg9 : memref<33x128xf32, #tpu.memory_space<vmem>>) target(%dma_start3A_39 : memref<33x128xf32, #tpu.memory_space<vmem_shared>>) target_semaphore(%run_scoped3A : memref<!tpu.dma_semaphore, #tpu.memory_space<semaphore_mem>>)
      %dma_wait3A = arith.constant 0 : i32
      %dma_wait3A_40 = tpu.memref_slice %arg10[%mul3A_13, %dma_wait3A] : memref<528x128xf32, #tpu.memory_space<vmem_shared>> -> memref<33x128xf32, #tpu.memory_space<vmem_shared>>
      %dma_wait3A_41 = arith.constant 0 : i32
      %dma_wait3A_42 = tpu.memref_slice %arg10[%mul3A_13, %dma_wait3A_41] : memref<528x128xf32, #tpu.memory_space<vmem_shared>> -> memref<33x128xf32, #tpu.memory_space<vmem_shared>>
      tpu.wait_dma2 semaphore(%run_scoped3A : memref<!tpu.dma_semaphore, #tpu.memory_space<semaphore_mem>>) src(%arg9 : memref<33x128xf32, #tpu.memory_space<vmem>>) dst(%dma_wait3A_42 : memref<33x128xf32, #tpu.memory_space<vmem_shared>>)
      tpu.yield
    }) : () -> ()
    %mul3A_14 = arith.constant 33 : i32
    %mul3A_15 = arith.muli %arg1, %mul3A_14 : i32
    "tpu.region"() ({
      %run_scoped3A = tpu.sem_alloc : memref<!tpu.dma_semaphore, #tpu.memory_space<semaphore_mem>>
      %dma_start3A = arith.constant 0 : i32
      %dma_start3A_37 = tpu.memref_slice %arg11[%mul3A_15, %dma_start3A] : memref<528x128xf32, #tpu.memory_space<vmem_shared>> -> memref<33x128xf32, #tpu.memory_space<vmem_shared>>
      %dma_start3A_38 = arith.constant 0 : i32
      %dma_start3A_39 = tpu.memref_slice %arg11[%mul3A_15, %dma_start3A_38] : memref<528x128xf32, #tpu.memory_space<vmem_shared>> -> memref<33x128xf32, #tpu.memory_space<vmem_shared>>
      tpu.enqueue_dma source(%arg9 : memref<33x128xf32, #tpu.memory_space<vmem>>) target(%dma_start3A_39 : memref<33x128xf32, #tpu.memory_space<vmem_shared>>) target_semaphore(%run_scoped3A : memref<!tpu.dma_semaphore, #tpu.memory_space<semaphore_mem>>)
      %dma_wait3A = arith.constant 0 : i32
      %dma_wait3A_40 = tpu.memref_slice %arg11[%mul3A_15, %dma_wait3A] : memref<528x128xf32, #tpu.memory_space<vmem_shared>> -> memref<33x128xf32, #tpu.memory_space<vmem_shared>>
      %dma_wait3A_41 = arith.constant 0 : i32
      %dma_wait3A_42 = tpu.memref_slice %arg11[%mul3A_15, %dma_wait3A_41] : memref<528x128xf32, #tpu.memory_space<vmem_shared>> -> memref<33x128xf32, #tpu.memory_space<vmem_shared>>
      tpu.wait_dma2 semaphore(%run_scoped3A : memref<!tpu.dma_semaphore, #tpu.memory_space<semaphore_mem>>) src(%arg9 : memref<33x128xf32, #tpu.memory_space<vmem>>) dst(%dma_wait3A_42 : memref<33x128xf32, #tpu.memory_space<vmem_shared>>)
      tpu.yield
    }) : () -> ()
    %barrier3A = arith.constant 0 : index
    tpu.barrier barrier_id(%barrier3A)
    %add3A_16 = arith.constant 0 : i32
    %add3A_17 = arith.addi %add3A, %add3A_16 : i32
    %lt3A = arith.constant 80 : i32
    %lt3A_18 = arith.cmpi slt, %add3A_17, %lt3A : i32
    %convert_element_type3A = arith.extui %lt3A_18 : i1 to i32
    %cond3A = arith.constant 0 : i32
    %cond3A_19 = arith.cmpi ne, %convert_element_type3A, %cond3A : i32
    scf.if %cond3A_19 {
      %mul3A_37 = arith.constant 128 : i32
      %mul3A_38 = arith.muli %add3A_17, %mul3A_37 : i32
      "tpu.region"() ({
        %run_scoped3A_41 = tpu.sem_alloc : memref<!tpu.dma_semaphore, #tpu.memory_space<semaphore_mem>>
        %dma_start3A = arith.constant 0 : i32
        %dma_start3A_42 = tpu.memref_slice %arg2[%mul3A_38, %dma_start3A] : memref<10240x128xf32, #tpu.memory_space<hbm>> -> memref<128x128xf32, #tpu.memory_space<hbm>>
        %dma_start3A_43 = arith.constant 0 : i32
        %dma_start3A_44 = tpu.memref_slice %arg2[%mul3A_38, %dma_start3A_43] : memref<10240x128xf32, #tpu.memory_space<hbm>> -> memref<128x128xf32, #tpu.memory_space<hbm>>
        tpu.enqueue_dma source(%dma_start3A_44 : memref<128x128xf32, #tpu.memory_space<hbm>>) target(%arg6 : memref<128x128xf32, #tpu.memory_space<vmem>>) target_semaphore(%run_scoped3A_41 : memref<!tpu.dma_semaphore, #tpu.memory_space<semaphore_mem>>)
        %dma_wait3A = arith.constant 0 : i32
        %dma_wait3A_45 = tpu.memref_slice %arg2[%mul3A_38, %dma_wait3A] : memref<10240x128xf32, #tpu.memory_space<hbm>> -> memref<128x128xf32, #tpu.memory_space<hbm>>
        %dma_wait3A_46 = arith.constant 0 : i32
        %dma_wait3A_47 = tpu.memref_slice %arg2[%mul3A_38, %dma_wait3A_46] : memref<10240x128xf32, #tpu.memory_space<hbm>> -> memref<128x128xf32, #tpu.memory_space<hbm>>
        tpu.wait_dma2 semaphore(%run_scoped3A_41 : memref<!tpu.dma_semaphore, #tpu.memory_space<semaphore_mem>>) src(%dma_wait3A_47 : memref<128x128xf32, #tpu.memory_space<hbm>>) dst(%arg6 : memref<128x128xf32, #tpu.memory_space<vmem>>)
        tpu.yield
      }) : () -> ()
      %run_scoped3A = arith.constant 0 : i32
      "tpu.region"() ({
        %run_scoped3A_41 = tpu.sem_alloc : memref<!tpu.dma_semaphore, #tpu.memory_space<semaphore_mem>>
        %dma_start3A = arith.constant 0 : i32
        %dma_start3A_42 = tpu.memref_slice %arg7[%run_scoped3A, %dma_start3A] : memref<1x128xi32, #tpu.memory_space<vmem>> -> memref<1x128xi32, #tpu.memory_space<vmem>>
        %dma_start3A_43 = tpu.memref_squeeze %dma_start3A_42 : memref<1x128xi32, #tpu.memory_space<vmem>> -> memref<128xi32, #tpu.memory_space<vmem>>
        %dma_start3A_44 = arith.constant 0 : i32
        %dma_start3A_45 = tpu.memref_slice %arg3[%add3A_17, %dma_start3A_44] : memref<80x128xi32, #tpu.memory_space<hbm>> -> memref<1x128xi32, #tpu.memory_space<hbm>>
        %dma_start3A_46 = tpu.memref_squeeze %dma_start3A_45 : memref<1x128xi32, #tpu.memory_space<hbm>> -> memref<128xi32, #tpu.memory_space<hbm>>
        %dma_start3A_47 = arith.constant 0 : i32
        %dma_start3A_48 = tpu.memref_slice %arg7[%run_scoped3A, %dma_start3A_47] : memref<1x128xi32, #tpu.memory_space<vmem>> -> memref<1x128xi32, #tpu.memory_space<vmem>>
        %dma_start3A_49 = tpu.memref_squeeze %dma_start3A_48 : memref<1x128xi32, #tpu.memory_space<vmem>> -> memref<128xi32, #tpu.memory_space<vmem>>
        %dma_start3A_50 = arith.constant 0 : i32
        %dma_start3A_51 = tpu.memref_slice %arg3[%add3A_17, %dma_start3A_50] : memref<80x128xi32, #tpu.memory_space<hbm>> -> memref<1x128xi32, #tpu.memory_space<hbm>>
        %dma_start3A_52 = tpu.memref_squeeze %dma_start3A_51 : memref<1x128xi32, #tpu.memory_space<hbm>> -> memref<128xi32, #tpu.memory_space<hbm>>
        tpu.enqueue_dma source(%dma_start3A_52 : memref<128xi32, #tpu.memory_space<hbm>>) target(%dma_start3A_49 : memref<128xi32, #tpu.memory_space<vmem>>) target_semaphore(%run_scoped3A_41 : memref<!tpu.dma_semaphore, #tpu.memory_space<semaphore_mem>>)
        %dma_wait3A = arith.constant 0 : i32
        %dma_wait3A_53 = tpu.memref_slice %arg7[%run_scoped3A, %dma_wait3A] : memref<1x128xi32, #tpu.memory_space<vmem>> -> memref<1x128xi32, #tpu.memory_space<vmem>>
        %dma_wait3A_54 = tpu.memref_squeeze %dma_wait3A_53 : memref<1x128xi32, #tpu.memory_space<vmem>> -> memref<128xi32, #tpu.memory_space<vmem>>
        %dma_wait3A_55 = arith.constant 0 : i32
        %dma_wait3A_56 = tpu.memref_slice %arg3[%add3A_17, %dma_wait3A_55] : memref<80x128xi32, #tpu.memory_space<hbm>> -> memref<1x128xi32, #tpu.memory_space<hbm>>
        %dma_wait3A_57 = tpu.memref_squeeze %dma_wait3A_56 : memref<1x128xi32, #tpu.memory_space<hbm>> -> memref<128xi32, #tpu.memory_space<hbm>>
        %dma_wait3A_58 = arith.constant 0 : i32
        %dma_wait3A_59 = tpu.memref_slice %arg7[%run_scoped3A, %dma_wait3A_58] : memref<1x128xi32, #tpu.memory_space<vmem>> -> memref<1x128xi32, #tpu.memory_space<vmem>>
        %dma_wait3A_60 = tpu.memref_squeeze %dma_wait3A_59 : memref<1x128xi32, #tpu.memory_space<vmem>> -> memref<128xi32, #tpu.memory_space<vmem>>
        %dma_wait3A_61 = arith.constant 0 : i32
        %dma_wait3A_62 = tpu.memref_slice %arg3[%add3A_17, %dma_wait3A_61] : memref<80x128xi32, #tpu.memory_space<hbm>> -> memref<1x128xi32, #tpu.memory_space<hbm>>
        %dma_wait3A_63 = tpu.memref_squeeze %dma_wait3A_62 : memref<1x128xi32, #tpu.memory_space<hbm>> -> memref<128xi32, #tpu.memory_space<hbm>>
        tpu.wait_dma2 semaphore(%run_scoped3A_41 : memref<!tpu.dma_semaphore, #tpu.memory_space<semaphore_mem>>) src(%dma_wait3A_63 : memref<128xi32, #tpu.memory_space<hbm>>) dst(%dma_wait3A_60 : memref<128xi32, #tpu.memory_space<vmem>>)
        tpu.yield
      }) : () -> ()
      %run_scoped3A_39 = arith.constant 0 : i32
      "tpu.region"() ({
        %run_scoped3A_41 = tpu.sem_alloc : memref<!tpu.dma_semaphore, #tpu.memory_space<semaphore_mem>>
        %dma_start3A = arith.constant 0 : i32
        %dma_start3A_42 = tpu.memref_slice %arg7[%run_scoped3A_39, %dma_start3A] : memref<1x128xi32, #tpu.memory_space<vmem>> -> memref<1x128xi32, #tpu.memory_space<vmem>>
        %dma_start3A_43 = tpu.memref_squeeze %dma_start3A_42 : memref<1x128xi32, #tpu.memory_space<vmem>> -> memref<128xi32, #tpu.memory_space<vmem>>
        %dma_start3A_44 = arith.constant 0 : i32
        %dma_start3A_45 = arith.constant 0 : i32
        %dma_start3A_46 = tpu.memref_slice %arg10[%dma_start3A_44, %dma_start3A_45] : memref<528x128xf32, #tpu.memory_space<vmem_shared>> -> memref<528x128xf32, #tpu.memory_space<vmem_shared>>
        tpu.enqueue_indirect_dma source(%arg6 : memref<128x128xf32, #tpu.memory_space<vmem>>) target(%dma_start3A_46 : memref<528x128xf32, #tpu.memory_space<vmem_shared>>) offsets(%dma_start3A_43 : memref<128xi32, #tpu.memory_space<vmem>>) semaphore(%run_scoped3A_41 : memref<!tpu.dma_semaphore, #tpu.memory_space<semaphore_mem>>) {add = true}
        %dma_wait3A = arith.constant 0 : i32
        %dma_wait3A_47 = tpu.memref_slice %arg7[%run_scoped3A_39, %dma_wait3A] : memref<1x128xi32, #tpu.memory_space<vmem>> -> memref<1x128xi32, #tpu.memory_space<vmem>>
        %dma_wait3A_48 = tpu.memref_squeeze %dma_wait3A_47 : memref<1x128xi32, #tpu.memory_space<vmem>> -> memref<128xi32, #tpu.memory_space<vmem>>
        %dma_wait3A_49 = arith.constant 0 : i32
        %dma_wait3A_50 = arith.constant 0 : i32
        %dma_wait3A_51 = tpu.memref_slice %arg10[%dma_wait3A_49, %dma_wait3A_50] : memref<528x128xf32, #tpu.memory_space<vmem_shared>> -> memref<528x128xf32, #tpu.memory_space<vmem_shared>>
        tpu.wait_indirect_dma semaphore(%run_scoped3A_41 : memref<!tpu.dma_semaphore, #tpu.memory_space<semaphore_mem>>) src(%arg6 : memref<128x128xf32, #tpu.memory_space<vmem>>) dst(%dma_wait3A_51 : memref<528x128xf32, #tpu.memory_space<vmem_shared>>)
        tpu.yield
      }) : () -> ()
      %run_scoped3A_40 = arith.constant 0 : i32
      "tpu.region"() ({
        %run_scoped3A_41 = tpu.sem_alloc : memref<!tpu.dma_semaphore, #tpu.memory_space<semaphore_mem>>
        %dma_start3A = arith.constant 0 : i32
        %dma_start3A_42 = tpu.memref_slice %arg7[%run_scoped3A_40, %dma_start3A] : memref<1x128xi32, #tpu.memory_space<vmem>> -> memref<1x128xi32, #tpu.memory_space<vmem>>
        %dma_start3A_43 = tpu.memref_squeeze %dma_start3A_42 : memref<1x128xi32, #tpu.memory_space<vmem>> -> memref<128xi32, #tpu.memory_space<vmem>>
        %dma_start3A_44 = arith.constant 0 : i32
        %dma_start3A_45 = arith.constant 0 : i32
        %dma_start3A_46 = tpu.memref_slice %arg11[%dma_start3A_44, %dma_start3A_45] : memref<528x128xf32, #tpu.memory_space<vmem_shared>> -> memref<528x128xf32, #tpu.memory_space<vmem_shared>>
        tpu.enqueue_indirect_dma source(%arg8 : memref<128x128xf32, #tpu.memory_space<vmem>>) target(%dma_start3A_46 : memref<528x128xf32, #tpu.memory_space<vmem_shared>>) offsets(%dma_start3A_43 : memref<128xi32, #tpu.memory_space<vmem>>) semaphore(%run_scoped3A_41 : memref<!tpu.dma_semaphore, #tpu.memory_space<semaphore_mem>>) {add = true}
        %dma_wait3A = arith.constant 0 : i32
        %dma_wait3A_47 = tpu.memref_slice %arg7[%run_scoped3A_40, %dma_wait3A] : memref<1x128xi32, #tpu.memory_space<vmem>> -> memref<1x128xi32, #tpu.memory_space<vmem>>
        %dma_wait3A_48 = tpu.memref_squeeze %dma_wait3A_47 : memref<1x128xi32, #tpu.memory_space<vmem>> -> memref<128xi32, #tpu.memory_space<vmem>>
        %dma_wait3A_49 = arith.constant 0 : i32
        %dma_wait3A_50 = arith.constant 0 : i32
        %dma_wait3A_51 = tpu.memref_slice %arg11[%dma_wait3A_49, %dma_wait3A_50] : memref<528x128xf32, #tpu.memory_space<vmem_shared>> -> memref<528x128xf32, #tpu.memory_space<vmem_shared>>
        tpu.wait_indirect_dma semaphore(%run_scoped3A_41 : memref<!tpu.dma_semaphore, #tpu.memory_space<semaphore_mem>>) src(%arg8 : memref<128x128xf32, #tpu.memory_space<vmem>>) dst(%dma_wait3A_51 : memref<528x128xf32, #tpu.memory_space<vmem_shared>>)
        tpu.yield
      }) : () -> ()
    } else {
    }
    %add3A_20 = arith.constant 32 : i32
    %add3A_21 = arith.addi %add3A, %add3A_20 : i32
    %lt3A_22 = arith.constant 80 : i32
    %lt3A_23 = arith.cmpi slt, %add3A_21, %lt3A_22 : i32
    %convert_element_type3A_24 = arith.extui %lt3A_23 : i1 to i32
    %cond3A_25 = arith.constant 0 : i32
    %cond3A_26 = arith.cmpi ne, %convert_element_type3A_24, %cond3A_25 : i32
    scf.if %cond3A_26 {
      %mul3A_37 = arith.constant 128 : i32
      %mul3A_38 = arith.muli %add3A_21, %mul3A_37 : i32
      "tpu.region"() ({
        %run_scoped3A_41 = tpu.sem_alloc : memref<!tpu.dma_semaphore, #tpu.memory_space<semaphore_mem>>
        %dma_start3A = arith.constant 0 : i32
        %dma_start3A_42 = tpu.memref_slice %arg2[%mul3A_38, %dma_start3A] : memref<10240x128xf32, #tpu.memory_space<hbm>> -> memref<128x128xf32, #tpu.memory_space<hbm>>
        %dma_start3A_43 = arith.constant 0 : i32
        %dma_start3A_44 = tpu.memref_slice %arg2[%mul3A_38, %dma_start3A_43] : memref<10240x128xf32, #tpu.memory_space<hbm>> -> memref<128x128xf32, #tpu.memory_space<hbm>>
        tpu.enqueue_dma source(%dma_start3A_44 : memref<128x128xf32, #tpu.memory_space<hbm>>) target(%arg6 : memref<128x128xf32, #tpu.memory_space<vmem>>) target_semaphore(%run_scoped3A_41 : memref<!tpu.dma_semaphore, #tpu.memory_space<semaphore_mem>>)
        %dma_wait3A = arith.constant 0 : i32
        %dma_wait3A_45 = tpu.memref_slice %arg2[%mul3A_38, %dma_wait3A] : memref<10240x128xf32, #tpu.memory_space<hbm>> -> memref<128x128xf32, #tpu.memory_space<hbm>>
        %dma_wait3A_46 = arith.constant 0 : i32
        %dma_wait3A_47 = tpu.memref_slice %arg2[%mul3A_38, %dma_wait3A_46] : memref<10240x128xf32, #tpu.memory_space<hbm>> -> memref<128x128xf32, #tpu.memory_space<hbm>>
        tpu.wait_dma2 semaphore(%run_scoped3A_41 : memref<!tpu.dma_semaphore, #tpu.memory_space<semaphore_mem>>) src(%dma_wait3A_47 : memref<128x128xf32, #tpu.memory_space<hbm>>) dst(%arg6 : memref<128x128xf32, #tpu.memory_space<vmem>>)
        tpu.yield
      }) : () -> ()
      %run_scoped3A = arith.constant 0 : i32
      "tpu.region"() ({
        %run_scoped3A_41 = tpu.sem_alloc : memref<!tpu.dma_semaphore, #tpu.memory_space<semaphore_mem>>
        %dma_start3A = arith.constant 0 : i32
        %dma_start3A_42 = tpu.memref_slice %arg7[%run_scoped3A, %dma_start3A] : memref<1x128xi32, #tpu.memory_space<vmem>> -> memref<1x128xi32, #tpu.memory_space<vmem>>
        %dma_start3A_43 = tpu.memref_squeeze %dma_start3A_42 : memref<1x128xi32, #tpu.memory_space<vmem>> -> memref<128xi32, #tpu.memory_space<vmem>>
        %dma_start3A_44 = arith.constant 0 : i32
        %dma_start3A_45 = tpu.memref_slice %arg3[%add3A_21, %dma_start3A_44] : memref<80x128xi32, #tpu.memory_space<hbm>> -> memref<1x128xi32, #tpu.memory_space<hbm>>
        %dma_start3A_46 = tpu.memref_squeeze %dma_start3A_45 : memref<1x128xi32, #tpu.memory_space<hbm>> -> memref<128xi32, #tpu.memory_space<hbm>>
        %dma_start3A_47 = arith.constant 0 : i32
        %dma_start3A_48 = tpu.memref_slice %arg7[%run_scoped3A, %dma_start3A_47] : memref<1x128xi32, #tpu.memory_space<vmem>> -> memref<1x128xi32, #tpu.memory_space<vmem>>
        %dma_start3A_49 = tpu.memref_squeeze %dma_start3A_48 : memref<1x128xi32, #tpu.memory_space<vmem>> -> memref<128xi32, #tpu.memory_space<vmem>>
        %dma_start3A_50 = arith.constant 0 : i32
        %dma_start3A_51 = tpu.memref_slice %arg3[%add3A_21, %dma_start3A_50] : memref<80x128xi32, #tpu.memory_space<hbm>> -> memref<1x128xi32, #tpu.memory_space<hbm>>
        %dma_start3A_52 = tpu.memref_squeeze %dma_start3A_51 : memref<1x128xi32, #tpu.memory_space<hbm>> -> memref<128xi32, #tpu.memory_space<hbm>>
        tpu.enqueue_dma source(%dma_start3A_52 : memref<128xi32, #tpu.memory_space<hbm>>) target(%dma_start3A_49 : memref<128xi32, #tpu.memory_space<vmem>>) target_semaphore(%run_scoped3A_41 : memref<!tpu.dma_semaphore, #tpu.memory_space<semaphore_mem>>)
        %dma_wait3A = arith.constant 0 : i32
        %dma_wait3A_53 = tpu.memref_slice %arg7[%run_scoped3A, %dma_wait3A] : memref<1x128xi32, #tpu.memory_space<vmem>> -> memref<1x128xi32, #tpu.memory_space<vmem>>
        %dma_wait3A_54 = tpu.memref_squeeze %dma_wait3A_53 : memref<1x128xi32, #tpu.memory_space<vmem>> -> memref<128xi32, #tpu.memory_space<vmem>>
        %dma_wait3A_55 = arith.constant 0 : i32
        %dma_wait3A_56 = tpu.memref_slice %arg3[%add3A_21, %dma_wait3A_55] : memref<80x128xi32, #tpu.memory_space<hbm>> -> memref<1x128xi32, #tpu.memory_space<hbm>>
        %dma_wait3A_57 = tpu.memref_squeeze %dma_wait3A_56 : memref<1x128xi32, #tpu.memory_space<hbm>> -> memref<128xi32, #tpu.memory_space<hbm>>
        %dma_wait3A_58 = arith.constant 0 : i32
        %dma_wait3A_59 = tpu.memref_slice %arg7[%run_scoped3A, %dma_wait3A_58] : memref<1x128xi32, #tpu.memory_space<vmem>> -> memref<1x128xi32, #tpu.memory_space<vmem>>
        %dma_wait3A_60 = tpu.memref_squeeze %dma_wait3A_59 : memref<1x128xi32, #tpu.memory_space<vmem>> -> memref<128xi32, #tpu.memory_space<vmem>>
        %dma_wait3A_61 = arith.constant 0 : i32
        %dma_wait3A_62 = tpu.memref_slice %arg3[%add3A_21, %dma_wait3A_61] : memref<80x128xi32, #tpu.memory_space<hbm>> -> memref<1x128xi32, #tpu.memory_space<hbm>>
        %dma_wait3A_63 = tpu.memref_squeeze %dma_wait3A_62 : memref<1x128xi32, #tpu.memory_space<hbm>> -> memref<128xi32, #tpu.memory_space<hbm>>
        tpu.wait_dma2 semaphore(%run_scoped3A_41 : memref<!tpu.dma_semaphore, #tpu.memory_space<semaphore_mem>>) src(%dma_wait3A_63 : memref<128xi32, #tpu.memory_space<hbm>>) dst(%dma_wait3A_60 : memref<128xi32, #tpu.memory_space<vmem>>)
        tpu.yield
      }) : () -> ()
      %run_scoped3A_39 = arith.constant 0 : i32
      "tpu.region"() ({
        %run_scoped3A_41 = tpu.sem_alloc : memref<!tpu.dma_semaphore, #tpu.memory_space<semaphore_mem>>
        %dma_start3A = arith.constant 0 : i32
        %dma_start3A_42 = tpu.memref_slice %arg7[%run_scoped3A_39, %dma_start3A] : memref<1x128xi32, #tpu.memory_space<vmem>> -> memref<1x128xi32, #tpu.memory_space<vmem>>
        %dma_start3A_43 = tpu.memref_squeeze %dma_start3A_42 : memref<1x128xi32, #tpu.memory_space<vmem>> -> memref<128xi32, #tpu.memory_space<vmem>>
        %dma_start3A_44 = arith.constant 0 : i32
        %dma_start3A_45 = arith.constant 0 : i32
        %dma_start3A_46 = tpu.memref_slice %arg10[%dma_start3A_44, %dma_start3A_45] : memref<528x128xf32, #tpu.memory_space<vmem_shared>> -> memref<528x128xf32, #tpu.memory_space<vmem_shared>>
        tpu.enqueue_indirect_dma source(%arg6 : memref<128x128xf32, #tpu.memory_space<vmem>>) target(%dma_start3A_46 : memref<528x128xf32, #tpu.memory_space<vmem_shared>>) offsets(%dma_start3A_43 : memref<128xi32, #tpu.memory_space<vmem>>) semaphore(%run_scoped3A_41 : memref<!tpu.dma_semaphore, #tpu.memory_space<semaphore_mem>>) {add = true}
        %dma_wait3A = arith.constant 0 : i32
        %dma_wait3A_47 = tpu.memref_slice %arg7[%run_scoped3A_39, %dma_wait3A] : memref<1x128xi32, #tpu.memory_space<vmem>> -> memref<1x128xi32, #tpu.memory_space<vmem>>
        %dma_wait3A_48 = tpu.memref_squeeze %dma_wait3A_47 : memref<1x128xi32, #tpu.memory_space<vmem>> -> memref<128xi32, #tpu.memory_space<vmem>>
        %dma_wait3A_49 = arith.constant 0 : i32
        %dma_wait3A_50 = arith.constant 0 : i32
        %dma_wait3A_51 = tpu.memref_slice %arg10[%dma_wait3A_49, %dma_wait3A_50] : memref<528x128xf32, #tpu.memory_space<vmem_shared>> -> memref<528x128xf32, #tpu.memory_space<vmem_shared>>
        tpu.wait_indirect_dma semaphore(%run_scoped3A_41 : memref<!tpu.dma_semaphore, #tpu.memory_space<semaphore_mem>>) src(%arg6 : memref<128x128xf32, #tpu.memory_space<vmem>>) dst(%dma_wait3A_51 : memref<528x128xf32, #tpu.memory_space<vmem_shared>>)
        tpu.yield
      }) : () -> ()
      %run_scoped3A_40 = arith.constant 0 : i32
      "tpu.region"() ({
        %run_scoped3A_41 = tpu.sem_alloc : memref<!tpu.dma_semaphore, #tpu.memory_space<semaphore_mem>>
        %dma_start3A = arith.constant 0 : i32
        %dma_start3A_42 = tpu.memref_slice %arg7[%run_scoped3A_40, %dma_start3A] : memref<1x128xi32, #tpu.memory_space<vmem>> -> memref<1x128xi32, #tpu.memory_space<vmem>>
        %dma_start3A_43 = tpu.memref_squeeze %dma_start3A_42 : memref<1x128xi32, #tpu.memory_space<vmem>> -> memref<128xi32, #tpu.memory_space<vmem>>
        %dma_start3A_44 = arith.constant 0 : i32
        %dma_start3A_45 = arith.constant 0 : i32
        %dma_start3A_46 = tpu.memref_slice %arg11[%dma_start3A_44, %dma_start3A_45] : memref<528x128xf32, #tpu.memory_space<vmem_shared>> -> memref<528x128xf32, #tpu.memory_space<vmem_shared>>
        tpu.enqueue_indirect_dma source(%arg8 : memref<128x128xf32, #tpu.memory_space<vmem>>) target(%dma_start3A_46 : memref<528x128xf32, #tpu.memory_space<vmem_shared>>) offsets(%dma_start3A_43 : memref<128xi32, #tpu.memory_space<vmem>>) semaphore(%run_scoped3A_41 : memref<!tpu.dma_semaphore, #tpu.memory_space<semaphore_mem>>) {add = true}
        %dma_wait3A = arith.constant 0 : i32
        %dma_wait3A_47 = tpu.memref_slice %arg7[%run_scoped3A_40, %dma_wait3A] : memref<1x128xi32, #tpu.memory_space<vmem>> -> memref<1x128xi32, #tpu.memory_space<vmem>>
        %dma_wait3A_48 = tpu.memref_squeeze %dma_wait3A_47 : memref<1x128xi32, #tpu.memory_space<vmem>> -> memref<128xi32, #tpu.memory_space<vmem>>
        %dma_wait3A_49 = arith.constant 0 : i32
        %dma_wait3A_50 = arith.constant 0 : i32
        %dma_wait3A_51 = tpu.memref_slice %arg11[%dma_wait3A_49, %dma_wait3A_50] : memref<528x128xf32, #tpu.memory_space<vmem_shared>> -> memref<528x128xf32, #tpu.memory_space<vmem_shared>>
        tpu.wait_indirect_dma semaphore(%run_scoped3A_41 : memref<!tpu.dma_semaphore, #tpu.memory_space<semaphore_mem>>) src(%arg8 : memref<128x128xf32, #tpu.memory_space<vmem>>) dst(%dma_wait3A_51 : memref<528x128xf32, #tpu.memory_space<vmem_shared>>)
        tpu.yield
      }) : () -> ()
    } else {
    }
    %add3A_27 = arith.constant 64 : i32
    %add3A_28 = arith.addi %add3A, %add3A_27 : i32
    %lt3A_29 = arith.constant 80 : i32
    %lt3A_30 = arith.cmpi slt, %add3A_28, %lt3A_29 : i32
    %convert_element_type3A_31 = arith.extui %lt3A_30 : i1 to i32
    %cond3A_32 = arith.constant 0 : i32
    %cond3A_33 = arith.cmpi ne, %convert_element_type3A_31, %cond3A_32 : i32
    scf.if %cond3A_33 {
      %mul3A_37 = arith.constant 128 : i32
      %mul3A_38 = arith.muli %add3A_28, %mul3A_37 : i32
      "tpu.region"() ({
        %run_scoped3A_41 = tpu.sem_alloc : memref<!tpu.dma_semaphore, #tpu.memory_space<semaphore_mem>>
        %dma_start3A = arith.constant 0 : i32
        %dma_start3A_42 = tpu.memref_slice %arg2[%mul3A_38, %dma_start3A] : memref<10240x128xf32, #tpu.memory_space<hbm>> -> memref<128x128xf32, #tpu.memory_space<hbm>>
        %dma_start3A_43 = arith.constant 0 : i32
        %dma_start3A_44 = tpu.memref_slice %arg2[%mul3A_38, %dma_start3A_43] : memref<10240x128xf32, #tpu.memory_space<hbm>> -> memref<128x128xf32, #tpu.memory_space<hbm>>
        tpu.enqueue_dma source(%dma_start3A_44 : memref<128x128xf32, #tpu.memory_space<hbm>>) target(%arg6 : memref<128x128xf32, #tpu.memory_space<vmem>>) target_semaphore(%run_scoped3A_41 : memref<!tpu.dma_semaphore, #tpu.memory_space<semaphore_mem>>)
        %dma_wait3A = arith.constant 0 : i32
        %dma_wait3A_45 = tpu.memref_slice %arg2[%mul3A_38, %dma_wait3A] : memref<10240x128xf32, #tpu.memory_space<hbm>> -> memref<128x128xf32, #tpu.memory_space<hbm>>
        %dma_wait3A_46 = arith.constant 0 : i32
        %dma_wait3A_47 = tpu.memref_slice %arg2[%mul3A_38, %dma_wait3A_46] : memref<10240x128xf32, #tpu.memory_space<hbm>> -> memref<128x128xf32, #tpu.memory_space<hbm>>
        tpu.wait_dma2 semaphore(%run_scoped3A_41 : memref<!tpu.dma_semaphore, #tpu.memory_space<semaphore_mem>>) src(%dma_wait3A_47 : memref<128x128xf32, #tpu.memory_space<hbm>>) dst(%arg6 : memref<128x128xf32, #tpu.memory_space<vmem>>)
        tpu.yield
      }) : () -> ()
      %run_scoped3A = arith.constant 0 : i32
      "tpu.region"() ({
        %run_scoped3A_41 = tpu.sem_alloc : memref<!tpu.dma_semaphore, #tpu.memory_space<semaphore_mem>>
        %dma_start3A = arith.constant 0 : i32
        %dma_start3A_42 = tpu.memref_slice %arg7[%run_scoped3A, %dma_start3A] : memref<1x128xi32, #tpu.memory_space<vmem>> -> memref<1x128xi32, #tpu.memory_space<vmem>>
        %dma_start3A_43 = tpu.memref_squeeze %dma_start3A_42 : memref<1x128xi32, #tpu.memory_space<vmem>> -> memref<128xi32, #tpu.memory_space<vmem>>
        %dma_start3A_44 = arith.constant 0 : i32
        %dma_start3A_45 = tpu.memref_slice %arg3[%add3A_28, %dma_start3A_44] : memref<80x128xi32, #tpu.memory_space<hbm>> -> memref<1x128xi32, #tpu.memory_space<hbm>>
        %dma_start3A_46 = tpu.memref_squeeze %dma_start3A_45 : memref<1x128xi32, #tpu.memory_space<hbm>> -> memref<128xi32, #tpu.memory_space<hbm>>
        %dma_start3A_47 = arith.constant 0 : i32
        %dma_start3A_48 = tpu.memref_slice %arg7[%run_scoped3A, %dma_start3A_47] : memref<1x128xi32, #tpu.memory_space<vmem>> -> memref<1x128xi32, #tpu.memory_space<vmem>>
        %dma_start3A_49 = tpu.memref_squeeze %dma_start3A_48 : memref<1x128xi32, #tpu.memory_space<vmem>> -> memref<128xi32, #tpu.memory_space<vmem>>
        %dma_start3A_50 = arith.constant 0 : i32
        %dma_start3A_51 = tpu.memref_slice %arg3[%add3A_28, %dma_start3A_50] : memref<80x128xi32, #tpu.memory_space<hbm>> -> memref<1x128xi32, #tpu.memory_space<hbm>>
        %dma_start3A_52 = tpu.memref_squeeze %dma_start3A_51 : memref<1x128xi32, #tpu.memory_space<hbm>> -> memref<128xi32, #tpu.memory_space<hbm>>
        tpu.enqueue_dma source(%dma_start3A_52 : memref<128xi32, #tpu.memory_space<hbm>>) target(%dma_start3A_49 : memref<128xi32, #tpu.memory_space<vmem>>) target_semaphore(%run_scoped3A_41 : memref<!tpu.dma_semaphore, #tpu.memory_space<semaphore_mem>>)
        %dma_wait3A = arith.constant 0 : i32
        %dma_wait3A_53 = tpu.memref_slice %arg7[%run_scoped3A, %dma_wait3A] : memref<1x128xi32, #tpu.memory_space<vmem>> -> memref<1x128xi32, #tpu.memory_space<vmem>>
        %dma_wait3A_54 = tpu.memref_squeeze %dma_wait3A_53 : memref<1x128xi32, #tpu.memory_space<vmem>> -> memref<128xi32, #tpu.memory_space<vmem>>
        %dma_wait3A_55 = arith.constant 0 : i32
        %dma_wait3A_56 = tpu.memref_slice %arg3[%add3A_28, %dma_wait3A_55] : memref<80x128xi32, #tpu.memory_space<hbm>> -> memref<1x128xi32, #tpu.memory_space<hbm>>
        %dma_wait3A_57 = tpu.memref_squeeze %dma_wait3A_56 : memref<1x128xi32, #tpu.memory_space<hbm>> -> memref<128xi32, #tpu.memory_space<hbm>>
        %dma_wait3A_58 = arith.constant 0 : i32
        %dma_wait3A_59 = tpu.memref_slice %arg7[%run_scoped3A, %dma_wait3A_58] : memref<1x128xi32, #tpu.memory_space<vmem>> -> memref<1x128xi32, #tpu.memory_space<vmem>>
        %dma_wait3A_60 = tpu.memref_squeeze %dma_wait3A_59 : memref<1x128xi32, #tpu.memory_space<vmem>> -> memref<128xi32, #tpu.memory_space<vmem>>
        %dma_wait3A_61 = arith.constant 0 : i32
        %dma_wait3A_62 = tpu.memref_slice %arg3[%add3A_28, %dma_wait3A_61] : memref<80x128xi32, #tpu.memory_space<hbm>> -> memref<1x128xi32, #tpu.memory_space<hbm>>
        %dma_wait3A_63 = tpu.memref_squeeze %dma_wait3A_62 : memref<1x128xi32, #tpu.memory_space<hbm>> -> memref<128xi32, #tpu.memory_space<hbm>>
        tpu.wait_dma2 semaphore(%run_scoped3A_41 : memref<!tpu.dma_semaphore, #tpu.memory_space<semaphore_mem>>) src(%dma_wait3A_63 : memref<128xi32, #tpu.memory_space<hbm>>) dst(%dma_wait3A_60 : memref<128xi32, #tpu.memory_space<vmem>>)
        tpu.yield
      }) : () -> ()
      %run_scoped3A_39 = arith.constant 0 : i32
      "tpu.region"() ({
        %run_scoped3A_41 = tpu.sem_alloc : memref<!tpu.dma_semaphore, #tpu.memory_space<semaphore_mem>>
        %dma_start3A = arith.constant 0 : i32
        %dma_start3A_42 = tpu.memref_slice %arg7[%run_scoped3A_39, %dma_start3A] : memref<1x128xi32, #tpu.memory_space<vmem>> -> memref<1x128xi32, #tpu.memory_space<vmem>>
        %dma_start3A_43 = tpu.memref_squeeze %dma_start3A_42 : memref<1x128xi32, #tpu.memory_space<vmem>> -> memref<128xi32, #tpu.memory_space<vmem>>
        %dma_start3A_44 = arith.constant 0 : i32
        %dma_start3A_45 = arith.constant 0 : i32
        %dma_start3A_46 = tpu.memref_slice %arg10[%dma_start3A_44, %dma_start3A_45] : memref<528x128xf32, #tpu.memory_space<vmem_shared>> -> memref<528x128xf32, #tpu.memory_space<vmem_shared>>
        tpu.enqueue_indirect_dma source(%arg6 : memref<128x128xf32, #tpu.memory_space<vmem>>) target(%dma_start3A_46 : memref<528x128xf32, #tpu.memory_space<vmem_shared>>) offsets(%dma_start3A_43 : memref<128xi32, #tpu.memory_space<vmem>>) semaphore(%run_scoped3A_41 : memref<!tpu.dma_semaphore, #tpu.memory_space<semaphore_mem>>) {add = true}
        %dma_wait3A = arith.constant 0 : i32
        %dma_wait3A_47 = tpu.memref_slice %arg7[%run_scoped3A_39, %dma_wait3A] : memref<1x128xi32, #tpu.memory_space<vmem>> -> memref<1x128xi32, #tpu.memory_space<vmem>>
        %dma_wait3A_48 = tpu.memref_squeeze %dma_wait3A_47 : memref<1x128xi32, #tpu.memory_space<vmem>> -> memref<128xi32, #tpu.memory_space<vmem>>
        %dma_wait3A_49 = arith.constant 0 : i32
        %dma_wait3A_50 = arith.constant 0 : i32
        %dma_wait3A_51 = tpu.memref_slice %arg10[%dma_wait3A_49, %dma_wait3A_50] : memref<528x128xf32, #tpu.memory_space<vmem_shared>> -> memref<528x128xf32, #tpu.memory_space<vmem_shared>>
        tpu.wait_indirect_dma semaphore(%run_scoped3A_41 : memref<!tpu.dma_semaphore, #tpu.memory_space<semaphore_mem>>) src(%arg6 : memref<128x128xf32, #tpu.memory_space<vmem>>) dst(%dma_wait3A_51 : memref<528x128xf32, #tpu.memory_space<vmem_shared>>)
        tpu.yield
      }) : () -> ()
      %run_scoped3A_40 = arith.constant 0 : i32
      "tpu.region"() ({
        %run_scoped3A_41 = tpu.sem_alloc : memref<!tpu.dma_semaphore, #tpu.memory_space<semaphore_mem>>
        %dma_start3A = arith.constant 0 : i32
        %dma_start3A_42 = tpu.memref_slice %arg7[%run_scoped3A_40, %dma_start3A] : memref<1x128xi32, #tpu.memory_space<vmem>> -> memref<1x128xi32, #tpu.memory_space<vmem>>
        %dma_start3A_43 = tpu.memref_squeeze %dma_start3A_42 : memref<1x128xi32, #tpu.memory_space<vmem>> -> memref<128xi32, #tpu.memory_space<vmem>>
        %dma_start3A_44 = arith.constant 0 : i32
        %dma_start3A_45 = arith.constant 0 : i32
        %dma_start3A_46 = tpu.memref_slice %arg11[%dma_start3A_44, %dma_start3A_45] : memref<528x128xf32, #tpu.memory_space<vmem_shared>> -> memref<528x128xf32, #tpu.memory_space<vmem_shared>>
        tpu.enqueue_indirect_dma source(%arg8 : memref<128x128xf32, #tpu.memory_space<vmem>>) target(%dma_start3A_46 : memref<528x128xf32, #tpu.memory_space<vmem_shared>>) offsets(%dma_start3A_43 : memref<128xi32, #tpu.memory_space<vmem>>) semaphore(%run_scoped3A_41 : memref<!tpu.dma_semaphore, #tpu.memory_space<semaphore_mem>>) {add = true}
        %dma_wait3A = arith.constant 0 : i32
        %dma_wait3A_47 = tpu.memref_slice %arg7[%run_scoped3A_40, %dma_wait3A] : memref<1x128xi32, #tpu.memory_space<vmem>> -> memref<1x128xi32, #tpu.memory_space<vmem>>
        %dma_wait3A_48 = tpu.memref_squeeze %dma_wait3A_47 : memref<1x128xi32, #tpu.memory_space<vmem>> -> memref<128xi32, #tpu.memory_space<vmem>>
        %dma_wait3A_49 = arith.constant 0 : i32
        %dma_wait3A_50 = arith.constant 0 : i32
        %dma_wait3A_51 = tpu.memref_slice %arg11[%dma_wait3A_49, %dma_wait3A_50] : memref<528x128xf32, #tpu.memory_space<vmem_shared>> -> memref<528x128xf32, #tpu.memory_space<vmem_shared>>
        tpu.wait_indirect_dma semaphore(%run_scoped3A_41 : memref<!tpu.dma_semaphore, #tpu.memory_space<semaphore_mem>>) src(%arg8 : memref<128x128xf32, #tpu.memory_space<vmem>>) dst(%dma_wait3A_51 : memref<528x128xf32, #tpu.memory_space<vmem_shared>>)
        tpu.yield
      }) : () -> ()
    } else {
    }
    %barrier3A_34 = arith.constant 0 : index
    tpu.barrier barrier_id(%barrier3A_34)
    %mul3A_35 = arith.constant 32 : i32
    %mul3A_36 = arith.muli %arg1, %mul3A_35 : i32
    "tpu.region"() ({
      %run_scoped3A = tpu.sem_alloc : memref<!tpu.dma_semaphore, #tpu.memory_space<semaphore_mem>>
      %dma_start3A = arith.constant 0 : i32
      %dma_start3A_37 = tpu.memref_slice %arg4[%arg0, %mul3A_36, %dma_start3A] : memref<2x512x128xf32, #tpu.memory_space<hbm>> -> memref<1x32x128xf32, #tpu.memory_space<hbm>>
      %dma_start3A_38 = tpu.memref_squeeze %dma_start3A_37 : memref<1x32x128xf32, #tpu.memory_space<hbm>> -> memref<32x128xf32, #tpu.memory_space<hbm>>
      %dma_start3A_39 = arith.constant 0 : i32
      %dma_start3A_40 = tpu.memref_slice %arg10[%mul3A_36, %dma_start3A_39] : memref<528x128xf32, #tpu.memory_space<vmem_shared>> -> memref<32x128xf32, #tpu.memory_space<vmem_shared>>
      tpu.enqueue_dma source(%dma_start3A_40 : memref<32x128xf32, #tpu.memory_space<vmem_shared>>) target(%dma_start3A_38 : memref<32x128xf32, #tpu.memory_space<hbm>>) target_semaphore(%run_scoped3A : memref<!tpu.dma_semaphore, #tpu.memory_space<semaphore_mem>>)
      %dma_wait3A = arith.constant 0 : i32
      %dma_wait3A_41 = tpu.memref_slice %arg4[%arg0, %mul3A_36, %dma_wait3A] : memref<2x512x128xf32, #tpu.memory_space<hbm>> -> memref<1x32x128xf32, #tpu.memory_space<hbm>>
      %dma_wait3A_42 = tpu.memref_squeeze %dma_wait3A_41 : memref<1x32x128xf32, #tpu.memory_space<hbm>> -> memref<32x128xf32, #tpu.memory_space<hbm>>
      %dma_wait3A_43 = arith.constant 0 : i32
      %dma_wait3A_44 = tpu.memref_slice %arg10[%mul3A_36, %dma_wait3A_43] : memref<528x128xf32, #tpu.memory_space<vmem_shared>> -> memref<32x128xf32, #tpu.memory_space<vmem_shared>>
      tpu.wait_dma2 semaphore(%run_scoped3A : memref<!tpu.dma_semaphore, #tpu.memory_space<semaphore_mem>>) src(%dma_wait3A_44 : memref<32x128xf32, #tpu.memory_space<vmem_shared>>) dst(%dma_wait3A_42 : memref<32x128xf32, #tpu.memory_space<hbm>>)
      tpu.yield
    }) : () -> ()
    "tpu.region"() ({
      %run_scoped3A = tpu.sem_alloc : memref<!tpu.dma_semaphore, #tpu.memory_space<semaphore_mem>>
      %dma_start3A = arith.constant 0 : i32
      %dma_start3A_37 = tpu.memref_slice %arg5[%arg0, %mul3A_36, %dma_start3A] : memref<2x512x128xf32, #tpu.memory_space<hbm>> -> memref<1x32x128xf32, #tpu.memory_space<hbm>>
      %dma_start3A_38 = tpu.memref_squeeze %dma_start3A_37 : memref<1x32x128xf32, #tpu.memory_space<hbm>> -> memref<32x128xf32, #tpu.memory_space<hbm>>
      %dma_start3A_39 = arith.constant 0 : i32
      %dma_start3A_40 = tpu.memref_slice %arg11[%mul3A_36, %dma_start3A_39] : memref<528x128xf32, #tpu.memory_space<vmem_shared>> -> memref<32x128xf32, #tpu.memory_space<vmem_shared>>
      tpu.enqueue_dma source(%dma_start3A_40 : memref<32x128xf32, #tpu.memory_space<vmem_shared>>) target(%dma_start3A_38 : memref<32x128xf32, #tpu.memory_space<hbm>>) target_semaphore(%run_scoped3A : memref<!tpu.dma_semaphore, #tpu.memory_space<semaphore_mem>>)
      %dma_wait3A = arith.constant 0 : i32
      %dma_wait3A_41 = tpu.memref_slice %arg5[%arg0, %mul3A_36, %dma_wait3A] : memref<2x512x128xf32, #tpu.memory_space<hbm>> -> memref<1x32x128xf32, #tpu.memory_space<hbm>>
      %dma_wait3A_42 = tpu.memref_squeeze %dma_wait3A_41 : memref<1x32x128xf32, #tpu.memory_space<hbm>> -> memref<32x128xf32, #tpu.memory_space<hbm>>
      %dma_wait3A_43 = arith.constant 0 : i32
      %dma_wait3A_44 = tpu.memref_slice %arg11[%mul3A_36, %dma_wait3A_43] : memref<528x128xf32, #tpu.memory_space<vmem_shared>> -> memref<32x128xf32, #tpu.memory_space<vmem_shared>>
      tpu.wait_dma2 semaphore(%run_scoped3A : memref<!tpu.dma_semaphore, #tpu.memory_space<semaphore_mem>>) src(%dma_wait3A_44 : memref<32x128xf32, #tpu.memory_space<vmem_shared>>) dst(%dma_wait3A_42 : memref<32x128xf32, #tpu.memory_space<hbm>>)
      tpu.yield
    }) : () -> ()
    return
  }
}

module attributes {stable_mosaic.version = 14 : i64} {
  func.func @body(%arg0: i32, %arg1: memref<512x1xi32, #tpu.memory_space<vmem>>, %arg2: memref<512x1xf32, #tpu.memory_space<vmem>>, %arg3: memref<1x1xf32, #tpu.memory_space<smem>>, %arg4: memref<128x128xf32, #tpu.memory_space<vmem>>, %arg5: memref<512x128xf32, #tpu.memory_space<vmem>>) attributes {dimension_semantics = [#tpu.dimension_semantics<arbitrary>], iteration_bounds = array<i64: 20>, scalar_prefetch = 0 : i64, scratch_operands = 0 : i64, tpu.core_type = #tpu.core_type<tc>, window_params = [{transform_indices = @transform_0, window_bounds = array<i64: 512, 1>}, {transform_indices = @transform_1, window_bounds = array<i64: 512, 1>}, {transform_indices = @transform_2, window_bounds = array<i64: 1, 1>}, {pipeline_mode = #tpu.pipeline_mode<synchronous>, transform_indices = @transform_3, window_bounds = array<i64: 128, 128>}, {transform_indices = @transform_4, window_bounds = array<i64: 512, 128>}]} {
    %get3A = arith.constant 0 : index
    %get3A_0 = arith.constant 0 : index
    %get3A_1 = vector.load %arg1[%get3A, %get3A_0] : memref<512x1xi32, #tpu.memory_space<vmem>>, vector<512x1xi32>
    %iota3A = tpu.iota {dimensions = array<i32: 1>} : vector<512x128xi32>
    %eq3A = vector.broadcast %get3A_1 : vector<512x1xi32> to vector<512x128xi32>
    %eq3A_2 = arith.cmpi eq, %eq3A, %iota3A : vector<512x128xi32>
    %convert_element_type3A = arith.extui %eq3A_2 : vector<512x128xi1> to vector<512x128xi32>
    %convert_element_type3A_3 = arith.sitofp %convert_element_type3A : vector<512x128xi32> to vector<512x128xf32>
    %get3A_4 = arith.constant 0 : index
    %get3A_5 = arith.constant 0 : index
    %get3A_6 = vector.load %arg4[%get3A_4, %get3A_5] : memref<128x128xf32, #tpu.memory_space<vmem>>, vector<128x128xf32>
    %dot_general3A = arith.constant dense<0.000000e+00> : vector<512x128xf32>
    %dot_general3A_7 = tpu.matmul %convert_element_type3A_3, %get3A_6, %dot_general3A {dimension_numbers = #tpu.dot_dimension_numbers<[1], [0], [0], [1], [0, 0, 1, 1], [], []>, precision = #tpu.contract_precision<fp32>, transpose_lhs_hint = false} : vector<512x128xf32>, vector<128x128xf32>, vector<512x128xf32> -> vector<512x128xf32>
    %get3A_8 = arith.constant 0 : index
    %get3A_9 = arith.constant 0 : index
    %get3A_10 = memref.load %arg3[%get3A_8, %get3A_9] : memref<1x1xf32, #tpu.memory_space<smem>>
    %get3A_11 = arith.constant 0 : index
    %get3A_12 = arith.constant 0 : index
    %get3A_13 = vector.load %arg2[%get3A_11, %get3A_12] : memref<512x1xf32, #tpu.memory_space<vmem>>, vector<512x1xf32>
    %mul3A = vector.broadcast %get3A_10 : f32 to vector<512x1xf32>
    %mul3A_14 = arith.mulf %mul3A, %get3A_13 : vector<512x1xf32>
    %add3A = vector.broadcast %mul3A_14 : vector<512x1xf32> to vector<512x128xf32>
    %add3A_15 = arith.addf %dot_general3A_7, %add3A : vector<512x128xf32>
    %swap3A = arith.constant 0 : index
    %swap3A_16 = arith.constant 0 : index
    %swap3A_17 = vector.load %arg5[%swap3A, %swap3A_16] : memref<512x128xf32, #tpu.memory_space<vmem>>, vector<512x128xf32>
    tpu.vector_store %arg5[%swap3A, %swap3A_16], %add3A_15 {strides = array<i32>} : memref<512x128xf32, #tpu.memory_space<vmem>>, vector<512x128xf32>,
    return
  }
  func.func @transform_0(%arg0: i32) -> (i32, i32) {
    %c0_i32 = arith.constant 0 : i32
    %c0_i32_0 = arith.constant 0 : i32
    return %arg0, %c0_i32 : i32, i32
  }
  func.func @transform_1(%arg0: i32) -> (i32, i32) {
    %c0_i32 = arith.constant 0 : i32
    %c0_i32_0 = arith.constant 0 : i32
    return %arg0, %c0_i32 : i32, i32
  }
  func.func @transform_2(%arg0: i32) -> (i32, i32) {
    %c0_i32 = arith.constant 0 : i32
    %c0_i32_0 = arith.constant 0 : i32
    %c0_i32_1 = arith.constant 0 : i32
    return %c0_i32, %c0_i32_0 : i32, i32
  }
  func.func @transform_3(%arg0: i32) -> (i32, i32) {
    %c0_i32 = arith.constant 0 : i32
    %c0_i32_0 = arith.constant 0 : i32
    %c0_i32_1 = arith.constant 0 : i32
    return %c0_i32, %c0_i32_0 : i32, i32
  }
  func.func @transform_4(%arg0: i32) -> (i32, i32) {
    %c0_i32 = arith.constant 0 : i32
    %c0_i32_0 = arith.constant 0 : i32
    return %arg0, %c0_i32 : i32, i32
  }
}

module attributes {stable_mosaic.version = 14 : i64} {
  func.func @body(%arg0: i32, %arg1: memref<512x128xf32, #tpu.memory_space<vmem>>, %arg2: memref<1x512x128xf32, #tpu.memory_space<vmem>>, %arg3: memref<1x512x128xf32, #tpu.memory_space<vmem>>, %arg4: memref<1x1xf32, #tpu.memory_space<smem>>, %arg5: memref<128x128xf32, #tpu.memory_space<vmem>>, %arg6: memref<1x128xf32, #tpu.memory_space<vmem>>, %arg7: memref<128x128xf32, #tpu.memory_space<vmem>>, %arg8: memref<1x128xf32, #tpu.memory_space<vmem>>, %arg9: memref<512x128xf32, #tpu.memory_space<vmem>>, %arg10: memref<2x128xf32, #tpu.memory_space<vmem>>) attributes {dimension_semantics = [#tpu.dimension_semantics<arbitrary>], iteration_bounds = array<i64: 20>, scalar_prefetch = 0 : i64, scratch_operands = 0 : i64, tpu.core_type = #tpu.core_type<tc>, window_params = [{transform_indices = @transform_0, window_bounds = array<i64: 512, 128>}, {transform_indices = @transform_1, window_bounds = array<i64: 1, 512, 128>}, {transform_indices = @transform_2, window_bounds = array<i64: 1, 512, 128>}, {transform_indices = @transform_3, window_bounds = array<i64: 1, 1>}, {pipeline_mode = #tpu.pipeline_mode<synchronous>, transform_indices = @transform_4, window_bounds = array<i64: 128, 128>}, {pipeline_mode = #tpu.pipeline_mode<synchronous>, transform_indices = @transform_5, window_bounds = array<i64: 1, 128>}, {pipeline_mode = #tpu.pipeline_mode<synchronous>, transform_indices = @transform_6, window_bounds = array<i64: 128, 128>}, {pipeline_mode = #tpu.pipeline_mode<synchronous>, transform_indices = @transform_7, window_bounds = array<i64: 1, 128>}, {transform_indices = @transform_8, window_bounds = array<i64: 512, 128>}, {pipeline_mode = #tpu.pipeline_mode<synchronous>, transform_indices = @transform_9, window_bounds = array<i64: 2, 128>}]} {
    %get3A = arith.constant 0 : index
    %get3A_0 = arith.constant 0 : index
    %get3A_1 = memref.load %arg4[%get3A, %get3A_0] : memref<1x1xf32, #tpu.memory_space<smem>>
    %add3A = arith.constant 1.000000e+00 : f32
    %add3A_2 = arith.addf %add3A, %get3A_1 : f32
    %get3A_3 = arith.constant 0 : index
    %get3A_4 = arith.constant 0 : index
    %get3A_5 = vector.load %arg1[%get3A_3, %get3A_4] : memref<512x128xf32, #tpu.memory_space<vmem>>, vector<512x128xf32>
    %mul3A = vector.broadcast %add3A_2 : f32 to vector<512x128xf32>
    %mul3A_6 = arith.mulf %mul3A, %get3A_5 : vector<512x128xf32>
    %get3A_7 = arith.constant 0 : index
    %get3A_8 = arith.constant 0 : index
    %get3A_9 = arith.constant 0 : index
    %get3A_10 = vector.load %arg2[%get3A_7, %get3A_8, %get3A_9] : memref<1x512x128xf32, #tpu.memory_space<vmem>>, vector<1x512x128xf32>
    %get3A_11 = vector.shape_cast %get3A_10 : vector<1x512x128xf32> to vector<512x128xf32>
    %get3A_12 = arith.constant 0 : index
    %get3A_13 = arith.constant 0 : index
    %get3A_14 = arith.constant 0 : index
    %get3A_15 = vector.load %arg3[%get3A_12, %get3A_13, %get3A_14] : memref<1x512x128xf32, #tpu.memory_space<vmem>>, vector<1x512x128xf32>
    %get3A_16 = vector.shape_cast %get3A_15 : vector<1x512x128xf32> to vector<512x128xf32>
    %add3A_17 = arith.addf %get3A_11, %get3A_16 : vector<512x128xf32>
    %add3A_18 = arith.addf %mul3A_6, %add3A_17 : vector<512x128xf32>
    %get3A_19 = arith.constant 0 : index
    %get3A_20 = arith.constant 0 : index
    %get3A_21 = vector.load %arg5[%get3A_19, %get3A_20] : memref<128x128xf32, #tpu.memory_space<vmem>>, vector<128x128xf32>
    %dot_general3A = arith.constant dense<0.000000e+00> : vector<512x128xf32>
    %dot_general3A_22 = tpu.matmul %add3A_18, %get3A_21, %dot_general3A {dimension_numbers = #tpu.dot_dimension_numbers<[1], [0], [0], [1], [0, 0, 1, 1], [], []>, precision = #tpu.contract_precision<fp32>, transpose_lhs_hint = false} : vector<512x128xf32>, vector<128x128xf32>, vector<512x128xf32> -> vector<512x128xf32>
    %get3A_23 = arith.constant 0 : index
    %get3A_24 = arith.constant 0 : index
    %get3A_25 = vector.load %arg6[%get3A_23, %get3A_24] : memref<1x128xf32, #tpu.memory_space<vmem>>, vector<1x128xf32>
    %add3A_26 = vector.broadcast %get3A_25 : vector<1x128xf32> to vector<512x128xf32>
    %add3A_27 = arith.addf %dot_general3A_22, %add3A_26 : vector<512x128xf32>
    %max3A = arith.constant 0.000000e+00 : f32
    %max3A_28 = vector.broadcast %max3A : f32 to vector<512x128xf32>
    %max3A_29 = arith.maximumf %add3A_27, %max3A_28 : vector<512x128xf32>
    %get3A_30 = arith.constant 0 : index
    %get3A_31 = arith.constant 0 : index
    %get3A_32 = vector.load %arg7[%get3A_30, %get3A_31] : memref<128x128xf32, #tpu.memory_space<vmem>>, vector<128x128xf32>
    %dot_general3A_33 = arith.constant dense<0.000000e+00> : vector<512x128xf32>
    %dot_general3A_34 = tpu.matmul %max3A_29, %get3A_32, %dot_general3A_33 {dimension_numbers = #tpu.dot_dimension_numbers<[1], [0], [0], [1], [0, 0, 1, 1], [], []>, precision = #tpu.contract_precision<fp32>, transpose_lhs_hint = false} : vector<512x128xf32>, vector<128x128xf32>, vector<512x128xf32> -> vector<512x128xf32>
    %get3A_35 = arith.constant 0 : index
    %get3A_36 = arith.constant 0 : index
    %get3A_37 = vector.load %arg8[%get3A_35, %get3A_36] : memref<1x128xf32, #tpu.memory_space<vmem>>, vector<1x128xf32>
    %add3A_38 = vector.broadcast %get3A_37 : vector<1x128xf32> to vector<512x128xf32>
    %add3A_39 = arith.addf %dot_general3A_34, %add3A_38 : vector<512x128xf32>
    %mul3A_40 = arith.constant 512 : i32
    %mul3A_41 = arith.muli %arg0, %mul3A_40 : i32
    %iota3A = tpu.iota {dimensions = array<i32: 0>} : vector<512x1xi32>
    %add3A_42 = vector.broadcast %mul3A_41 : i32 to vector<512x1xi32>
    %add3A_43 = arith.addi %add3A_42, %iota3A : vector<512x1xi32>
    %lt3A = arith.constant 10000 : i32
    %lt3A_44 = vector.broadcast %lt3A : i32 to vector<512x1xi32>
    %lt3A_45 = arith.cmpi slt, %add3A_43, %lt3A_44 : vector<512x1xi32>
    %jit3A = arith.constant 0.000000e+00 : f32
    %broadcast_in_dim3A = vector.shape_cast %lt3A_45 : vector<512x1xi1> to vector<512x1xi1>
    %broadcast_in_dim3A_46 = vector.broadcast %broadcast_in_dim3A : vector<512x1xi1> to vector<512x128xi1>
    %broadcast_in_dim3A_47 = vector.broadcast %jit3A : f32 to vector<512x128xf32>
    %select_n3A = arith.select %broadcast_in_dim3A_46, %add3A_39, %broadcast_in_dim3A_47 : vector<512x128xi1>, vector<512x128xf32>
    %swap3A = arith.constant 0 : index
    %swap3A_48 = arith.constant 0 : index
    %swap3A_49 = vector.load %arg9[%swap3A, %swap3A_48] : memref<512x128xf32, #tpu.memory_space<vmem>>, vector<512x128xf32>
    tpu.vector_store %arg9[%swap3A, %swap3A_48], %select_n3A {strides = array<i32>} : memref<512x128xf32, #tpu.memory_space<vmem>>, vector<512x128xf32>,
    %eq3A = arith.constant 0 : i32
    %eq3A_50 = arith.cmpi eq, %arg0, %eq3A : i32
    %convert_element_type3A = arith.extui %eq3A_50 : i1 to i32
    %cond3A = arith.constant 0 : i32
    %cond3A_51 = arith.cmpi ne, %convert_element_type3A, %cond3A : i32
    scf.if %cond3A_51 {
      %broadcast_in_dim3A_72 = arith.constant 0.000000e+00 : f32
      %broadcast_in_dim3A_73 = vector.broadcast %broadcast_in_dim3A_72 : f32 to vector<2x128xf32>
      %swap3A_74 = arith.constant 0 : index
      %swap3A_75 = arith.constant 0 : index
      %swap3A_76 = vector.load %arg10[%swap3A_74, %swap3A_75] : memref<2x128xf32, #tpu.memory_space<vmem>>, vector<2x128xf32>
      tpu.vector_store %arg10[%swap3A_74, %swap3A_75], %broadcast_in_dim3A_73 {strides = array<i32>} : memref<2x128xf32, #tpu.memory_space<vmem>>, vector<2x128xf32>,
    } else {
    }
    %get3A_52 = arith.constant 0 : index
    %get3A_53 = arith.constant 0 : index
    %get3A_54 = vector.load %arg10[%get3A_52, %get3A_53] : memref<2x128xf32, #tpu.memory_space<vmem>>, vector<1x128xf32>
    %reduce_sum3A = arith.constant dense<0.000000e+00> : vector<128xf32>
    %reduce_sum3A_55 = vector.multi_reduction <add>, %select_n3A, %reduce_sum3A [0] : vector<512x128xf32> to vector<128xf32>
    %broadcast_in_dim3A_56 = vector.shape_cast %reduce_sum3A_55 : vector<128xf32> to vector<1x128xf32>
    %add3A_57 = arith.addf %get3A_54, %broadcast_in_dim3A_56 : vector<1x128xf32>
    %swap3A_58 = arith.constant 0 : index
    %swap3A_59 = arith.constant 0 : index
    %swap3A_60 = vector.load %arg10[%swap3A_58, %swap3A_59] : memref<2x128xf32, #tpu.memory_space<vmem>>, vector<1x128xf32>
    tpu.vector_store %arg10[%swap3A_58, %swap3A_59], %add3A_57 {strides = array<i32>} : memref<2x128xf32, #tpu.memory_space<vmem>>, vector<1x128xf32>,
    %get3A_61 = arith.constant 1 : index
    %get3A_62 = arith.constant 0 : index
    %get3A_63 = vector.load %arg10[%get3A_61, %get3A_62] : memref<2x128xf32, #tpu.memory_space<vmem>>, vector<1x128xf32>
    %mul3A_64 = arith.mulf %select_n3A, %select_n3A : vector<512x128xf32>
    %reduce_sum3A_65 = arith.constant dense<0.000000e+00> : vector<128xf32>
    %reduce_sum3A_66 = vector.multi_reduction <add>, %mul3A_64, %reduce_sum3A_65 [0] : vector<512x128xf32> to vector<128xf32>
    %broadcast_in_dim3A_67 = vector.shape_cast %reduce_sum3A_66 : vector<128xf32> to vector<1x128xf32>
    %add3A_68 = arith.addf %get3A_63, %broadcast_in_dim3A_67 : vector<1x128xf32>
    %swap3A_69 = arith.constant 1 : index
    %swap3A_70 = arith.constant 0 : index
    %swap3A_71 = vector.load %arg10[%swap3A_69, %swap3A_70] : memref<2x128xf32, #tpu.memory_space<vmem>>, vector<1x128xf32>
    tpu.vector_store %arg10[%swap3A_69, %swap3A_70], %add3A_68 {strides = array<i32>} : memref<2x128xf32, #tpu.memory_space<vmem>>, vector<1x128xf32>,
    return
  }
  func.func @transform_0(%arg0: i32) -> (i32, i32) {
    %c0_i32 = arith.constant 0 : i32
    %c0_i32_0 = arith.constant 0 : i32
    return %arg0, %c0_i32 : i32, i32
  }
  func.func @transform_1(%arg0: i32) -> (i32, i32, i32) {
    %c0_i32 = arith.constant 0 : i32
    %c0_i32_0 = arith.constant 0 : i32
    %c0_i32_1 = arith.constant 0 : i32
    return %c0_i32, %arg0, %c0_i32_0 : i32, i32, i32
  }
  func.func @transform_2(%arg0: i32) -> (i32, i32, i32) {
    %c1_i32 = arith.constant 1 : i32
    %c0_i32 = arith.constant 0 : i32
    %c0_i32_0 = arith.constant 0 : i32
    return %c1_i32, %arg0, %c0_i32 : i32, i32, i32
  }
  func.func @transform_3(%arg0: i32) -> (i32, i32) {
    %c0_i32 = arith.constant 0 : i32
    %c0_i32_0 = arith.constant 0 : i32
    %c0_i32_1 = arith.constant 0 : i32
    return %c0_i32, %c0_i32_0 : i32, i32
  }
  func.func @transform_4(%arg0: i32) -> (i32, i32) {
    %c0_i32 = arith.constant 0 : i32
    %c0_i32_0 = arith.constant 0 : i32
    %c0_i32_1 = arith.constant 0 : i32
    return %c0_i32, %c0_i32_0 : i32, i32
  }
  func.func @transform_5(%arg0: i32) -> (i32, i32) {
    %c0_i32 = arith.constant 0 : i32
    %c0_i32_0 = arith.constant 0 : i32
    %c0_i32_1 = arith.constant 0 : i32
    return %c0_i32, %c0_i32_0 : i32, i32
  }
  func.func @transform_6(%arg0: i32) -> (i32, i32) {
    %c0_i32 = arith.constant 0 : i32
    %c0_i32_0 = arith.constant 0 : i32
    %c0_i32_1 = arith.constant 0 : i32
    return %c0_i32, %c0_i32_0 : i32, i32
  }
  func.func @transform_7(%arg0: i32) -> (i32, i32) {
    %c0_i32 = arith.constant 0 : i32
    %c0_i32_0 = arith.constant 0 : i32
    %c0_i32_1 = arith.constant 0 : i32
    return %c0_i32, %c0_i32_0 : i32, i32
  }
  func.func @transform_8(%arg0: i32) -> (i32, i32) {
    %c0_i32 = arith.constant 0 : i32
    %c0_i32_0 = arith.constant 0 : i32
    return %arg0, %c0_i32 : i32, i32
  }
  func.func @transform_9(%arg0: i32) -> (i32, i32) {
    %c0_i32 = arith.constant 0 : i32
    %c0_i32_0 = arith.constant 0 : i32
    %c0_i32_1 = arith.constant 0 : i32
    return %c0_i32, %c0_i32_0 : i32, i32
  }
}

module attributes {stable_mosaic.version = 14 : i64} {
  func.func @body(%arg0: i32, %arg1: memref<512x128xf32, #tpu.memory_space<vmem>>, %arg2: memref<512x128xf32, #tpu.memory_space<vmem>>, %arg3: memref<2x128xf32, #tpu.memory_space<vmem>>, %arg4: memref<1x128xf32, #tpu.memory_space<vmem>>, %arg5: memref<1x128xf32, #tpu.memory_space<vmem>>, %arg6: memref<512x128xf32, #tpu.memory_space<vmem>>) attributes {dimension_semantics = [#tpu.dimension_semantics<arbitrary>], iteration_bounds = array<i64: 20>, scalar_prefetch = 0 : i64, scratch_operands = 0 : i64, tpu.core_type = #tpu.core_type<tc>, window_params = [{transform_indices = @transform_0, window_bounds = array<i64: 512, 128>}, {transform_indices = @transform_1, window_bounds = array<i64: 512, 128>}, {pipeline_mode = #tpu.pipeline_mode<synchronous>, transform_indices = @transform_2, window_bounds = array<i64: 2, 128>}, {pipeline_mode = #tpu.pipeline_mode<synchronous>, transform_indices = @transform_3, window_bounds = array<i64: 1, 128>}, {pipeline_mode = #tpu.pipeline_mode<synchronous>, transform_indices = @transform_4, window_bounds = array<i64: 1, 128>}, {transform_indices = @transform_5, window_bounds = array<i64: 512, 128>}]} {
    %get3A = arith.constant 0 : index
    %get3A_0 = arith.constant 0 : index
    %get3A_1 = vector.load %arg3[%get3A, %get3A_0] : memref<2x128xf32, #tpu.memory_space<vmem>>, vector<2x128xf32>
    %slice3A = vector.extract_strided_slice %get3A_1 {offsets = [0, 0], sizes = [1, 128], strides = [1, 1]} : vector<2x128xf32> to vector<1x128xf32>
    %mul3A = arith.constant 9.99999974E-5 : f32
    %mul3A_2 = vector.broadcast %mul3A : f32 to vector<1x128xf32>
    %mul3A_3 = arith.mulf %slice3A, %mul3A_2 : vector<1x128xf32>
    %slice3A_4 = vector.extract_strided_slice %get3A_1 {offsets = [1, 0], sizes = [1, 128], strides = [1, 1]} : vector<2x128xf32> to vector<1x128xf32>
    %mul3A_5 = arith.constant 9.99999974E-5 : f32
    %mul3A_6 = vector.broadcast %mul3A_5 : f32 to vector<1x128xf32>
    %mul3A_7 = arith.mulf %slice3A_4, %mul3A_6 : vector<1x128xf32>
    %mul3A_8 = arith.mulf %mul3A_3, %mul3A_3 : vector<1x128xf32>
    %sub3A = arith.subf %mul3A_7, %mul3A_8 : vector<1x128xf32>
    %add3A = arith.constant 9.99999974E-6 : f32
    %add3A_9 = vector.broadcast %add3A : f32 to vector<1x128xf32>
    %add3A_10 = arith.addf %sub3A, %add3A_9 : vector<1x128xf32>
    %rsqrt3A = math.rsqrt %add3A_10 : vector<1x128xf32>
    %get3A_11 = arith.constant 0 : index
    %get3A_12 = arith.constant 0 : index
    %get3A_13 = vector.load %arg1[%get3A_11, %get3A_12] : memref<512x128xf32, #tpu.memory_space<vmem>>, vector<512x128xf32>
    %sub3A_14 = vector.broadcast %mul3A_3 : vector<1x128xf32> to vector<512x128xf32>
    %sub3A_15 = arith.subf %get3A_13, %sub3A_14 : vector<512x128xf32>
    %get3A_16 = arith.constant 0 : index
    %get3A_17 = arith.constant 0 : index
    %get3A_18 = vector.load %arg4[%get3A_16, %get3A_17] : memref<1x128xf32, #tpu.memory_space<vmem>>, vector<1x128xf32>
    %mul3A_19 = arith.mulf %rsqrt3A, %get3A_18 : vector<1x128xf32>
    %mul3A_20 = vector.broadcast %mul3A_19 : vector<1x128xf32> to vector<512x128xf32>
    %mul3A_21 = arith.mulf %sub3A_15, %mul3A_20 : vector<512x128xf32>
    %get3A_22 = arith.constant 0 : index
    %get3A_23 = arith.constant 0 : index
    %get3A_24 = vector.load %arg5[%get3A_22, %get3A_23] : memref<1x128xf32, #tpu.memory_space<vmem>>, vector<1x128xf32>
    %add3A_25 = vector.broadcast %get3A_24 : vector<1x128xf32> to vector<512x128xf32>
    %add3A_26 = arith.addf %mul3A_21, %add3A_25 : vector<512x128xf32>
    %get3A_27 = arith.constant 0 : index
    %get3A_28 = arith.constant 0 : index
    %get3A_29 = vector.load %arg2[%get3A_27, %get3A_28] : memref<512x128xf32, #tpu.memory_space<vmem>>, vector<512x128xf32>
    %max3A = arith.constant 0.000000e+00 : f32
    %max3A_30 = vector.broadcast %max3A : f32 to vector<512x128xf32>
    %max3A_31 = arith.maximumf %add3A_26, %max3A_30 : vector<512x128xf32>
    %add3A_32 = arith.addf %get3A_29, %max3A_31 : vector<512x128xf32>
    %mul3A_33 = arith.constant 512 : i32
    %mul3A_34 = arith.muli %arg0, %mul3A_33 : i32
    %iota3A = tpu.iota {dimensions = array<i32: 0>} : vector<512x1xi32>
    %add3A_35 = vector.broadcast %mul3A_34 : i32 to vector<512x1xi32>
    %add3A_36 = arith.addi %add3A_35, %iota3A : vector<512x1xi32>
    %lt3A = arith.constant 10000 : i32
    %lt3A_37 = vector.broadcast %lt3A : i32 to vector<512x1xi32>
    %lt3A_38 = arith.cmpi slt, %add3A_36, %lt3A_37 : vector<512x1xi32>
    %jit3A = arith.constant 0.000000e+00 : f32
    %broadcast_in_dim3A = vector.shape_cast %lt3A_38 : vector<512x1xi1> to vector<512x1xi1>
    %broadcast_in_dim3A_39 = vector.broadcast %broadcast_in_dim3A : vector<512x1xi1> to vector<512x128xi1>
    %broadcast_in_dim3A_40 = vector.broadcast %jit3A : f32 to vector<512x128xf32>
    %select_n3A = arith.select %broadcast_in_dim3A_39, %add3A_32, %broadcast_in_dim3A_40 : vector<512x128xi1>, vector<512x128xf32>
    %swap3A = arith.constant 0 : index
    %swap3A_41 = arith.constant 0 : index
    %swap3A_42 = vector.load %arg6[%swap3A, %swap3A_41] : memref<512x128xf32, #tpu.memory_space<vmem>>, vector<512x128xf32>
    tpu.vector_store %arg6[%swap3A, %swap3A_41], %select_n3A {strides = array<i32>} : memref<512x128xf32, #tpu.memory_space<vmem>>, vector<512x128xf32>,
    return
  }
  func.func @transform_0(%arg0: i32) -> (i32, i32) {
    %c0_i32 = arith.constant 0 : i32
    %c0_i32_0 = arith.constant 0 : i32
    return %arg0, %c0_i32 : i32, i32
  }
  func.func @transform_1(%arg0: i32) -> (i32, i32) {
    %c0_i32 = arith.constant 0 : i32
    %c0_i32_0 = arith.constant 0 : i32
    return %arg0, %c0_i32 : i32, i32
  }
  func.func @transform_2(%arg0: i32) -> (i32, i32) {
    %c0_i32 = arith.constant 0 : i32
    %c0_i32_0 = arith.constant 0 : i32
    %c0_i32_1 = arith.constant 0 : i32
    return %c0_i32, %c0_i32_0 : i32, i32
  }
  func.func @transform_3(%arg0: i32) -> (i32, i32) {
    %c0_i32 = arith.constant 0 : i32
    %c0_i32_0 = arith.constant 0 : i32
    %c0_i32_1 = arith.constant 0 : i32
    return %c0_i32, %c0_i32_0 : i32, i32
  }
  func.func @transform_4(%arg0: i32) -> (i32, i32) {
    %c0_i32 = arith.constant 0 : i32
    %c0_i32_0 = arith.constant 0 : i32
    %c0_i32_1 = arith.constant 0 : i32
    return %c0_i32, %c0_i32_0 : i32, i32
  }
  func.func @transform_5(%arg0: i32) -> (i32, i32) {
    %c0_i32 = arith.constant 0 : i32
    %c0_i32_0 = arith.constant 0 : i32
    return %arg0, %c0_i32 : i32, i32
  }
}

module attributes {stable_mosaic.version = 14 : i64} {
  func.func @body(%arg0: memref<512x128xf32, #tpu.memory_space<vmem>>, %arg1: memref<512x128xf32, #tpu.memory_space<vmem>>, %arg2: memref<512x128xf32, #tpu.memory_space<vmem>>, %arg3: memref<512x128xf32, #tpu.memory_space<vmem>>, %arg4: memref<128x128xf32, #tpu.memory_space<vmem>>, %arg5: memref<1x128xf32, #tpu.memory_space<vmem>>, %arg6: memref<128x128xf32, #tpu.memory_space<vmem>>, %arg7: memref<1x128xf32, #tpu.memory_space<vmem>>, %arg8: memref<128x128xf32, #tpu.memory_space<vmem>>, %arg9: memref<1x128xf32, #tpu.memory_space<vmem>>, %arg10: memref<512x128xf32, #tpu.memory_space<vmem>>) attributes {dimension_semantics = [], scalar_prefetch = 0 : i64, scratch_operands = 0 : i64, tpu.core_type = #tpu.core_type<tc>} {
    %get3A = arith.constant 0 : index
    %get3A_0 = arith.constant 0 : index
    %get3A_1 = vector.load %arg0[%get3A, %get3A_0] : memref<512x128xf32, #tpu.memory_space<vmem>>, vector<512x128xf32>
    %get3A_2 = arith.constant 0 : index
    %get3A_3 = arith.constant 0 : index
    %get3A_4 = vector.load %arg1[%get3A_2, %get3A_3] : memref<512x128xf32, #tpu.memory_space<vmem>>, vector<512x128xf32>
    %add3A = arith.addf %get3A_1, %get3A_4 : vector<512x128xf32>
    %get3A_5 = arith.constant 0 : index
    %get3A_6 = arith.constant 0 : index
    %get3A_7 = vector.load %arg2[%get3A_5, %get3A_6] : memref<512x128xf32, #tpu.memory_space<vmem>>, vector<512x128xf32>
    %get3A_8 = arith.constant 0 : index
    %get3A_9 = arith.constant 0 : index
    %get3A_10 = vector.load %arg3[%get3A_8, %get3A_9] : memref<512x128xf32, #tpu.memory_space<vmem>>, vector<512x128xf32>
    %add3A_11 = arith.addf %get3A_7, %get3A_10 : vector<512x128xf32>
    %slice3A = vector.extract_strided_slice %add3A_11 {offsets = [0, 0], sizes = [512, 1], strides = [1, 1]} : vector<512x128xf32> to vector<512x1xf32>
    %max3A = arith.constant 1.000000e+00 : f32
    %max3A_12 = vector.broadcast %max3A : f32 to vector<512x1xf32>
    %max3A_13 = arith.maximumf %slice3A, %max3A_12 : vector<512x1xf32>
    %div3A = vector.broadcast %max3A_13 : vector<512x1xf32> to vector<512x128xf32>
    %div3A_14 = arith.divf %add3A, %div3A : vector<512x128xf32>
    %get3A_15 = arith.constant 0 : index
    %get3A_16 = arith.constant 0 : index
    %get3A_17 = vector.load %arg4[%get3A_15, %get3A_16] : memref<128x128xf32, #tpu.memory_space<vmem>>, vector<128x128xf32>
    %dot_general3A = arith.constant dense<0.000000e+00> : vector<512x128xf32>
    %dot_general3A_18 = tpu.matmul %div3A_14, %get3A_17, %dot_general3A {dimension_numbers = #tpu.dot_dimension_numbers<[1], [0], [0], [1], [0, 0, 1, 1], [], []>, precision = #tpu.contract_precision<fp32>, transpose_lhs_hint = false} : vector<512x128xf32>, vector<128x128xf32>, vector<512x128xf32> -> vector<512x128xf32>
    %get3A_19 = arith.constant 0 : index
    %get3A_20 = arith.constant 0 : index
    %get3A_21 = vector.load %arg5[%get3A_19, %get3A_20] : memref<1x128xf32, #tpu.memory_space<vmem>>, vector<1x128xf32>
    %add3A_22 = vector.broadcast %get3A_21 : vector<1x128xf32> to vector<512x128xf32>
    %add3A_23 = arith.addf %dot_general3A_18, %add3A_22 : vector<512x128xf32>
    %max3A_24 = arith.constant 0.000000e+00 : f32
    %max3A_25 = vector.broadcast %max3A_24 : f32 to vector<512x128xf32>
    %max3A_26 = arith.maximumf %add3A_23, %max3A_25 : vector<512x128xf32>
    %get3A_27 = arith.constant 0 : index
    %get3A_28 = arith.constant 0 : index
    %get3A_29 = vector.load %arg6[%get3A_27, %get3A_28] : memref<128x128xf32, #tpu.memory_space<vmem>>, vector<128x128xf32>
    %dot_general3A_30 = arith.constant dense<0.000000e+00> : vector<512x128xf32>
    %dot_general3A_31 = tpu.matmul %max3A_26, %get3A_29, %dot_general3A_30 {dimension_numbers = #tpu.dot_dimension_numbers<[1], [0], [0], [1], [0, 0, 1, 1], [], []>, precision = #tpu.contract_precision<fp32>, transpose_lhs_hint = false} : vector<512x128xf32>, vector<128x128xf32>, vector<512x128xf32> -> vector<512x128xf32>
    %get3A_32 = arith.constant 0 : index
    %get3A_33 = arith.constant 0 : index
    %get3A_34 = vector.load %arg7[%get3A_32, %get3A_33] : memref<1x128xf32, #tpu.memory_space<vmem>>, vector<1x128xf32>
    %add3A_35 = vector.broadcast %get3A_34 : vector<1x128xf32> to vector<512x128xf32>
    %add3A_36 = arith.addf %dot_general3A_31, %add3A_35 : vector<512x128xf32>
    %max3A_37 = arith.constant 0.000000e+00 : f32
    %max3A_38 = vector.broadcast %max3A_37 : f32 to vector<512x128xf32>
    %max3A_39 = arith.maximumf %add3A_36, %max3A_38 : vector<512x128xf32>
    %get3A_40 = arith.constant 0 : index
    %get3A_41 = arith.constant 0 : index
    %get3A_42 = vector.load %arg8[%get3A_40, %get3A_41] : memref<128x128xf32, #tpu.memory_space<vmem>>, vector<128x128xf32>
    %dot_general3A_43 = arith.constant dense<0.000000e+00> : vector<512x128xf32>
    %dot_general3A_44 = tpu.matmul %max3A_39, %get3A_42, %dot_general3A_43 {dimension_numbers = #tpu.dot_dimension_numbers<[1], [0], [0], [1], [0, 0, 1, 1], [], []>, precision = #tpu.contract_precision<fp32>, transpose_lhs_hint = false} : vector<512x128xf32>, vector<128x128xf32>, vector<512x128xf32> -> vector<512x128xf32>
    %get3A_45 = arith.constant 0 : index
    %get3A_46 = arith.constant 0 : index
    %get3A_47 = vector.load %arg9[%get3A_45, %get3A_46] : memref<1x128xf32, #tpu.memory_space<vmem>>, vector<1x128xf32>
    %add3A_48 = vector.broadcast %get3A_47 : vector<1x128xf32> to vector<512x128xf32>
    %add3A_49 = arith.addf %dot_general3A_44, %add3A_48 : vector<512x128xf32>
    %swap3A = arith.constant 0 : index
    %swap3A_50 = arith.constant 0 : index
    %swap3A_51 = vector.load %arg10[%swap3A, %swap3A_50] : memref<512x128xf32, #tpu.memory_space<vmem>>, vector<512x128xf32>
    tpu.vector_store %arg10[%swap3A, %swap3A_50], %add3A_49 {strides = array<i32>} : memref<512x128xf32, #tpu.memory_space<vmem>>, vector<512x128xf32>,
    return
  }
}

</mosaic_0001>

<sc_bundles>
// kernel: kernel.17.cloned.1.call-start
scs
__scs_entry_jumppad:
0x0: {  	(pc) =	sbr.rel $0x88, $3  }
0x1: {  	(tag) =	ssettag $0x0;
	lr =	simm.s32 $0x1  }
0x2: {  	[smem:$0x3F8E] =	sst lr;
	_ =	strace $0xD0000000  }
0x3: {  	_ = 	snop  }
0x4: {  	_ = 	snop  }
0x5: {  	_ = 	snop  }
0x6: {  	_ = 	snop  }
0x7: {  	_ = 	snop  }
__scs_overlays_trampoline_lowered:
0x8: {  	[smem:$0x3F9D] =	sst s0  }
0x9: {  	[smem:$0x3F9E] =	sst s1  }
0xa: {  	[smem:$0x3F9F] =	sst s2  }
0xb: {  	[smem:$0x3FA0] =	sst s3  }
0xc: {  	[smem:$0x3FA1] =	sst s4  }
0xd: {  	[smem:$0x3FA2] =	sst s5  }
0xe: {  	[smem:$0x3FA3] =	sst s6  }
0xf: {  	[smem:$0x3FA4] =	sst s7  }
0x10: {  	[smem:$0x3FA5] =	sst s8  }
0x11: {  	[smem:$0x3FA6] =	sst s9;
	s0 =	simm.s32 @!p0 $0x0  }
0x12: {  	s1 =	sld [smem:$0x3F8C];
	s0 =	simm.s32 @p0 $0x1  }
0x13: {  	[smem:$0x3FA7] =	sst s0;
	s0 =	simm.s32 @!p1 $0x0  }
0x14: {  	s2 =	sld [smem:$0x3F8B];
	s0 =	simm.s32 @p1 $0x1  }
0x15: {  	[smem:$0x3FA8] =	sst s0;
	s0 =	simm.s32 @!p2 $0x0  }
0x16: {  	s3 =	sld [smem:$0x3FDB];
	s0 =	simm.s32 @p2 $0x1  }
0x17: {  	s4 =	simm.s32 $0x1BF5;
	[smem:$0x3FAA] =	sst s0  }
0x18: {  	s0 =	sld [smem:$0x3F8D];
	_ =	swait.ge [sflag:s4], $0x0  }
0x19: {  	s7 =	sld [smem:$0x3F8E]  }
0x1a: {  	s8 =	sadd.s32 $0xFFFFE003, lr  }
0x1b: {  	s9 =	sadd.s32 $0xFFFFFEF7, lr;
	s5 =	simm.s32 $0xFFFFFFFF;
	p2 =	slt.u32 s8, $0xFFFFF086  }
0x1c: {  	p1 =	slt.u32 s9, $0xF7A;
	s5 =	simm.s32 @!p2 $0x0  }
0x1d: {  	s5 =	simm.s32 @p1 $0x1;
	p0 =	seq.s32 s7, s2  }
0x1e: {  	s7 =	smul.u32 @!p0 $0xF7A, s2;
	p2 =	seq.s32 @!p0 s5, $0x0  }
0x1f: {  	s9 =	smul.u32 $0xF7A, s1;
	s8 =	simm.s32 @!p0 $0x1BF5;
	p2 =	por !p2, p0  }
0x20: {  	[sflag:s8] =	ssyncset.s32 @!p0 $0xFFFFF086;
	s6 =	sadd.s32 @!p0 s3, s7;
	s7 =	simm.s32 @!p0 $0x108  }
0x21: {  	s3 =	sadd.s32 s3, s9;
	s6 =	sadd.s32 @!p0 $0x88, s6;
	s7 =	simm.s32 @p2 $0x1082  }
0x22: {  	[simem:s7], [sflag:s8] =	dma.local @!p0 [hbm:s6], $0xF7A  }
0x23: {  	s9 =	sor.u32 $0xD0000000, s2;
	s6 =	simm.s32 $0x108;
	_ =	swait.ge @!p0 [sflag:s8], $0x0  }
0x24: {  	s3 =	sadd.s32 $0x88, s3;
	s6 =	simm.s32 @!p1 $0x1082;
	[sflag:s4] =	ssyncset.s32 $0xFFFFF086  }
0x25: {  	[simem:s6], [sflag:s4] =	dma.local [hbm:s3], $0xF7A  }
0x26: {  	[smem:$0x3F8E] =	sst s1;
	(tag) =	ssettag s2;
	_ =	strace s9  }
0x27: {  	s1 =	sld [smem:$0x3F9E]  }
0x28: {  	s2 =	sld [smem:$0x3F9F]  }
0x29: {  	s4 =	sld [smem:$0x3FA1]  }
0x2a: {  	p0 =	seq.s32 s5, $0x0;
	s5 =	sld [smem:$0x3FA2]  }
0x2b: {  	s6 =	sld [smem:$0x3FA3]  }
0x2c: {  	s7 =	sld [smem:$0x3FA4]  }
0x2d: {  	s3 =	simm.s32 $0x108;
	s8 =	sld [smem:$0x3FA5]  }
0x2e: {  	s3 =	simm.s32 @!p0 $0x1082;
	s9 =	sld [smem:$0x3FA6]  }
0x2f: {  	lr =	sadd.s32 s0, s3;
	s0 =	sld [smem:$0x3F9D]  }
0x30: {  	s3 =	sld [smem:$0x3FA0]  }
0x31: {  	[smem:$0x3FA9] =	sst s10  }
0x32: {  	s10 =	sld [smem:$0x3FA7];
	_ =	sdelay $0x3  }
0x33: {  	p0 =	seq.s32 s10, $0x1;
	s10 =	sld [smem:$0x3FA9];
	_ =	sdelay $0x3  }
0x34: {  	[smem:$0x3FA9] =	sst s10  }
0x35: {  	s10 =	sld [smem:$0x3FA8];
	_ =	sdelay $0x3  }
0x36: {  	p1 =	seq.s32 s10, $0x1;
	s10 =	sld [smem:$0x3FA9];
	_ =	sdelay $0x3  }
0x37: {  	[smem:$0x3FA9] =	sst s10  }
0x38: {  	s10 =	sld [smem:$0x3FAA]  }
0x39: {  	_ = 	snop;
	(pc) =	sbr.ind lr, $3  }
0x3a: {  	_ = 	snop  }
0x3b: {  	_ = 	snop  }
0x3c: {  	p2 =	seq.s32 s10, $0x1;
	s10 =	sld [smem:$0x3FA9]  }
0x3d: {  	_ =	shalt  }
0x3e: {  	_ =	shalt  }
0x3f: {  	_ =	shalt  }
0x40: {  	_ =	shalt  }
0x41: {  	_ =	shalt  }
0x42: {  	_ =	shalt  }
0x43: {  	_ =	shalt  }
0x44: {  	_ =	shalt  }
0x45: {  	_ =	shalt  }
0x46: {  	_ =	shalt  }
0x47: {  	_ =	shalt  }
0x48: {  	_ =	shalt  }
0x49: {  	_ =	shalt  }
0x4a: {  	_ =	shalt  }
0x4b: {  	_ =	shalt  }
0x4c: {  	_ =	shalt  }
0x4d: {  	_ =	shalt  }
0x4e: {  	_ =	shalt  }
0x4f: {  	_ =	shalt  }
0x50: {  	_ =	shalt  }
0x51: {  	_ =	shalt  }
0x52: {  	_ =	shalt  }
0x53: {  	_ =	shalt  }
0x54: {  	_ =	shalt  }
0x55: {  	_ =	shalt  }
0x56: {  	_ =	shalt  }
0x57: {  	_ =	shalt  }
0x58: {  	_ =	shalt  }
0x59: {  	_ =	shalt  }
0x5a: {  	_ =	shalt  }
0x5b: {  	_ =	shalt  }
0x5c: {  	_ =	shalt  }
0x5d: {  	_ =	shalt  }
0x5e: {  	_ =	shalt  }
0x5f: {  	_ =	shalt  }
0x60: {  	_ =	shalt  }
0x61: {  	_ =	shalt  }
0x62: {  	_ =	shalt  }
0x63: {  	_ =	shalt  }
0x64: {  	_ =	shalt  }
0x65: {  	_ =	shalt  }
0x66: {  	_ =	shalt  }
0x67: {  	_ =	shalt  }
0x68: {  	_ =	shalt  }
0x69: {  	_ =	shalt  }
0x6a: {  	_ =	shalt  }
0x6b: {  	_ =	shalt  }
0x6c: {  	_ =	shalt  }
0x6d: {  	_ =	shalt  }
0x6e: {  	_ =	shalt  }
0x6f: {  	_ =	shalt  }
0x70: {  	_ =	shalt  }
0x71: {  	_ =	shalt  }
0x72: {  	_ =	shalt  }
0x73: {  	_ =	shalt  }
0x74: {  	_ =	shalt  }
0x75: {  	_ =	shalt  }
0x76: {  	_ =	shalt  }
0x77: {  	_ =	shalt  }
0x78: {  	_ =	shalt  }
0x79: {  	_ =	shalt  }
0x7a: {  	_ =	shalt  }
0x7b: {  	_ =	shalt  }
0x7c: {  	_ =	shalt  }
0x7d: {  	_ =	shalt  }
0x7e: {  	_ =	shalt  }
0x7f: {  	_ =	shalt  }
0x80: {  	_ =	shalt  }
0x81: {  	_ =	shalt  }
0x82: {  	_ =	shalt  }
0x83: {  	_ =	shalt  }
0x84: {  	_ =	shalt  }
0x85: {  	_ =	shalt  }
0x86: {  	_ =	shalt  }
0x87: {  	_ =	shalt  }
.Lfunc_end0:
.L_simem_size_0:
called_computation_lowered:
.L_overlay_start_0:
0x88: {  	s2 =	sld [smem:$0x3FD9]  }
0x89: {  	s3 =	sld [smem:$0x3FFE];
	_ =	sdelay $0x1  }
0x8a: {  	s1 =	srdreg.scid  }
0x8b: {  	s0 =	sand.u32 $0x1, s1  }
0x8c: {  	s16 =	sshll.u32 s0, $0xA;
	s2 =	sadd.s32 s3, s2  }
0x8d: {  	s2 =	sadd.s32 s2, s16  }
0x8e: {  	[smem:$0x3FB5] =	sst s2  }
0x8f: {  	_ = 	snop  }
0x90: {  	(tm) =	ssettm $0x1  }
0x91: {  	s17 =	sld [smem:$0x3FFB];
	_ =	sdelay $0x3  }
0x92: {  	_ =	strace s17  }
0x93: {  	s2 =	sld [smem:$0x3FFC];
	_ =	sdelay $0x3  }
0x94: {  	_ =	strace s2  }
0x95: {  	s2 =	sld [smem:$0x3FFD];
	_ =	sdelay $0x3  }
0x96: {  	_ =	strace s2  }
0x97: {  	_ =	strace $0x8FFFFFFF  }
0x98: {  	s18 =	sld [smem:$0x3FDB];
	_ =	sdelay $0x1  }
0x99: {  	s19 =	simm.s32 $_scs_section_size  }
0x9a: {  	s4 =	simm.s32 $_size__tile_overlayer_lowered;
	s5 =	simm.s32 $_tile_overlayer_lowered  }
0x9b: {  	s22 =	simm.s32 $0x1BFF;
	s21 =	sshll.u32 s5, $0x1;
	s2 =	sadd.s32 s19, s18  }
0x9c: {  	s6 =	simm.s32 $0x0;
	s20 =	sshll.u32 s4, $0x1;
	s4 =	sadd.s32 s21, s2  }
0x9d: {  	[timem:s6], [sflag:s22] =	dma.local [hbm:s4], s20  }
0x9e: {  	_ =	swait.ge [sflag:s22], s20  }
0x9f: {  	s3 =	ssub.s32 $0x0, s20;
	[sflag:s22] =	ssyncset.done $0x0  }
0xa0: {  	[sflag:s22] =	ssyncadd.s32 s3;
	_ =	sdelay $0x1  }
0xa1: {  	s23 =	simm.s32 $0x1B8B  }
0xa2: {  	_ =	swait.ge [sflag:s23], $0x1  }
0xa3: {  	[sflag:s23] =	ssyncset.done $0x0  }
0xa4: {  	s25 =	simm.s32 $0x1B8E;
	s24 =	sld [smem:$0x3FFE];
	[sflag:s23] =	ssyncadd.s32 $0xFFFFFFFF  }
0xa5: {  	s26 =	simm.s32 $execute0_lowered;
	[smem:$0x3FD2] =	sst s25  }
0xa6: {  	s4 =	sshll.u32 s26, $0x1;
	_ =	strace $0x80000046;
	[dreg:$0x1] =	wrdreg $0xFFFFFFFF  }
0xa7: {  	s28 =	simm.s32 $_size_execute0_lowered;
	s2 =	sadd.s32 s2, s4;
	[dreg:$0x0] =	wrdreg $0x0  }
0xa8: {  	s4 =	sshll.u32 s28, $0x1;
	[dreg:$0x2] =	wrdreg s2  }
0xa9: {  	[dreg:$0x3] =	wrdreg s4  }
0xaa: {  	[dreg:$0x4] =	wrdreg $0xC0  }
0xab: {  	_ =	task [dreg:s6], $0x5FFFF  }
0xac: {  	[dreg:$0x1] =	wrdreg $0xFFFFFFFF  }
0xad: {  	[dreg:$0x0] =	wrdreg $0x60  }
0xae: {  	[dreg:$0x2] =	wrdreg s24  }
0xaf: {  	[dreg:$0x3] =	wrdreg $0xB0000  }
0xb0: {  	[dreg:$0x4] =	wrdreg $0x9  }
0xb1: {  	_ =	task.clear_ibuf [dreg:s6], $0x5FFFF;
	_ =	strace $0x90000046  }
0xb2: {  	s29 =	simm.s32 $0x9;
	_ =	strace $0x80000048  }
0xb3: {  	_ =	swait.ge [sflag:s29], $0x1  }
0xb4: {  	[sflag:s29] =	ssyncadd.s32 $0xFFFFFFFF  }
0xb5: {  	_ =	strace $0x90000048  }
0xb6: {  	_ =	sfence  }
0xb7: {  	s30 =	sld [smem:$0x0];
	_ =	sdelay $0x2  }
0xb8: {  	s31 =	sshll.u32 s1, $0xD;
	s1 =	sshrl.u32 s1, $0x2  }
0xb9: {  	s3 =	sand.u32 $0x4000, s31;
	s1 =	sadd.s32 s1, s30  }
0xba: {  	s0 =	sor.u32 s3, s0;
	s1 =	sshll.u32 s1, $0x11  }
0xbb: {  	s0 =	sor.u32 s1, s0  }
0xbc: {  	s0 =	sadd.s32 $0x8F2B, s0  }
0xbd: {  	[sflag:s0] =	ssyncadd.remote.s32 $0x1  }
0xbe: {  	_ =	sfence.sel $0xFFFF  }
0xbf: {  	[dreg:$0x0] =	wrdreg $0xFFFFFFFF;
	(pc) =	sbr.abs _section_cstart, $3  }
0xc0: {  	[dreg:$0x1] =	wrdreg $0xFFFFFFFF  }
0xc1: {  	_ =	task.clear_ibuf [dreg:s6], $0x2FFFF;
	_ =	strace $0x9FFFFFFF  }
0xc2: {  	(tm) =	ssettm $0x7FFFFFFF  }
0xc3: {  	_ =	shalt  }
tec
execute0_lowered:
.L_overlay_start_1:
0x0: {  	(tag) =	ssettag $0x1  }
0x1: {  	s5 =	rddreg [dreg:$0x0]  }
0x2: {  	s1 =	rddreg [dreg:$0x1]  }
0x3: {  	s2 =	srdreg.scid;
	s0 =	rddreg [dreg:$0x2];
	s3 =	simm.s32 $0x0  }
0x4: {  	s19 =	simm.s32 $0x9000;
	s20 =	simm.s32 $0x2;
	s21 =	simm.s32 $0x2800  }
0x5: {  	s22 =	simm.s32 $0x80;
	s23 =	simm.s32 $0x5000;
	s6 =	sand.u32 $0x1, s2  }
0x6: {  	s24 =	simm.s32 $0x1;
	s2 =	stileid.u32;
	s7 =	smul.u32 $0x140000, s6  }
0x7: {  	[smem:$0x7FF] =	sst s3;
	s4 =	sshll.u32 s6, $0x4;
	s8 =	smul.u32 $0x14000, s2  }
0x8: {  	s29 =	smul.u32 $0x50000, s2;
	s6 =	ssub.s32 $0x2, s6;
	s4 =	sor.u32 s2, s4  }
0x9: {  	_ =	strace $0x80000047;
	s30 =	sshrl.u32 s6, $0x1;
	s9 =	smul.u32 $0x500, s4  }
0xa: {  	s4 =	sadd.s32 $0x19E00, s5;
	s7 =	sadd.s32 s8, s7;
	s31 =	sshrl.u32 s29, $0x2  }
0xb: {  	s11 =	ssub.s32 s6, s30;
	s7 =	sshrl.u32 s7, $0x3;
	s9 =	sadd.s32 s9, s5  }
0xc: {  	s10 =	sadd.s32 s7, s5;
	s5 =	sadd.s32 s31, s1;
	s6 =	sadd.s32 $0x5E00, s9  }
0xd: {  	s7 =	sadd.s32 $0xFE00, s9;
	s8 =	sadd.s32 $0x41E00, s10;
	s9 =	smax.u32 s11, $0x1  }
0xe: {  	s10 =	sadd.s32 $0x2000, s5;
	s11 =	sadd.s32 $0x4000, s5;
	s12 =	sadd.s32 $0x6000, s5  }
0xf: {  	s13 =	sadd.s32 $0x8000, s5;
	s14 =	sadd.s32 $0xA000, s5;
	s15 =	sadd.s32 $0xC000, s5  }
0x10: {  	v0 =	vimm.f32 $0.0e+00;
	s16 =	sadd.s32 $0xE000, s5;
	s17 =	sadd.s32 $0x10000, s5;
	s18 =	sadd.s32 $0x12000, s5  }
.LBB2_1:
0x11: {  	s25 =	simm.s32 $0x0;
	s26 =	simm.s32 $0x200  }
.LBB2_2:
0x12: {  	p0 =	sne.s32 s26, $0x7E00;
	[tilespmem:s25+$0x9070] =	vst v0  }
0x13: {  	[tilespmem:s25+$0x9000] =	vst v0  }
0x14: {  	[tilespmem:s25+$0x9010] =	vst v0  }
.Ltmp0:
0x15: {  	[tilespmem:s25+$0x9020] =	vst v0;
	(pc) =	sbr.rel @p0 .LBB2_2-.Ltmp0, $4  }
0x16: {  	[tilespmem:s25+$0x9030] =	vst v0  }
0x17: {  	[tilespmem:s25+$0x9040] =	vst v0  }
0x18: {  	[tilespmem:s25+$0x9050] =	vst v0  }
0x19: {  	[tilespmem:s25+$0x9060] =	vst v0;
	s25 =	sshra.s32 s26, $0x2;
	s26 =	sadd.s32 $0x200, s26  }
0x1a: {  	[tilespmem:s25+$0x9070] =	vst v0  }
0x1b: {  	[tilespmem:s25+$0x9000] =	vst v0  }
0x1c: {  	[tilespmem:s25+$0x9010] =	vst v0  }
0x1d: {  	[tilespmem:s25+$0x9020] =	vst v0  }
0x1e: {  	[tilespmem:s25+$0x9030] =	vst v0  }
0x1f: {  	[tilespmem:s25+$0x9040] =	vst v0  }
0x20: {  	[tilespmem:s25+$0x9050] =	vst v0  }
0x21: {  	[tilespmem:s25+$0x9060] =	vst v0  }
0x22: {  	[spmem:s5] =	stream.linear.scatter [tilespmem:s19], [sflag:$0x2], $0x2000, $0x38;
	[tilespmem:$0x1F000] =	vst v63  }
0x23: {  	_ =	swait.ge [sflag:s20], $0x2000  }
0x24: {  	[sflag:s20] =	ssyncset.done $0x0  }
0x25: {  	[sflag:s20] =	ssyncadd.s32 $0xFFFFE000  }
0x26: {  	[spmem:s10] =	stream.linear.scatter [tilespmem:s19], [sflag:$0x2], $0x2000, $0x38;
	[tilespmem:$0x1F000] =	vst v63  }
0x27: {  	_ =	swait.ge [sflag:s20], $0x2000  }
0x28: {  	[sflag:s20] =	ssyncset.done $0x0  }
0x29: {  	[sflag:s20] =	ssyncadd.s32 $0xFFFFE000  }
0x2a: {  	[spmem:s11] =	stream.linear.scatter [tilespmem:s19], [sflag:$0x2], $0x2000, $0x38;
	[tilespmem:$0x1F000] =	vst v63  }
0x2b: {  	_ =	swait.ge [sflag:s20], $0x2000  }
0x2c: {  	[sflag:s20] =	ssyncset.done $0x0  }
0x2d: {  	[sflag:s20] =	ssyncadd.s32 $0xFFFFE000  }
0x2e: {  	[spmem:s12] =	stream.linear.scatter [tilespmem:s19], [sflag:$0x2], $0x2000, $0x38;
	[tilespmem:$0x1F000] =	vst v63  }
0x2f: {  	_ =	swait.ge [sflag:s20], $0x2000  }
0x30: {  	[sflag:s20] =	ssyncset.done $0x0  }
0x31: {  	[sflag:s20] =	ssyncadd.s32 $0xFFFFE000  }
0x32: {  	[spmem:s13] =	stream.linear.scatter [tilespmem:s19], [sflag:$0x2], $0x2000, $0x38;
	[tilespmem:$0x1F000] =	vst v63  }
0x33: {  	_ =	swait.ge [sflag:s20], $0x2000  }
0x34: {  	[sflag:s20] =	ssyncset.done $0x0  }
0x35: {  	[sflag:s20] =	ssyncadd.s32 $0xFFFFE000  }
0x36: {  	[spmem:s14] =	stream.linear.scatter [tilespmem:s19], [sflag:$0x2], $0x2000, $0x38;
	[tilespmem:$0x1F000] =	vst v63  }
0x37: {  	_ =	swait.ge [sflag:s20], $0x2000  }
0x38: {  	[sflag:s20] =	ssyncset.done $0x0  }
0x39: {  	[sflag:s20] =	ssyncadd.s32 $0xFFFFE000  }
0x3a: {  	[spmem:s15] =	stream.linear.scatter [tilespmem:s19], [sflag:$0x2], $0x2000, $0x38;
	[tilespmem:$0x1F000] =	vst v63  }
0x3b: {  	_ =	swait.ge [sflag:s20], $0x2000  }
0x3c: {  	[sflag:s20] =	ssyncset.done $0x0  }
0x3d: {  	[sflag:s20] =	ssyncadd.s32 $0xFFFFE000  }
0x3e: {  	[spmem:s16] =	stream.linear.scatter [tilespmem:s19], [sflag:$0x2], $0x2000, $0x38;
	[tilespmem:$0x1F000] =	vst v63  }
0x3f: {  	_ =	swait.ge [sflag:s20], $0x2000  }
0x40: {  	[sflag:s20] =	ssyncset.done $0x0  }
0x41: {  	[sflag:s20] =	ssyncadd.s32 $0xFFFFE000  }
0x42: {  	[spmem:s17] =	stream.linear.scatter [tilespmem:s19], [sflag:$0x2], $0x2000, $0x38;
	[tilespmem:$0x1F000] =	vst v63  }
0x43: {  	_ =	swait.ge [sflag:s20], $0x2000  }
0x44: {  	[sflag:s20] =	ssyncset.done $0x0  }
0x45: {  	[sflag:s20] =	ssyncadd.s32 $0xFFFFE000  }
0x46: {  	[spmem:s18] =	stream.linear.scatter [tilespmem:s19], [sflag:$0x2], $0x2000, $0x38;
	[tilespmem:$0x1F000] =	vst v63  }
0x47: {  	_ =	swait.ge [sflag:s20], $0x2000  }
0x48: {  	[sflag:s20] =	ssyncset.done $0x0  }
0x49: {  	[sflag:s20] =	ssyncadd.s32 $0xFFFFE000  }
0x4a: {  	s29 =	simm.s32 $0x0;
	[bflag:$0x0] =	sbarrier.arrive $0xFFFF  }
0x4b: {  	[tilespmem:s29], [sflag:$0x2] =	stream.linear.gather [hbm4b:s6+s29], $0x2800, $0x38;
	[tilespmem:$0x1F000] =	vst v63  }
0x4c: {  	_ =	swait.ge [sflag:s20], $0x2800  }
0x4d: {  	[sflag:s20] =	ssyncset.done $0x0  }
0x4e: {  	[sflag:s20] =	ssyncadd.s32 $0xFFFFD800  }
0x4f: {  	[tilespmem:s21], [sflag:$0x2] =	stream.linear.gather [hbm4b:s7+s29], $0x2800, $0x38;
	[tilespmem:$0x1F000] =	vst v63  }
0x50: {  	_ =	swait.ge [sflag:s20], $0x2800  }
0x51: {  	[sflag:s20] =	ssyncset.done $0x0  }
0x52: {  	s30 =	simm.s32 $0x0;
	[sflag:s20] =	ssyncadd.s32 $0xFFFFD800  }
0x53: {  	[tilespmem:s23], [sflag:$0x1] =	stream.indirect.gather [hbm4b:s4+s22], $0x80, s30, s22, $0xb8;
	[tilespmem:$0x1F000] =	vst v63  }
0x54: {  	_ =	swait.ge [sflag:s24], $0x4000  }
0x55: {  	[sflag:s24] =	ssyncset.done $0x0  }
0x56: {  	s31 =	simm.s32 $0x2800;
	[sflag:s24] =	ssyncadd.s32 $0xFFFFC000  }
0x57: {  	[spmem:s1] =	stream.indirect.scatter.add.f32 [tilespmem:s23], [sflag:$0x2], $0x80, s31, s22, $0xb8;
	[tilespmem:$0x1F000] =	vst v63  }
0x58: {  	_ =	swait.ge [sflag:s20], $0x4000  }
0x59: {  	s25 =	simm.s32 $0x200;
	s26 =	simm.s32 $0x400;
	[sflag:s20] =	ssyncset.done $0x0  }
.LBB2_4:
0x5a: {  	s28 =	sshra.s32 s25, $0x2  }
0x5b: {  	[sflag:s20] =	ssyncadd.s32 $0xFFFFC000;
	s25 =	smov.u32 s26;
	s29 =	sadd.s32 $0x200, s26  }
0x5c: {  	[tilespmem:s23], [sflag:$0x1] =	stream.indirect.gather [hbm4b:s4+s22], $0x80, s28, s22, $0xb8;
	[tilespmem:$0x1F000] =	vst v63  }
0x5d: {  	p0 =	sne.s32 s26, $0x9E00;
	_ =	swait.ge [sflag:s24], $0x4000  }
.Ltmp1:
0x5e: {  	[sflag:s24] =	ssyncset.done $0x0;
	(pc) =	sbr.rel @p0 .LBB2_4-.Ltmp1, $4  }
0x5f: {  	s26 =	sadd.s32 $0x2800, s28;
	[sflag:s24] =	ssyncadd.s32 $0xFFFFC000  }
0x60: {  	[spmem:s1] =	stream.indirect.scatter.add.f32 [tilespmem:s23], [sflag:$0x2], $0x80, s26, s22, $0xb8;
	[tilespmem:$0x1F000] =	vst v63  }
0x61: {  	_ =	swait.ge [sflag:s20], $0x4000  }
0x62: {  	s26 =	smov.u32 s29;
	[sflag:s20] =	ssyncset.done $0x0  }
0x63: {  	s25 =	sshra.s32 s25, $0x2;
	[sflag:s20] =	ssyncadd.s32 $0xFFFFC000  }
0x64: {  	[tilespmem:s23], [sflag:$0x1] =	stream.indirect.gather [hbm4b:s4+s22], $0x80, s25, s22, $0xb8;
	[tilespmem:$0x1F000] =	vst v63  }
0x65: {  	_ =	swait.ge [sflag:s24], $0x4000  }
0x66: {  	[sflag:s24] =	ssyncset.done $0x0  }
0x67: {  	s25 =	sadd.s32 $0x2800, s25;
	[sflag:s24] =	ssyncadd.s32 $0xFFFFC000  }
0x68: {  	[spmem:s1] =	stream.indirect.scatter.add.f32 [tilespmem:s23], [sflag:$0x2], $0x80, s25, s22, $0xb8;
	[tilespmem:$0x1F000] =	vst v63  }
0x69: {  	_ =	swait.ge [sflag:s20], $0x4000  }
0x6a: {  	s31 =	sshll.u32 s2, $0x6;
	s3 =	sadd.s32 $0x1, s3;
	[sflag:s20] =	ssyncset.done $0x0  }
0x6b: {  	s26 =	sshrl.u32 s5, $0x3;
	p0 =	sne.s32 s3, s9;
	[sflag:s20] =	ssyncadd.s32 $0xFFFFC000  }
.Ltmp2:
0x6c: {  	s25 =	sor.u32 $0x1C02, s31;
	[bflag:$0x0] =	sbarrier.arrive $0xFFFF;
	(pc) =	sbr.rel @p0 .LBB2_1-.Ltmp2, $4  }
0x6d: {  	[hbm:s8], [sflag:s25] =	dma.local [spmem:s26], $0x2800  }
0x6e: {  	_ =	swait.ge [sflag:s20], $0x2800  }
0x6f: {  	[sflag:s20] =	ssyncset.done $0x0  }
0x70: {  	[sflag:s20] =	ssyncadd.s32 $0xFFFFD800  }
0x71: {  	_ =	sfence.sel $0x180000  }
0x72: {  	[bflag:$0x0] =	sbarrier.arrive $0xFFFF  }
0x73: {  	p0 =	sne.s32 s2, $0x0;
	_ =	strace $0x90000047  }
0x74: {  	s0 =	sadd.s32 @!p0 $0x100000, s0;
	[bflag:$0x2] =	sbarrier.arrive $0xFFFF  }
0x75: {  	[sflag:s0] =	ssyncadd.tile.s32 @!p0 $0x1;
	_ =	shalt  }
.Lfunc_end2:
_tile_overlayer_lowered:
.L_overlay_start_2:
0x76: {  	(tag) =	ssettag $0x2  }
0x77: {  	s0 =	rddreg [dreg:$0x0];
	s2 =	stileid.u32  }
0x78: {  	s1 =	rddreg [dreg:$0x1];
	p0 =	sne.s32 s2, $0x0  }
0x79: {  	s3 =	rddreg [dreg:$0x2];
	[bflag:$0x3] =	sbarrier.arrive $0xFFFF;
	s2 =	simm.s32 @!p0 $0x1C02  }
0x7a: {  	[timem:s3], [sflag:s2] =	dma.local @!p0 [hbm:s0], s1  }
0x7b: {  	s0 =	simm.s32 @!p0 $0x2  }
0x7c: {  	_ =	swait.ge @!p0 [sflag:s0], s1  }
0x7d: {  	s1 =	ssub.s32 @!p0 $0x0, s1;
	[sflag:s0] =	ssyncset.done @!p0 $0x0  }
0x7e: {  	[sflag:s0] =	ssyncadd.s32 @!p0 s1  }
0x7f: {  	[bflag:$0x3] =	sbarrier.arrive $0xFFFF  }
0x80: {  	_ =	shalt  }

// kernel: kernel.20.cloned.1.call-start
scs
__scs_entry_jumppad:
0x0: {  	(pc) =	sbr.rel $0x88, $3  }
0x1: {  	(tag) =	ssettag $0x0;
	lr =	simm.s32 $0x1  }
0x2: {  	[smem:$0x3F8E] =	sst lr;
	_ =	strace $0xD0000000  }
0x3: {  	_ = 	snop  }
0x4: {  	_ = 	snop  }
0x5: {  	_ = 	snop  }
0x6: {  	_ = 	snop  }
0x7: {  	_ = 	snop  }
__scs_overlays_trampoline_lowered:
0x8: {  	[smem:$0x3F9D] =	sst s0  }
0x9: {  	[smem:$0x3F9E] =	sst s1  }
0xa: {  	[smem:$0x3F9F] =	sst s2  }
0xb: {  	[smem:$0x3FA0] =	sst s3  }
0xc: {  	[smem:$0x3FA1] =	sst s4  }
0xd: {  	[smem:$0x3FA2] =	sst s5  }
0xe: {  	[smem:$0x3FA3] =	sst s6  }
0xf: {  	[smem:$0x3FA4] =	sst s7  }
0x10: {  	[smem:$0x3FA5] =	sst s8  }
0x11: {  	[smem:$0x3FA6] =	sst s9;
	s0 =	simm.s32 @!p0 $0x0  }
0x12: {  	s1 =	sld [smem:$0x3F8C];
	s0 =	simm.s32 @p0 $0x1  }
0x13: {  	[smem:$0x3FA7] =	sst s0;
	s0 =	simm.s32 @!p1 $0x0  }
0x14: {  	s2 =	sld [smem:$0x3F8B];
	s0 =	simm.s32 @p1 $0x1  }
0x15: {  	[smem:$0x3FA8] =	sst s0;
	s0 =	simm.s32 @!p2 $0x0  }
0x16: {  	s3 =	sld [smem:$0x3FDB];
	s0 =	simm.s32 @p2 $0x1  }
0x17: {  	s4 =	simm.s32 $0x1BF5;
	[smem:$0x3FAA] =	sst s0  }
0x18: {  	s0 =	sld [smem:$0x3F8D];
	_ =	swait.ge [sflag:s4], $0x0  }
0x19: {  	s7 =	sld [smem:$0x3F8E]  }
0x1a: {  	s8 =	sadd.s32 $0xFFFFE003, lr  }
0x1b: {  	s9 =	sadd.s32 $0xFFFFFEF7, lr;
	s5 =	simm.s32 $0xFFFFFFFF;
	p2 =	slt.u32 s8, $0xFFFFF086  }
0x1c: {  	p1 =	slt.u32 s9, $0xF7A;
	s5 =	simm.s32 @!p2 $0x0  }
0x1d: {  	s5 =	simm.s32 @p1 $0x1;
	p0 =	seq.s32 s7, s2  }
0x1e: {  	s7 =	smul.u32 @!p0 $0xF7A, s2;
	p2 =	seq.s32 @!p0 s5, $0x0  }
0x1f: {  	s9 =	smul.u32 $0xF7A, s1;
	s8 =	simm.s32 @!p0 $0x1BF5;
	p2 =	por !p2, p0  }
0x20: {  	[sflag:s8] =	ssyncset.s32 @!p0 $0xFFFFF086;
	s6 =	sadd.s32 @!p0 s3, s7;
	s7 =	simm.s32 @!p0 $0x108  }
0x21: {  	s3 =	sadd.s32 s3, s9;
	s6 =	sadd.s32 @!p0 $0x88, s6;
	s7 =	simm.s32 @p2 $0x1082  }
0x22: {  	[simem:s7], [sflag:s8] =	dma.local @!p0 [hbm:s6], $0xF7A  }
0x23: {  	s9 =	sor.u32 $0xD0000000, s2;
	s6 =	simm.s32 $0x108;
	_ =	swait.ge @!p0 [sflag:s8], $0x0  }
0x24: {  	s3 =	sadd.s32 $0x88, s3;
	s6 =	simm.s32 @!p1 $0x1082;
	[sflag:s4] =	ssyncset.s32 $0xFFFFF086  }
0x25: {  	[simem:s6], [sflag:s4] =	dma.local [hbm:s3], $0xF7A  }
0x26: {  	[smem:$0x3F8E] =	sst s1;
	(tag) =	ssettag s2;
	_ =	strace s9  }
0x27: {  	s1 =	sld [smem:$0x3F9E]  }
0x28: {  	s2 =	sld [smem:$0x3F9F]  }
0x29: {  	s4 =	sld [smem:$0x3FA1]  }
0x2a: {  	p0 =	seq.s32 s5, $0x0;
	s5 =	sld [smem:$0x3FA2]  }
0x2b: {  	s6 =	sld [smem:$0x3FA3]  }
0x2c: {  	s7 =	sld [smem:$0x3FA4]  }
0x2d: {  	s3 =	simm.s32 $0x108;
	s8 =	sld [smem:$0x3FA5]  }
0x2e: {  	s3 =	simm.s32 @!p0 $0x1082;
	s9 =	sld [smem:$0x3FA6]  }
0x2f: {  	lr =	sadd.s32 s0, s3;
	s0 =	sld [smem:$0x3F9D]  }
0x30: {  	s3 =	sld [smem:$0x3FA0]  }
0x31: {  	[smem:$0x3FA9] =	sst s10  }
0x32: {  	s10 =	sld [smem:$0x3FA7];
	_ =	sdelay $0x3  }
0x33: {  	p0 =	seq.s32 s10, $0x1;
	s10 =	sld [smem:$0x3FA9];
	_ =	sdelay $0x3  }
0x34: {  	[smem:$0x3FA9] =	sst s10  }
0x35: {  	s10 =	sld [smem:$0x3FA8];
	_ =	sdelay $0x3  }
0x36: {  	p1 =	seq.s32 s10, $0x1;
	s10 =	sld [smem:$0x3FA9];
	_ =	sdelay $0x3  }
0x37: {  	[smem:$0x3FA9] =	sst s10  }
0x38: {  	s10 =	sld [smem:$0x3FAA]  }
0x39: {  	_ = 	snop;
	(pc) =	sbr.ind lr, $3  }
0x3a: {  	_ = 	snop  }
0x3b: {  	_ = 	snop  }
0x3c: {  	p2 =	seq.s32 s10, $0x1;
	s10 =	sld [smem:$0x3FA9]  }
0x3d: {  	_ =	shalt  }
0x3e: {  	_ =	shalt  }
0x3f: {  	_ =	shalt  }
0x40: {  	_ =	shalt  }
0x41: {  	_ =	shalt  }
0x42: {  	_ =	shalt  }
0x43: {  	_ =	shalt  }
0x44: {  	_ =	shalt  }
0x45: {  	_ =	shalt  }
0x46: {  	_ =	shalt  }
0x47: {  	_ =	shalt  }
0x48: {  	_ =	shalt  }
0x49: {  	_ =	shalt  }
0x4a: {  	_ =	shalt  }
0x4b: {  	_ =	shalt  }
0x4c: {  	_ =	shalt  }
0x4d: {  	_ =	shalt  }
0x4e: {  	_ =	shalt  }
0x4f: {  	_ =	shalt  }
0x50: {  	_ =	shalt  }
0x51: {  	_ =	shalt  }
0x52: {  	_ =	shalt  }
0x53: {  	_ =	shalt  }
0x54: {  	_ =	shalt  }
0x55: {  	_ =	shalt  }
0x56: {  	_ =	shalt  }
0x57: {  	_ =	shalt  }
0x58: {  	_ =	shalt  }
0x59: {  	_ =	shalt  }
0x5a: {  	_ =	shalt  }
0x5b: {  	_ =	shalt  }
0x5c: {  	_ =	shalt  }
0x5d: {  	_ =	shalt  }
0x5e: {  	_ =	shalt  }
0x5f: {  	_ =	shalt  }
0x60: {  	_ =	shalt  }
0x61: {  	_ =	shalt  }
0x62: {  	_ =	shalt  }
0x63: {  	_ =	shalt  }
0x64: {  	_ =	shalt  }
0x65: {  	_ =	shalt  }
0x66: {  	_ =	shalt  }
0x67: {  	_ =	shalt  }
0x68: {  	_ =	shalt  }
0x69: {  	_ =	shalt  }
0x6a: {  	_ =	shalt  }
0x6b: {  	_ =	shalt  }
0x6c: {  	_ =	shalt  }
0x6d: {  	_ =	shalt  }
0x6e: {  	_ =	shalt  }
0x6f: {  	_ =	shalt  }
0x70: {  	_ =	shalt  }
0x71: {  	_ =	shalt  }
0x72: {  	_ =	shalt  }
0x73: {  	_ =	shalt  }
0x74: {  	_ =	shalt  }
0x75: {  	_ =	shalt  }
0x76: {  	_ =	shalt  }
0x77: {  	_ =	shalt  }
0x78: {  	_ =	shalt  }
0x79: {  	_ =	shalt  }
0x7a: {  	_ =	shalt  }
0x7b: {  	_ =	shalt  }
0x7c: {  	_ =	shalt  }
0x7d: {  	_ =	shalt  }
0x7e: {  	_ =	shalt  }
0x7f: {  	_ =	shalt  }
0x80: {  	_ =	shalt  }
0x81: {  	_ =	shalt  }
0x82: {  	_ =	shalt  }
0x83: {  	_ =	shalt  }
0x84: {  	_ =	shalt  }
0x85: {  	_ =	shalt  }
0x86: {  	_ =	shalt  }
0x87: {  	_ =	shalt  }
.Lfunc_end0:
.L_simem_size_0:
called_computation.1_lowered:
.L_overlay_start_0:
0x88: {  	s2 =	sld [smem:$0x3FD9]  }
0x89: {  	s3 =	sld [smem:$0x3FFE];
	_ =	sdelay $0x1  }
0x8a: {  	s1 =	srdreg.scid  }
0x8b: {  	s0 =	sand.u32 $0x1, s1  }
0x8c: {  	s16 =	sshll.u32 s0, $0xA;
	s2 =	sadd.s32 s3, s2  }
0x8d: {  	s2 =	sadd.s32 s2, s16  }
0x8e: {  	[smem:$0x3FB5] =	sst s2  }
0x8f: {  	_ = 	snop  }
0x90: {  	(tm) =	ssettm $0x1  }
0x91: {  	s17 =	sld [smem:$0x3FFB];
	_ =	sdelay $0x3  }
0x92: {  	_ =	strace s17  }
0x93: {  	s2 =	sld [smem:$0x3FFC];
	_ =	sdelay $0x3  }
0x94: {  	_ =	strace s2  }
0x95: {  	s2 =	sld [smem:$0x3FFD];
	_ =	sdelay $0x3  }
0x96: {  	_ =	strace s2  }
0x97: {  	_ =	strace $0x8FFFFFFF  }
0x98: {  	s18 =	sld [smem:$0x3FDB];
	_ =	sdelay $0x1  }
0x99: {  	s19 =	simm.s32 $_scs_section_size  }
0x9a: {  	s4 =	simm.s32 $_size__tile_overlayer_lowered;
	s5 =	simm.s32 $_tile_overlayer_lowered  }
0x9b: {  	s22 =	simm.s32 $0x1BFF;
	s21 =	sshll.u32 s5, $0x1;
	s2 =	sadd.s32 s19, s18  }
0x9c: {  	s6 =	simm.s32 $0x0;
	s20 =	sshll.u32 s4, $0x1;
	s4 =	sadd.s32 s21, s2  }
0x9d: {  	[timem:s6], [sflag:s22] =	dma.local [hbm:s4], s20  }
0x9e: {  	_ =	swait.ge [sflag:s22], s20  }
0x9f: {  	s3 =	ssub.s32 $0x0, s20;
	[sflag:s22] =	ssyncset.done $0x0  }
0xa0: {  	[sflag:s22] =	ssyncadd.s32 s3;
	_ =	sdelay $0x1  }
0xa1: {  	s23 =	simm.s32 $0x1B8B  }
0xa2: {  	_ =	swait.ge [sflag:s23], $0x1  }
0xa3: {  	[sflag:s23] =	ssyncset.done $0x0  }
0xa4: {  	s25 =	simm.s32 $0x1B8E;
	s24 =	sld [smem:$0x3FFE];
	[sflag:s23] =	ssyncadd.s32 $0xFFFFFFFF  }
0xa5: {  	s26 =	simm.s32 $execute0_lowered;
	[smem:$0x3FD2] =	sst s25  }
0xa6: {  	s4 =	sshll.u32 s26, $0x1;
	_ =	strace $0x80000049;
	[dreg:$0x1] =	wrdreg $0xFFFFFFFF  }
0xa7: {  	s28 =	simm.s32 $_size_execute0_lowered;
	s2 =	sadd.s32 s2, s4;
	[dreg:$0x0] =	wrdreg $0x0  }
0xa8: {  	s4 =	sshll.u32 s28, $0x1;
	[dreg:$0x2] =	wrdreg s2  }
0xa9: {  	[dreg:$0x3] =	wrdreg s4  }
0xaa: {  	[dreg:$0x4] =	wrdreg $0xC0  }
0xab: {  	_ =	task [dreg:s6], $0x5FFFF  }
0xac: {  	[dreg:$0x1] =	wrdreg $0xFFFFFFFF  }
0xad: {  	[dreg:$0x0] =	wrdreg $0x60  }
0xae: {  	[dreg:$0x2] =	wrdreg s24  }
0xaf: {  	[dreg:$0x3] =	wrdreg $0xB0000  }
0xb0: {  	[dreg:$0x4] =	wrdreg $0x9  }
0xb1: {  	_ =	task.clear_ibuf [dreg:s6], $0x5FFFF;
	_ =	strace $0x90000049  }
0xb2: {  	s29 =	simm.s32 $0x9;
	_ =	strace $0x8000004B  }
0xb3: {  	_ =	swait.ge [sflag:s29], $0x1  }
0xb4: {  	[sflag:s29] =	ssyncadd.s32 $0xFFFFFFFF  }
0xb5: {  	_ =	strace $0x9000004B  }
0xb6: {  	_ =	sfence  }
0xb7: {  	s30 =	sld [smem:$0x0];
	_ =	sdelay $0x2  }
0xb8: {  	s31 =	sshll.u32 s1, $0xD;
	s1 =	sshrl.u32 s1, $0x2  }
0xb9: {  	s3 =	sand.u32 $0x4000, s31;
	s1 =	sadd.s32 s1, s30  }
0xba: {  	s0 =	sor.u32 s3, s0;
	s1 =	sshll.u32 s1, $0x11  }
0xbb: {  	s0 =	sor.u32 s1, s0  }
0xbc: {  	s0 =	sadd.s32 $0x8F2B, s0  }
0xbd: {  	[sflag:s0] =	ssyncadd.remote.s32 $0x1  }
0xbe: {  	_ =	sfence.sel $0xFFFF  }
0xbf: {  	[dreg:$0x0] =	wrdreg $0xFFFFFFFF;
	(pc) =	sbr.abs _section_cstart, $3  }
0xc0: {  	[dreg:$0x1] =	wrdreg $0xFFFFFFFF  }
0xc1: {  	_ =	task.clear_ibuf [dreg:s6], $0x2FFFF;
	_ =	strace $0x9FFFFFFF  }
0xc2: {  	(tm) =	ssettm $0x7FFFFFFF  }
0xc3: {  	_ =	shalt  }
tec
execute0_lowered:
.L_overlay_start_1:
0x0: {  	(tag) =	ssettag $0x1  }
0x1: {  	s5 =	rddreg [dreg:$0x0]  }
0x2: {  	s1 =	rddreg [dreg:$0x1]  }
0x3: {  	s2 =	srdreg.scid;
	s0 =	rddreg [dreg:$0x2];
	s3 =	simm.s32 $0x0  }
0x4: {  	s19 =	simm.s32 $0x9000;
	s20 =	simm.s32 $0x2;
	s21 =	simm.s32 $0x2800  }
0x5: {  	s22 =	simm.s32 $0x80;
	s23 =	simm.s32 $0x5000;
	s6 =	sand.u32 $0x1, s2  }
0x6: {  	s24 =	simm.s32 $0x1;
	s2 =	stileid.u32;
	s7 =	smul.u32 $0x140000, s6  }
0x7: {  	[smem:$0x7FF] =	sst s3;
	s4 =	sshll.u32 s6, $0x4;
	s8 =	smul.u32 $0x14000, s2  }
0x8: {  	s29 =	smul.u32 $0x50000, s2;
	s6 =	ssub.s32 $0x2, s6;
	s4 =	sor.u32 s2, s4  }
0x9: {  	_ =	strace $0x8000004A;
	s30 =	sshrl.u32 s6, $0x1;
	s9 =	smul.u32 $0x500, s4  }
0xa: {  	s4 =	sadd.s32 $0x19E00, s5;
	s7 =	sadd.s32 s8, s7;
	s31 =	sshrl.u32 s29, $0x2  }
0xb: {  	s11 =	ssub.s32 s6, s30;
	s7 =	sshrl.u32 s7, $0x3;
	s9 =	sadd.s32 s9, s5  }
0xc: {  	s10 =	sadd.s32 s7, s5;
	s5 =	sadd.s32 s31, s1;
	s6 =	sadd.s32 $0x5E00, s9  }
0xd: {  	s7 =	sadd.s32 $0xFE00, s9;
	s8 =	sadd.s32 $0x41E00, s10;
	s9 =	smax.u32 s11, $0x1  }
0xe: {  	s10 =	sadd.s32 $0x2000, s5;
	s11 =	sadd.s32 $0x4000, s5;
	s12 =	sadd.s32 $0x6000, s5  }
0xf: {  	s13 =	sadd.s32 $0x8000, s5;
	s14 =	sadd.s32 $0xA000, s5;
	s15 =	sadd.s32 $0xC000, s5  }
0x10: {  	v0 =	vimm.f32 $0.0e+00;
	s16 =	sadd.s32 $0xE000, s5;
	s17 =	sadd.s32 $0x10000, s5;
	s18 =	sadd.s32 $0x12000, s5  }
.LBB2_1:
0x11: {  	s25 =	simm.s32 $0x0;
	s26 =	simm.s32 $0x200  }
.LBB2_2:
0x12: {  	p0 =	sne.s32 s26, $0x7E00;
	[tilespmem:s25+$0x9070] =	vst v0  }
0x13: {  	[tilespmem:s25+$0x9000] =	vst v0  }
0x14: {  	[tilespmem:s25+$0x9010] =	vst v0  }
.Ltmp0:
0x15: {  	[tilespmem:s25+$0x9020] =	vst v0;
	(pc) =	sbr.rel @p0 .LBB2_2-.Ltmp0, $4  }
0x16: {  	[tilespmem:s25+$0x9030] =	vst v0  }
0x17: {  	[tilespmem:s25+$0x9040] =	vst v0  }
0x18: {  	[tilespmem:s25+$0x9050] =	vst v0  }
0x19: {  	[tilespmem:s25+$0x9060] =	vst v0;
	s25 =	sshra.s32 s26, $0x2;
	s26 =	sadd.s32 $0x200, s26  }
0x1a: {  	[tilespmem:s25+$0x9070] =	vst v0  }
0x1b: {  	[tilespmem:s25+$0x9000] =	vst v0  }
0x1c: {  	[tilespmem:s25+$0x9010] =	vst v0  }
0x1d: {  	[tilespmem:s25+$0x9020] =	vst v0  }
0x1e: {  	[tilespmem:s25+$0x9030] =	vst v0  }
0x1f: {  	[tilespmem:s25+$0x9040] =	vst v0  }
0x20: {  	[tilespmem:s25+$0x9050] =	vst v0  }
0x21: {  	[tilespmem:s25+$0x9060] =	vst v0  }
0x22: {  	[spmem:s5] =	stream.linear.scatter [tilespmem:s19], [sflag:$0x2], $0x2000, $0x38;
	[tilespmem:$0x1F000] =	vst v63  }
0x23: {  	_ =	swait.ge [sflag:s20], $0x2000  }
0x24: {  	[sflag:s20] =	ssyncset.done $0x0  }
0x25: {  	[sflag:s20] =	ssyncadd.s32 $0xFFFFE000  }
0x26: {  	[spmem:s10] =	stream.linear.scatter [tilespmem:s19], [sflag:$0x2], $0x2000, $0x38;
	[tilespmem:$0x1F000] =	vst v63  }
0x27: {  	_ =	swait.ge [sflag:s20], $0x2000  }
0x28: {  	[sflag:s20] =	ssyncset.done $0x0  }
0x29: {  	[sflag:s20] =	ssyncadd.s32 $0xFFFFE000  }
0x2a: {  	[spmem:s11] =	stream.linear.scatter [tilespmem:s19], [sflag:$0x2], $0x2000, $0x38;
	[tilespmem:$0x1F000] =	vst v63  }
0x2b: {  	_ =	swait.ge [sflag:s20], $0x2000  }
0x2c: {  	[sflag:s20] =	ssyncset.done $0x0  }
0x2d: {  	[sflag:s20] =	ssyncadd.s32 $0xFFFFE000  }
0x2e: {  	[spmem:s12] =	stream.linear.scatter [tilespmem:s19], [sflag:$0x2], $0x2000, $0x38;
	[tilespmem:$0x1F000] =	vst v63  }
0x2f: {  	_ =	swait.ge [sflag:s20], $0x2000  }
0x30: {  	[sflag:s20] =	ssyncset.done $0x0  }
0x31: {  	[sflag:s20] =	ssyncadd.s32 $0xFFFFE000  }
0x32: {  	[spmem:s13] =	stream.linear.scatter [tilespmem:s19], [sflag:$0x2], $0x2000, $0x38;
	[tilespmem:$0x1F000] =	vst v63  }
0x33: {  	_ =	swait.ge [sflag:s20], $0x2000  }
0x34: {  	[sflag:s20] =	ssyncset.done $0x0  }
0x35: {  	[sflag:s20] =	ssyncadd.s32 $0xFFFFE000  }
0x36: {  	[spmem:s14] =	stream.linear.scatter [tilespmem:s19], [sflag:$0x2], $0x2000, $0x38;
	[tilespmem:$0x1F000] =	vst v63  }
0x37: {  	_ =	swait.ge [sflag:s20], $0x2000  }
0x38: {  	[sflag:s20] =	ssyncset.done $0x0  }
0x39: {  	[sflag:s20] =	ssyncadd.s32 $0xFFFFE000  }
0x3a: {  	[spmem:s15] =	stream.linear.scatter [tilespmem:s19], [sflag:$0x2], $0x2000, $0x38;
	[tilespmem:$0x1F000] =	vst v63  }
0x3b: {  	_ =	swait.ge [sflag:s20], $0x2000  }
0x3c: {  	[sflag:s20] =	ssyncset.done $0x0  }
0x3d: {  	[sflag:s20] =	ssyncadd.s32 $0xFFFFE000  }
0x3e: {  	[spmem:s16] =	stream.linear.scatter [tilespmem:s19], [sflag:$0x2], $0x2000, $0x38;
	[tilespmem:$0x1F000] =	vst v63  }
0x3f: {  	_ =	swait.ge [sflag:s20], $0x2000  }
0x40: {  	[sflag:s20] =	ssyncset.done $0x0  }
0x41: {  	[sflag:s20] =	ssyncadd.s32 $0xFFFFE000  }
0x42: {  	[spmem:s17] =	stream.linear.scatter [tilespmem:s19], [sflag:$0x2], $0x2000, $0x38;
	[tilespmem:$0x1F000] =	vst v63  }
0x43: {  	_ =	swait.ge [sflag:s20], $0x2000  }
0x44: {  	[sflag:s20] =	ssyncset.done $0x0  }
0x45: {  	[sflag:s20] =	ssyncadd.s32 $0xFFFFE000  }
0x46: {  	[spmem:s18] =	stream.linear.scatter [tilespmem:s19], [sflag:$0x2], $0x2000, $0x38;
	[tilespmem:$0x1F000] =	vst v63  }
0x47: {  	_ =	swait.ge [sflag:s20], $0x2000  }
0x48: {  	[sflag:s20] =	ssyncset.done $0x0  }
0x49: {  	[sflag:s20] =	ssyncadd.s32 $0xFFFFE000  }
0x4a: {  	s29 =	simm.s32 $0x0;
	[bflag:$0x0] =	sbarrier.arrive $0xFFFF  }
0x4b: {  	[tilespmem:s29], [sflag:$0x2] =	stream.linear.gather [hbm4b:s6+s29], $0x2800, $0x38;
	[tilespmem:$0x1F000] =	vst v63  }
0x4c: {  	_ =	swait.ge [sflag:s20], $0x2800  }
0x4d: {  	[sflag:s20] =	ssyncset.done $0x0  }
0x4e: {  	[sflag:s20] =	ssyncadd.s32 $0xFFFFD800  }
0x4f: {  	[tilespmem:s21], [sflag:$0x2] =	stream.linear.gather [hbm4b:s7+s29], $0x2800, $0x38;
	[tilespmem:$0x1F000] =	vst v63  }
0x50: {  	_ =	swait.ge [sflag:s20], $0x2800  }
0x51: {  	[sflag:s20] =	ssyncset.done $0x0  }
0x52: {  	s30 =	simm.s32 $0x0;
	[sflag:s20] =	ssyncadd.s32 $0xFFFFD800  }
0x53: {  	[tilespmem:s23], [sflag:$0x1] =	stream.indirect.gather [hbm4b:s4+s22], $0x80, s30, s22, $0xb8;
	[tilespmem:$0x1F000] =	vst v63  }
0x54: {  	_ =	swait.ge [sflag:s24], $0x4000  }
0x55: {  	[sflag:s24] =	ssyncset.done $0x0  }
0x56: {  	s31 =	simm.s32 $0x2800;
	[sflag:s24] =	ssyncadd.s32 $0xFFFFC000  }
0x57: {  	[spmem:s1] =	stream.indirect.scatter.add.f32 [tilespmem:s23], [sflag:$0x2], $0x80, s31, s22, $0xb8;
	[tilespmem:$0x1F000] =	vst v63  }
0x58: {  	_ =	swait.ge [sflag:s20], $0x4000  }
0x59: {  	s25 =	simm.s32 $0x200;
	s26 =	simm.s32 $0x400;
	[sflag:s20] =	ssyncset.done $0x0  }
.LBB2_4:
0x5a: {  	s28 =	sshra.s32 s25, $0x2  }
0x5b: {  	[sflag:s20] =	ssyncadd.s32 $0xFFFFC000;
	s25 =	smov.u32 s26;
	s29 =	sadd.s32 $0x200, s26  }
0x5c: {  	[tilespmem:s23], [sflag:$0x1] =	stream.indirect.gather [hbm4b:s4+s22], $0x80, s28, s22, $0xb8;
	[tilespmem:$0x1F000] =	vst v63  }
0x5d: {  	p0 =	sne.s32 s26, $0x9E00;
	_ =	swait.ge [sflag:s24], $0x4000  }
.Ltmp1:
0x5e: {  	[sflag:s24] =	ssyncset.done $0x0;
	(pc) =	sbr.rel @p0 .LBB2_4-.Ltmp1, $4  }
0x5f: {  	s26 =	sadd.s32 $0x2800, s28;
	[sflag:s24] =	ssyncadd.s32 $0xFFFFC000  }
0x60: {  	[spmem:s1] =	stream.indirect.scatter.add.f32 [tilespmem:s23], [sflag:$0x2], $0x80, s26, s22, $0xb8;
	[tilespmem:$0x1F000] =	vst v63  }
0x61: {  	_ =	swait.ge [sflag:s20], $0x4000  }
0x62: {  	s26 =	smov.u32 s29;
	[sflag:s20] =	ssyncset.done $0x0  }
0x63: {  	s25 =	sshra.s32 s25, $0x2;
	[sflag:s20] =	ssyncadd.s32 $0xFFFFC000  }
0x64: {  	[tilespmem:s23], [sflag:$0x1] =	stream.indirect.gather [hbm4b:s4+s22], $0x80, s25, s22, $0xb8;
	[tilespmem:$0x1F000] =	vst v63  }
0x65: {  	_ =	swait.ge [sflag:s24], $0x4000  }
0x66: {  	[sflag:s24] =	ssyncset.done $0x0  }
0x67: {  	s25 =	sadd.s32 $0x2800, s25;
	[sflag:s24] =	ssyncadd.s32 $0xFFFFC000  }
0x68: {  	[spmem:s1] =	stream.indirect.scatter.add.f32 [tilespmem:s23], [sflag:$0x2], $0x80, s25, s22, $0xb8;
	[tilespmem:$0x1F000] =	vst v63  }
0x69: {  	_ =	swait.ge [sflag:s20], $0x4000  }
0x6a: {  	s31 =	sshll.u32 s2, $0x6;
	s3 =	sadd.s32 $0x1, s3;
	[sflag:s20] =	ssyncset.done $0x0  }
0x6b: {  	s26 =	sshrl.u32 s5, $0x3;
	p0 =	sne.s32 s3, s9;
	[sflag:s20] =	ssyncadd.s32 $0xFFFFC000  }
.Ltmp2:
0x6c: {  	s25 =	sor.u32 $0x1C02, s31;
	[bflag:$0x0] =	sbarrier.arrive $0xFFFF;
	(pc) =	sbr.rel @p0 .LBB2_1-.Ltmp2, $4  }
0x6d: {  	[hbm:s8], [sflag:s25] =	dma.local [spmem:s26], $0x2800  }
0x6e: {  	_ =	swait.ge [sflag:s20], $0x2800  }
0x6f: {  	[sflag:s20] =	ssyncset.done $0x0  }
0x70: {  	[sflag:s20] =	ssyncadd.s32 $0xFFFFD800  }
0x71: {  	_ =	sfence.sel $0x180000  }
0x72: {  	[bflag:$0x0] =	sbarrier.arrive $0xFFFF  }
0x73: {  	p0 =	sne.s32 s2, $0x0;
	_ =	strace $0x9000004A  }
0x74: {  	s0 =	sadd.s32 @!p0 $0x100000, s0;
	[bflag:$0x2] =	sbarrier.arrive $0xFFFF  }
0x75: {  	[sflag:s0] =	ssyncadd.tile.s32 @!p0 $0x1;
	_ =	shalt  }
.Lfunc_end2:
_tile_overlayer_lowered:
.L_overlay_start_2:
0x76: {  	(tag) =	ssettag $0x2  }
0x77: {  	s0 =	rddreg [dreg:$0x0];
	s2 =	stileid.u32  }
0x78: {  	s1 =	rddreg [dreg:$0x1];
	p0 =	sne.s32 s2, $0x0  }
0x79: {  	s3 =	rddreg [dreg:$0x2];
	[bflag:$0x3] =	sbarrier.arrive $0xFFFF;
	s2 =	simm.s32 @!p0 $0x1C02  }
0x7a: {  	[timem:s3], [sflag:s2] =	dma.local @!p0 [hbm:s0], s1  }
0x7b: {  	s0 =	simm.s32 @!p0 $0x2  }
0x7c: {  	_ =	swait.ge @!p0 [sflag:s0], s1  }
0x7d: {  	s1 =	ssub.s32 @!p0 $0x0, s1;
	[sflag:s0] =	ssyncset.done @!p0 $0x0  }
0x7e: {  	[sflag:s0] =	ssyncadd.s32 @!p0 s1  }
0x7f: {  	[bflag:$0x3] =	sbarrier.arrive $0xFFFF  }
0x80: {  	_ =	shalt  }

// kernel: kernel.23.cloned.1.call-start
scs
__scs_entry_jumppad:
0x0: {  	(pc) =	sbr.rel $0x88, $3  }
0x1: {  	(tag) =	ssettag $0x0;
	lr =	simm.s32 $0x1  }
0x2: {  	[smem:$0x3F8E] =	sst lr;
	_ =	strace $0xD0000000  }
0x3: {  	_ = 	snop  }
0x4: {  	_ = 	snop  }
0x5: {  	_ = 	snop  }
0x6: {  	_ = 	snop  }
0x7: {  	_ = 	snop  }
__scs_overlays_trampoline_lowered:
0x8: {  	[smem:$0x3F9D] =	sst s0  }
0x9: {  	[smem:$0x3F9E] =	sst s1  }
0xa: {  	[smem:$0x3F9F] =	sst s2  }
0xb: {  	[smem:$0x3FA0] =	sst s3  }
0xc: {  	[smem:$0x3FA1] =	sst s4  }
0xd: {  	[smem:$0x3FA2] =	sst s5  }
0xe: {  	[smem:$0x3FA3] =	sst s6  }
0xf: {  	[smem:$0x3FA4] =	sst s7  }
0x10: {  	[smem:$0x3FA5] =	sst s8  }
0x11: {  	[smem:$0x3FA6] =	sst s9;
	s0 =	simm.s32 @!p0 $0x0  }
0x12: {  	s1 =	sld [smem:$0x3F8C];
	s0 =	simm.s32 @p0 $0x1  }
0x13: {  	[smem:$0x3FA7] =	sst s0;
	s0 =	simm.s32 @!p1 $0x0  }
0x14: {  	s2 =	sld [smem:$0x3F8B];
	s0 =	simm.s32 @p1 $0x1  }
0x15: {  	[smem:$0x3FA8] =	sst s0;
	s0 =	simm.s32 @!p2 $0x0  }
0x16: {  	s3 =	sld [smem:$0x3FDB];
	s0 =	simm.s32 @p2 $0x1  }
0x17: {  	s4 =	simm.s32 $0x1BF5;
	[smem:$0x3FAA] =	sst s0  }
0x18: {  	s0 =	sld [smem:$0x3F8D];
	_ =	swait.ge [sflag:s4], $0x0  }
0x19: {  	s7 =	sld [smem:$0x3F8E]  }
0x1a: {  	s8 =	sadd.s32 $0xFFFFE003, lr  }
0x1b: {  	s9 =	sadd.s32 $0xFFFFFEF7, lr;
	s5 =	simm.s32 $0xFFFFFFFF;
	p2 =	slt.u32 s8, $0xFFFFF086  }
0x1c: {  	p1 =	slt.u32 s9, $0xF7A;
	s5 =	simm.s32 @!p2 $0x0  }
0x1d: {  	s5 =	simm.s32 @p1 $0x1;
	p0 =	seq.s32 s7, s2  }
0x1e: {  	s7 =	smul.u32 @!p0 $0xF7A, s2;
	p2 =	seq.s32 @!p0 s5, $0x0  }
0x1f: {  	s9 =	smul.u32 $0xF7A, s1;
	s8 =	simm.s32 @!p0 $0x1BF5;
	p2 =	por !p2, p0  }
0x20: {  	[sflag:s8] =	ssyncset.s32 @!p0 $0xFFFFF086;
	s6 =	sadd.s32 @!p0 s3, s7;
	s7 =	simm.s32 @!p0 $0x108  }
0x21: {  	s3 =	sadd.s32 s3, s9;
	s6 =	sadd.s32 @!p0 $0x88, s6;
	s7 =	simm.s32 @p2 $0x1082  }
0x22: {  	[simem:s7], [sflag:s8] =	dma.local @!p0 [hbm:s6], $0xF7A  }
0x23: {  	s9 =	sor.u32 $0xD0000000, s2;
	s6 =	simm.s32 $0x108;
	_ =	swait.ge @!p0 [sflag:s8], $0x0  }
0x24: {  	s3 =	sadd.s32 $0x88, s3;
	s6 =	simm.s32 @!p1 $0x1082;
	[sflag:s4] =	ssyncset.s32 $0xFFFFF086  }
0x25: {  	[simem:s6], [sflag:s4] =	dma.local [hbm:s3], $0xF7A  }
0x26: {  	[smem:$0x3F8E] =	sst s1;
	(tag) =	ssettag s2;
	_ =	strace s9  }
0x27: {  	s1 =	sld [smem:$0x3F9E]  }
0x28: {  	s2 =	sld [smem:$0x3F9F]  }
0x29: {  	s4 =	sld [smem:$0x3FA1]  }
0x2a: {  	p0 =	seq.s32 s5, $0x0;
	s5 =	sld [smem:$0x3FA2]  }
0x2b: {  	s6 =	sld [smem:$0x3FA3]  }
0x2c: {  	s7 =	sld [smem:$0x3FA4]  }
0x2d: {  	s3 =	simm.s32 $0x108;
	s8 =	sld [smem:$0x3FA5]  }
0x2e: {  	s3 =	simm.s32 @!p0 $0x1082;
	s9 =	sld [smem:$0x3FA6]  }
0x2f: {  	lr =	sadd.s32 s0, s3;
	s0 =	sld [smem:$0x3F9D]  }
0x30: {  	s3 =	sld [smem:$0x3FA0]  }
0x31: {  	[smem:$0x3FA9] =	sst s10  }
0x32: {  	s10 =	sld [smem:$0x3FA7];
	_ =	sdelay $0x3  }
0x33: {  	p0 =	seq.s32 s10, $0x1;
	s10 =	sld [smem:$0x3FA9];
	_ =	sdelay $0x3  }
0x34: {  	[smem:$0x3FA9] =	sst s10  }
0x35: {  	s10 =	sld [smem:$0x3FA8];
	_ =	sdelay $0x3  }
0x36: {  	p1 =	seq.s32 s10, $0x1;
	s10 =	sld [smem:$0x3FA9];
	_ =	sdelay $0x3  }
0x37: {  	[smem:$0x3FA9] =	sst s10  }
0x38: {  	s10 =	sld [smem:$0x3FAA]  }
0x39: {  	_ = 	snop;
	(pc) =	sbr.ind lr, $3  }
0x3a: {  	_ = 	snop  }
0x3b: {  	_ = 	snop  }
0x3c: {  	p2 =	seq.s32 s10, $0x1;
	s10 =	sld [smem:$0x3FA9]  }
0x3d: {  	_ =	shalt  }
0x3e: {  	_ =	shalt  }
0x3f: {  	_ =	shalt  }
0x40: {  	_ =	shalt  }
0x41: {  	_ =	shalt  }
0x42: {  	_ =	shalt  }
0x43: {  	_ =	shalt  }
0x44: {  	_ =	shalt  }
0x45: {  	_ =	shalt  }
0x46: {  	_ =	shalt  }
0x47: {  	_ =	shalt  }
0x48: {  	_ =	shalt  }
0x49: {  	_ =	shalt  }
0x4a: {  	_ =	shalt  }
0x4b: {  	_ =	shalt  }
0x4c: {  	_ =	shalt  }
0x4d: {  	_ =	shalt  }
0x4e: {  	_ =	shalt  }
0x4f: {  	_ =	shalt  }
0x50: {  	_ =	shalt  }
0x51: {  	_ =	shalt  }
0x52: {  	_ =	shalt  }
0x53: {  	_ =	shalt  }
0x54: {  	_ =	shalt  }
0x55: {  	_ =	shalt  }
0x56: {  	_ =	shalt  }
0x57: {  	_ =	shalt  }
0x58: {  	_ =	shalt  }
0x59: {  	_ =	shalt  }
0x5a: {  	_ =	shalt  }
0x5b: {  	_ =	shalt  }
0x5c: {  	_ =	shalt  }
0x5d: {  	_ =	shalt  }
0x5e: {  	_ =	shalt  }
0x5f: {  	_ =	shalt  }
0x60: {  	_ =	shalt  }
0x61: {  	_ =	shalt  }
0x62: {  	_ =	shalt  }
0x63: {  	_ =	shalt  }
0x64: {  	_ =	shalt  }
0x65: {  	_ =	shalt  }
0x66: {  	_ =	shalt  }
0x67: {  	_ =	shalt  }
0x68: {  	_ =	shalt  }
0x69: {  	_ =	shalt  }
0x6a: {  	_ =	shalt  }
0x6b: {  	_ =	shalt  }
0x6c: {  	_ =	shalt  }
0x6d: {  	_ =	shalt  }
0x6e: {  	_ =	shalt  }
0x6f: {  	_ =	shalt  }
0x70: {  	_ =	shalt  }
0x71: {  	_ =	shalt  }
0x72: {  	_ =	shalt  }
0x73: {  	_ =	shalt  }
0x74: {  	_ =	shalt  }
0x75: {  	_ =	shalt  }
0x76: {  	_ =	shalt  }
0x77: {  	_ =	shalt  }
0x78: {  	_ =	shalt  }
0x79: {  	_ =	shalt  }
0x7a: {  	_ =	shalt  }
0x7b: {  	_ =	shalt  }
0x7c: {  	_ =	shalt  }
0x7d: {  	_ =	shalt  }
0x7e: {  	_ =	shalt  }
0x7f: {  	_ =	shalt  }
0x80: {  	_ =	shalt  }
0x81: {  	_ =	shalt  }
0x82: {  	_ =	shalt  }
0x83: {  	_ =	shalt  }
0x84: {  	_ =	shalt  }
0x85: {  	_ =	shalt  }
0x86: {  	_ =	shalt  }
0x87: {  	_ =	shalt  }
.Lfunc_end0:
.L_simem_size_0:
called_computation.2_lowered:
.L_overlay_start_0:
0x88: {  	s2 =	sld [smem:$0x3FD9]  }
0x89: {  	s3 =	sld [smem:$0x3FFE];
	_ =	sdelay $0x1  }
0x8a: {  	s1 =	srdreg.scid  }
0x8b: {  	s0 =	sand.u32 $0x1, s1  }
0x8c: {  	s16 =	sshll.u32 s0, $0xA;
	s2 =	sadd.s32 s3, s2  }
0x8d: {  	s2 =	sadd.s32 s2, s16  }
0x8e: {  	[smem:$0x3FB5] =	sst s2  }
0x8f: {  	_ = 	snop  }
0x90: {  	(tm) =	ssettm $0x1  }
0x91: {  	s17 =	sld [smem:$0x3FFB];
	_ =	sdelay $0x3  }
0x92: {  	_ =	strace s17  }
0x93: {  	s2 =	sld [smem:$0x3FFC];
	_ =	sdelay $0x3  }
0x94: {  	_ =	strace s2  }
0x95: {  	s2 =	sld [smem:$0x3FFD];
	_ =	sdelay $0x3  }
0x96: {  	_ =	strace s2  }
0x97: {  	_ =	strace $0x8FFFFFFF  }
0x98: {  	s18 =	sld [smem:$0x3FDB];
	_ =	sdelay $0x1  }
0x99: {  	s19 =	simm.s32 $_scs_section_size  }
0x9a: {  	s4 =	simm.s32 $_size__tile_overlayer_lowered;
	s5 =	simm.s32 $_tile_overlayer_lowered  }
0x9b: {  	s22 =	simm.s32 $0x1BFF;
	s21 =	sshll.u32 s5, $0x1;
	s2 =	sadd.s32 s19, s18  }
0x9c: {  	s6 =	simm.s32 $0x0;
	s20 =	sshll.u32 s4, $0x1;
	s4 =	sadd.s32 s21, s2  }
0x9d: {  	[timem:s6], [sflag:s22] =	dma.local [hbm:s4], s20  }
0x9e: {  	_ =	swait.ge [sflag:s22], s20  }
0x9f: {  	s3 =	ssub.s32 $0x0, s20;
	[sflag:s22] =	ssyncset.done $0x0  }
0xa0: {  	[sflag:s22] =	ssyncadd.s32 s3;
	_ =	sdelay $0x1  }
0xa1: {  	s23 =	simm.s32 $0x1B8B  }
0xa2: {  	_ =	swait.ge [sflag:s23], $0x1  }
0xa3: {  	[sflag:s23] =	ssyncset.done $0x0  }
0xa4: {  	s25 =	simm.s32 $0x1B8E;
	s24 =	sld [smem:$0x3FFE];
	[sflag:s23] =	ssyncadd.s32 $0xFFFFFFFF  }
0xa5: {  	s26 =	simm.s32 $execute0_lowered;
	[smem:$0x3FD2] =	sst s25  }
0xa6: {  	s4 =	sshll.u32 s26, $0x1;
	_ =	strace $0x8000004C;
	[dreg:$0x1] =	wrdreg $0xFFFFFFFF  }
0xa7: {  	s28 =	simm.s32 $_size_execute0_lowered;
	s2 =	sadd.s32 s2, s4;
	[dreg:$0x0] =	wrdreg $0x0  }
0xa8: {  	s4 =	sshll.u32 s28, $0x1;
	[dreg:$0x2] =	wrdreg s2  }
0xa9: {  	[dreg:$0x3] =	wrdreg s4  }
0xaa: {  	[dreg:$0x4] =	wrdreg $0xC0  }
0xab: {  	_ =	task [dreg:s6], $0x5FFFF  }
0xac: {  	[dreg:$0x1] =	wrdreg $0xFFFFFFFF  }
0xad: {  	[dreg:$0x0] =	wrdreg $0x60  }
0xae: {  	[dreg:$0x2] =	wrdreg s24  }
0xaf: {  	[dreg:$0x3] =	wrdreg $0xB0000  }
0xb0: {  	[dreg:$0x4] =	wrdreg $0x9  }
0xb1: {  	_ =	task.clear_ibuf [dreg:s6], $0x5FFFF;
	_ =	strace $0x9000004C  }
0xb2: {  	s29 =	simm.s32 $0x9;
	_ =	strace $0x8000004E  }
0xb3: {  	_ =	swait.ge [sflag:s29], $0x1  }
0xb4: {  	[sflag:s29] =	ssyncadd.s32 $0xFFFFFFFF  }
0xb5: {  	_ =	strace $0x9000004E  }
0xb6: {  	_ =	sfence  }
0xb7: {  	s30 =	sld [smem:$0x0];
	_ =	sdelay $0x2  }
0xb8: {  	s31 =	sshll.u32 s1, $0xD;
	s1 =	sshrl.u32 s1, $0x2  }
0xb9: {  	s3 =	sand.u32 $0x4000, s31;
	s1 =	sadd.s32 s1, s30  }
0xba: {  	s0 =	sor.u32 s3, s0;
	s1 =	sshll.u32 s1, $0x11  }
0xbb: {  	s0 =	sor.u32 s1, s0  }
0xbc: {  	s0 =	sadd.s32 $0x8F2B, s0  }
0xbd: {  	[sflag:s0] =	ssyncadd.remote.s32 $0x1  }
0xbe: {  	_ =	sfence.sel $0xFFFF  }
0xbf: {  	[dreg:$0x0] =	wrdreg $0xFFFFFFFF;
	(pc) =	sbr.abs _section_cstart, $3  }
0xc0: {  	[dreg:$0x1] =	wrdreg $0xFFFFFFFF  }
0xc1: {  	_ =	task.clear_ibuf [dreg:s6], $0x2FFFF;
	_ =	strace $0x9FFFFFFF  }
0xc2: {  	(tm) =	ssettm $0x7FFFFFFF  }
0xc3: {  	_ =	shalt  }
tec
execute0_lowered:
.L_overlay_start_1:
0x0: {  	(tag) =	ssettag $0x1  }
0x1: {  	s5 =	rddreg [dreg:$0x0]  }
0x2: {  	s1 =	rddreg [dreg:$0x1]  }
0x3: {  	s2 =	srdreg.scid;
	s0 =	rddreg [dreg:$0x2];
	s3 =	simm.s32 $0x0  }
0x4: {  	s19 =	simm.s32 $0x9000;
	s20 =	simm.s32 $0x2;
	s21 =	simm.s32 $0x2800  }
0x5: {  	s22 =	simm.s32 $0x80;
	s23 =	simm.s32 $0x5000;
	s6 =	sand.u32 $0x1, s2  }
0x6: {  	s24 =	simm.s32 $0x1;
	s2 =	stileid.u32;
	s7 =	smul.u32 $0x140000, s6  }
0x7: {  	[smem:$0x7FF] =	sst s3;
	s4 =	sshll.u32 s6, $0x4;
	s8 =	smul.u32 $0x14000, s2  }
0x8: {  	s29 =	smul.u32 $0x50000, s2;
	s6 =	ssub.s32 $0x2, s6;
	s4 =	sor.u32 s2, s4  }
0x9: {  	_ =	strace $0x8000004D;
	s30 =	sshrl.u32 s6, $0x1;
	s9 =	smul.u32 $0x500, s4  }
0xa: {  	s4 =	sadd.s32 $0x19E00, s5;
	s7 =	sadd.s32 s8, s7;
	s31 =	sshrl.u32 s29, $0x2  }
0xb: {  	s11 =	ssub.s32 s6, s30;
	s7 =	sshrl.u32 s7, $0x3;
	s9 =	sadd.s32 s9, s5  }
0xc: {  	s10 =	sadd.s32 s7, s5;
	s5 =	sadd.s32 s31, s1;
	s6 =	sadd.s32 $0x5E00, s9  }
0xd: {  	s7 =	sadd.s32 $0xFE00, s9;
	s8 =	sadd.s32 $0x41E00, s10;
	s9 =	smax.u32 s11, $0x1  }
0xe: {  	s10 =	sadd.s32 $0x2000, s5;
	s11 =	sadd.s32 $0x4000, s5;
	s12 =	sadd.s32 $0x6000, s5  }
0xf: {  	s13 =	sadd.s32 $0x8000, s5;
	s14 =	sadd.s32 $0xA000, s5;
	s15 =	sadd.s32 $0xC000, s5  }
0x10: {  	v0 =	vimm.f32 $0.0e+00;
	s16 =	sadd.s32 $0xE000, s5;
	s17 =	sadd.s32 $0x10000, s5;
	s18 =	sadd.s32 $0x12000, s5  }
.LBB2_1:
0x11: {  	s25 =	simm.s32 $0x0;
	s26 =	simm.s32 $0x200  }
.LBB2_2:
0x12: {  	p0 =	sne.s32 s26, $0x7E00;
	[tilespmem:s25+$0x9070] =	vst v0  }
0x13: {  	[tilespmem:s25+$0x9000] =	vst v0  }
0x14: {  	[tilespmem:s25+$0x9010] =	vst v0  }
.Ltmp0:
0x15: {  	[tilespmem:s25+$0x9020] =	vst v0;
	(pc) =	sbr.rel @p0 .LBB2_2-.Ltmp0, $4  }
0x16: {  	[tilespmem:s25+$0x9030] =	vst v0  }
0x17: {  	[tilespmem:s25+$0x9040] =	vst v0  }
0x18: {  	[tilespmem:s25+$0x9050] =	vst v0  }
0x19: {  	[tilespmem:s25+$0x9060] =	vst v0;
	s25 =	sshra.s32 s26, $0x2;
	s26 =	sadd.s32 $0x200, s26  }
0x1a: {  	[tilespmem:s25+$0x9070] =	vst v0  }
0x1b: {  	[tilespmem:s25+$0x9000] =	vst v0  }
0x1c: {  	[tilespmem:s25+$0x9010] =	vst v0  }
0x1d: {  	[tilespmem:s25+$0x9020] =	vst v0  }
0x1e: {  	[tilespmem:s25+$0x9030] =	vst v0  }
0x1f: {  	[tilespmem:s25+$0x9040] =	vst v0  }
0x20: {  	[tilespmem:s25+$0x9050] =	vst v0  }
0x21: {  	[tilespmem:s25+$0x9060] =	vst v0  }
0x22: {  	[spmem:s5] =	stream.linear.scatter [tilespmem:s19], [sflag:$0x2], $0x2000, $0x38;
	[tilespmem:$0x1F000] =	vst v63  }
0x23: {  	_ =	swait.ge [sflag:s20], $0x2000  }
0x24: {  	[sflag:s20] =	ssyncset.done $0x0  }
0x25: {  	[sflag:s20] =	ssyncadd.s32 $0xFFFFE000  }
0x26: {  	[spmem:s10] =	stream.linear.scatter [tilespmem:s19], [sflag:$0x2], $0x2000, $0x38;
	[tilespmem:$0x1F000] =	vst v63  }
0x27: {  	_ =	swait.ge [sflag:s20], $0x2000  }
0x28: {  	[sflag:s20] =	ssyncset.done $0x0  }
0x29: {  	[sflag:s20] =	ssyncadd.s32 $0xFFFFE000  }
0x2a: {  	[spmem:s11] =	stream.linear.scatter [tilespmem:s19], [sflag:$0x2], $0x2000, $0x38;
	[tilespmem:$0x1F000] =	vst v63  }
0x2b: {  	_ =	swait.ge [sflag:s20], $0x2000  }
0x2c: {  	[sflag:s20] =	ssyncset.done $0x0  }
0x2d: {  	[sflag:s20] =	ssyncadd.s32 $0xFFFFE000  }
0x2e: {  	[spmem:s12] =	stream.linear.scatter [tilespmem:s19], [sflag:$0x2], $0x2000, $0x38;
	[tilespmem:$0x1F000] =	vst v63  }
0x2f: {  	_ =	swait.ge [sflag:s20], $0x2000  }
0x30: {  	[sflag:s20] =	ssyncset.done $0x0  }
0x31: {  	[sflag:s20] =	ssyncadd.s32 $0xFFFFE000  }
0x32: {  	[spmem:s13] =	stream.linear.scatter [tilespmem:s19], [sflag:$0x2], $0x2000, $0x38;
	[tilespmem:$0x1F000] =	vst v63  }
0x33: {  	_ =	swait.ge [sflag:s20], $0x2000  }
0x34: {  	[sflag:s20] =	ssyncset.done $0x0  }
0x35: {  	[sflag:s20] =	ssyncadd.s32 $0xFFFFE000  }
0x36: {  	[spmem:s14] =	stream.linear.scatter [tilespmem:s19], [sflag:$0x2], $0x2000, $0x38;
	[tilespmem:$0x1F000] =	vst v63  }
0x37: {  	_ =	swait.ge [sflag:s20], $0x2000  }
0x38: {  	[sflag:s20] =	ssyncset.done $0x0  }
0x39: {  	[sflag:s20] =	ssyncadd.s32 $0xFFFFE000  }
0x3a: {  	[spmem:s15] =	stream.linear.scatter [tilespmem:s19], [sflag:$0x2], $0x2000, $0x38;
	[tilespmem:$0x1F000] =	vst v63  }
0x3b: {  	_ =	swait.ge [sflag:s20], $0x2000  }
0x3c: {  	[sflag:s20] =	ssyncset.done $0x0  }
0x3d: {  	[sflag:s20] =	ssyncadd.s32 $0xFFFFE000  }
0x3e: {  	[spmem:s16] =	stream.linear.scatter [tilespmem:s19], [sflag:$0x2], $0x2000, $0x38;
	[tilespmem:$0x1F000] =	vst v63  }
0x3f: {  	_ =	swait.ge [sflag:s20], $0x2000  }
0x40: {  	[sflag:s20] =	ssyncset.done $0x0  }
0x41: {  	[sflag:s20] =	ssyncadd.s32 $0xFFFFE000  }
0x42: {  	[spmem:s17] =	stream.linear.scatter [tilespmem:s19], [sflag:$0x2], $0x2000, $0x38;
	[tilespmem:$0x1F000] =	vst v63  }
0x43: {  	_ =	swait.ge [sflag:s20], $0x2000  }
0x44: {  	[sflag:s20] =	ssyncset.done $0x0  }
0x45: {  	[sflag:s20] =	ssyncadd.s32 $0xFFFFE000  }
0x46: {  	[spmem:s18] =	stream.linear.scatter [tilespmem:s19], [sflag:$0x2], $0x2000, $0x38;
	[tilespmem:$0x1F000] =	vst v63  }
0x47: {  	_ =	swait.ge [sflag:s20], $0x2000  }
0x48: {  	[sflag:s20] =	ssyncset.done $0x0  }
0x49: {  	[sflag:s20] =	ssyncadd.s32 $0xFFFFE000  }
0x4a: {  	s29 =	simm.s32 $0x0;
	[bflag:$0x0] =	sbarrier.arrive $0xFFFF  }
0x4b: {  	[tilespmem:s29], [sflag:$0x2] =	stream.linear.gather [hbm4b:s6+s29], $0x2800, $0x38;
	[tilespmem:$0x1F000] =	vst v63  }
0x4c: {  	_ =	swait.ge [sflag:s20], $0x2800  }
0x4d: {  	[sflag:s20] =	ssyncset.done $0x0  }
0x4e: {  	[sflag:s20] =	ssyncadd.s32 $0xFFFFD800  }
0x4f: {  	[tilespmem:s21], [sflag:$0x2] =	stream.linear.gather [hbm4b:s7+s29], $0x2800, $0x38;
	[tilespmem:$0x1F000] =	vst v63  }
0x50: {  	_ =	swait.ge [sflag:s20], $0x2800  }
0x51: {  	[sflag:s20] =	ssyncset.done $0x0  }
0x52: {  	s30 =	simm.s32 $0x0;
	[sflag:s20] =	ssyncadd.s32 $0xFFFFD800  }
0x53: {  	[tilespmem:s23], [sflag:$0x1] =	stream.indirect.gather [hbm4b:s4+s22], $0x80, s30, s22, $0xb8;
	[tilespmem:$0x1F000] =	vst v63  }
0x54: {  	_ =	swait.ge [sflag:s24], $0x4000  }
0x55: {  	[sflag:s24] =	ssyncset.done $0x0  }
0x56: {  	s31 =	simm.s32 $0x2800;
	[sflag:s24] =	ssyncadd.s32 $0xFFFFC000  }
0x57: {  	[spmem:s1] =	stream.indirect.scatter.add.f32 [tilespmem:s23], [sflag:$0x2], $0x80, s31, s22, $0xb8;
	[tilespmem:$0x1F000] =	vst v63  }
0x58: {  	_ =	swait.ge [sflag:s20], $0x4000  }
0x59: {  	s25 =	simm.s32 $0x200;
	s26 =	simm.s32 $0x400;
	[sflag:s20] =	ssyncset.done $0x0  }
.LBB2_4:
0x5a: {  	s28 =	sshra.s32 s25, $0x2  }
0x5b: {  	[sflag:s20] =	ssyncadd.s32 $0xFFFFC000;
	s25 =	smov.u32 s26;
	s29 =	sadd.s32 $0x200, s26  }
0x5c: {  	[tilespmem:s23], [sflag:$0x1] =	stream.indirect.gather [hbm4b:s4+s22], $0x80, s28, s22, $0xb8;
	[tilespmem:$0x1F000] =	vst v63  }
0x5d: {  	p0 =	sne.s32 s26, $0x9E00;
	_ =	swait.ge [sflag:s24], $0x4000  }
.Ltmp1:
0x5e: {  	[sflag:s24] =	ssyncset.done $0x0;
	(pc) =	sbr.rel @p0 .LBB2_4-.Ltmp1, $4  }
0x5f: {  	s26 =	sadd.s32 $0x2800, s28;
	[sflag:s24] =	ssyncadd.s32 $0xFFFFC000  }
0x60: {  	[spmem:s1] =	stream.indirect.scatter.add.f32 [tilespmem:s23], [sflag:$0x2], $0x80, s26, s22, $0xb8;
	[tilespmem:$0x1F000] =	vst v63  }
0x61: {  	_ =	swait.ge [sflag:s20], $0x4000  }
0x62: {  	s26 =	smov.u32 s29;
	[sflag:s20] =	ssyncset.done $0x0  }
0x63: {  	s25 =	sshra.s32 s25, $0x2;
	[sflag:s20] =	ssyncadd.s32 $0xFFFFC000  }
0x64: {  	[tilespmem:s23], [sflag:$0x1] =	stream.indirect.gather [hbm4b:s4+s22], $0x80, s25, s22, $0xb8;
	[tilespmem:$0x1F000] =	vst v63  }
0x65: {  	_ =	swait.ge [sflag:s24], $0x4000  }
0x66: {  	[sflag:s24] =	ssyncset.done $0x0  }
0x67: {  	s25 =	sadd.s32 $0x2800, s25;
	[sflag:s24] =	ssyncadd.s32 $0xFFFFC000  }
0x68: {  	[spmem:s1] =	stream.indirect.scatter.add.f32 [tilespmem:s23], [sflag:$0x2], $0x80, s25, s22, $0xb8;
	[tilespmem:$0x1F000] =	vst v63  }
0x69: {  	_ =	swait.ge [sflag:s20], $0x4000  }
0x6a: {  	s31 =	sshll.u32 s2, $0x6;
	s3 =	sadd.s32 $0x1, s3;
	[sflag:s20] =	ssyncset.done $0x0  }
0x6b: {  	s26 =	sshrl.u32 s5, $0x3;
	p0 =	sne.s32 s3, s9;
	[sflag:s20] =	ssyncadd.s32 $0xFFFFC000  }
.Ltmp2:
0x6c: {  	s25 =	sor.u32 $0x1C02, s31;
	[bflag:$0x0] =	sbarrier.arrive $0xFFFF;
	(pc) =	sbr.rel @p0 .LBB2_1-.Ltmp2, $4  }
0x6d: {  	[hbm:s8], [sflag:s25] =	dma.local [spmem:s26], $0x2800  }
0x6e: {  	_ =	swait.ge [sflag:s20], $0x2800  }
0x6f: {  	[sflag:s20] =	ssyncset.done $0x0  }
0x70: {  	[sflag:s20] =	ssyncadd.s32 $0xFFFFD800  }
0x71: {  	_ =	sfence.sel $0x180000  }
0x72: {  	[bflag:$0x0] =	sbarrier.arrive $0xFFFF  }
0x73: {  	p0 =	sne.s32 s2, $0x0;
	_ =	strace $0x9000004D  }
0x74: {  	s0 =	sadd.s32 @!p0 $0x100000, s0;
	[bflag:$0x2] =	sbarrier.arrive $0xFFFF  }
0x75: {  	[sflag:s0] =	ssyncadd.tile.s32 @!p0 $0x1;
	_ =	shalt  }
.Lfunc_end2:
_tile_overlayer_lowered:
.L_overlay_start_2:
0x76: {  	(tag) =	ssettag $0x2  }
0x77: {  	s0 =	rddreg [dreg:$0x0];
	s2 =	stileid.u32  }
0x78: {  	s1 =	rddreg [dreg:$0x1];
	p0 =	sne.s32 s2, $0x0  }
0x79: {  	s3 =	rddreg [dreg:$0x2];
	[bflag:$0x3] =	sbarrier.arrive $0xFFFF;
	s2 =	simm.s32 @!p0 $0x1C02  }
0x7a: {  	[timem:s3], [sflag:s2] =	dma.local @!p0 [hbm:s0], s1  }
0x7b: {  	s0 =	simm.s32 @!p0 $0x2  }
0x7c: {  	_ =	swait.ge @!p0 [sflag:s0], s1  }
0x7d: {  	s1 =	ssub.s32 @!p0 $0x0, s1;
	[sflag:s0] =	ssyncset.done @!p0 $0x0  }
0x7e: {  	[sflag:s0] =	ssyncadd.s32 @!p0 s1  }
0x7f: {  	[bflag:$0x3] =	sbarrier.arrive $0xFFFF  }
0x80: {  	_ =	shalt  }

// kernel: kernel.26.cloned.1.call-start
scs
__scs_entry_jumppad:
0x0: {  	(pc) =	sbr.rel $0x88, $3  }
0x1: {  	(tag) =	ssettag $0x0;
	lr =	simm.s32 $0x1  }
0x2: {  	[smem:$0x3F8E] =	sst lr;
	_ =	strace $0xD0000000  }
0x3: {  	_ = 	snop  }
0x4: {  	_ = 	snop  }
0x5: {  	_ = 	snop  }
0x6: {  	_ = 	snop  }
0x7: {  	_ = 	snop  }
__scs_overlays_trampoline_lowered:
0x8: {  	[smem:$0x3F9D] =	sst s0  }
0x9: {  	[smem:$0x3F9E] =	sst s1  }
0xa: {  	[smem:$0x3F9F] =	sst s2  }
0xb: {  	[smem:$0x3FA0] =	sst s3  }
0xc: {  	[smem:$0x3FA1] =	sst s4  }
0xd: {  	[smem:$0x3FA2] =	sst s5  }
0xe: {  	[smem:$0x3FA3] =	sst s6  }
0xf: {  	[smem:$0x3FA4] =	sst s7  }
0x10: {  	[smem:$0x3FA5] =	sst s8  }
0x11: {  	[smem:$0x3FA6] =	sst s9;
	s0 =	simm.s32 @!p0 $0x0  }
0x12: {  	s1 =	sld [smem:$0x3F8C];
	s0 =	simm.s32 @p0 $0x1  }
0x13: {  	[smem:$0x3FA7] =	sst s0;
	s0 =	simm.s32 @!p1 $0x0  }
0x14: {  	s2 =	sld [smem:$0x3F8B];
	s0 =	simm.s32 @p1 $0x1  }
0x15: {  	[smem:$0x3FA8] =	sst s0;
	s0 =	simm.s32 @!p2 $0x0  }
0x16: {  	s3 =	sld [smem:$0x3FDB];
	s0 =	simm.s32 @p2 $0x1  }
0x17: {  	s4 =	simm.s32 $0x1BF5;
	[smem:$0x3FAA] =	sst s0  }
0x18: {  	s0 =	sld [smem:$0x3F8D];
	_ =	swait.ge [sflag:s4], $0x0  }
0x19: {  	s7 =	sld [smem:$0x3F8E]  }
0x1a: {  	s8 =	sadd.s32 $0xFFFFE003, lr  }
0x1b: {  	s9 =	sadd.s32 $0xFFFFFEF7, lr;
	s5 =	simm.s32 $0xFFFFFFFF;
	p2 =	slt.u32 s8, $0xFFFFF086  }
0x1c: {  	p1 =	slt.u32 s9, $0xF7A;
	s5 =	simm.s32 @!p2 $0x0  }
0x1d: {  	s5 =	simm.s32 @p1 $0x1;
	p0 =	seq.s32 s7, s2  }
0x1e: {  	s7 =	smul.u32 @!p0 $0xF7A, s2;
	p2 =	seq.s32 @!p0 s5, $0x0  }
0x1f: {  	s9 =	smul.u32 $0xF7A, s1;
	s8 =	simm.s32 @!p0 $0x1BF5;
	p2 =	por !p2, p0  }
0x20: {  	[sflag:s8] =	ssyncset.s32 @!p0 $0xFFFFF086;
	s6 =	sadd.s32 @!p0 s3, s7;
	s7 =	simm.s32 @!p0 $0x108  }
0x21: {  	s3 =	sadd.s32 s3, s9;
	s6 =	sadd.s32 @!p0 $0x88, s6;
	s7 =	simm.s32 @p2 $0x1082  }
0x22: {  	[simem:s7], [sflag:s8] =	dma.local @!p0 [hbm:s6], $0xF7A  }
0x23: {  	s9 =	sor.u32 $0xD0000000, s2;
	s6 =	simm.s32 $0x108;
	_ =	swait.ge @!p0 [sflag:s8], $0x0  }
0x24: {  	s3 =	sadd.s32 $0x88, s3;
	s6 =	simm.s32 @!p1 $0x1082;
	[sflag:s4] =	ssyncset.s32 $0xFFFFF086  }
0x25: {  	[simem:s6], [sflag:s4] =	dma.local [hbm:s3], $0xF7A  }
0x26: {  	[smem:$0x3F8E] =	sst s1;
	(tag) =	ssettag s2;
	_ =	strace s9  }
0x27: {  	s1 =	sld [smem:$0x3F9E]  }
0x28: {  	s2 =	sld [smem:$0x3F9F]  }
0x29: {  	s4 =	sld [smem:$0x3FA1]  }
0x2a: {  	p0 =	seq.s32 s5, $0x0;
	s5 =	sld [smem:$0x3FA2]  }
0x2b: {  	s6 =	sld [smem:$0x3FA3]  }
0x2c: {  	s7 =	sld [smem:$0x3FA4]  }
0x2d: {  	s3 =	simm.s32 $0x108;
	s8 =	sld [smem:$0x3FA5]  }
0x2e: {  	s3 =	simm.s32 @!p0 $0x1082;
	s9 =	sld [smem:$0x3FA6]  }
0x2f: {  	lr =	sadd.s32 s0, s3;
	s0 =	sld [smem:$0x3F9D]  }
0x30: {  	s3 =	sld [smem:$0x3FA0]  }
0x31: {  	[smem:$0x3FA9] =	sst s10  }
0x32: {  	s10 =	sld [smem:$0x3FA7];
	_ =	sdelay $0x3  }
0x33: {  	p0 =	seq.s32 s10, $0x1;
	s10 =	sld [smem:$0x3FA9];
	_ =	sdelay $0x3  }
0x34: {  	[smem:$0x3FA9] =	sst s10  }
0x35: {  	s10 =	sld [smem:$0x3FA8];
	_ =	sdelay $0x3  }
0x36: {  	p1 =	seq.s32 s10, $0x1;
	s10 =	sld [smem:$0x3FA9];
	_ =	sdelay $0x3  }
0x37: {  	[smem:$0x3FA9] =	sst s10  }
0x38: {  	s10 =	sld [smem:$0x3FAA]  }
0x39: {  	_ = 	snop;
	(pc) =	sbr.ind lr, $3  }
0x3a: {  	_ = 	snop  }
0x3b: {  	_ = 	snop  }
0x3c: {  	p2 =	seq.s32 s10, $0x1;
	s10 =	sld [smem:$0x3FA9]  }
0x3d: {  	_ =	shalt  }
0x3e: {  	_ =	shalt  }
0x3f: {  	_ =	shalt  }
0x40: {  	_ =	shalt  }
0x41: {  	_ =	shalt  }
0x42: {  	_ =	shalt  }
0x43: {  	_ =	shalt  }
0x44: {  	_ =	shalt  }
0x45: {  	_ =	shalt  }
0x46: {  	_ =	shalt  }
0x47: {  	_ =	shalt  }
0x48: {  	_ =	shalt  }
0x49: {  	_ =	shalt  }
0x4a: {  	_ =	shalt  }
0x4b: {  	_ =	shalt  }
0x4c: {  	_ =	shalt  }
0x4d: {  	_ =	shalt  }
0x4e: {  	_ =	shalt  }
0x4f: {  	_ =	shalt  }
0x50: {  	_ =	shalt  }
0x51: {  	_ =	shalt  }
0x52: {  	_ =	shalt  }
0x53: {  	_ =	shalt  }
0x54: {  	_ =	shalt  }
0x55: {  	_ =	shalt  }
0x56: {  	_ =	shalt  }
0x57: {  	_ =	shalt  }
0x58: {  	_ =	shalt  }
0x59: {  	_ =	shalt  }
0x5a: {  	_ =	shalt  }
0x5b: {  	_ =	shalt  }
0x5c: {  	_ =	shalt  }
0x5d: {  	_ =	shalt  }
0x5e: {  	_ =	shalt  }
0x5f: {  	_ =	shalt  }
0x60: {  	_ =	shalt  }
0x61: {  	_ =	shalt  }
0x62: {  	_ =	shalt  }
0x63: {  	_ =	shalt  }
0x64: {  	_ =	shalt  }
0x65: {  	_ =	shalt  }
0x66: {  	_ =	shalt  }
0x67: {  	_ =	shalt  }
0x68: {  	_ =	shalt  }
0x69: {  	_ =	shalt  }
0x6a: {  	_ =	shalt  }
0x6b: {  	_ =	shalt  }
0x6c: {  	_ =	shalt  }
0x6d: {  	_ =	shalt  }
0x6e: {  	_ =	shalt  }
0x6f: {  	_ =	shalt  }
0x70: {  	_ =	shalt  }
0x71: {  	_ =	shalt  }
0x72: {  	_ =	shalt  }
0x73: {  	_ =	shalt  }
0x74: {  	_ =	shalt  }
0x75: {  	_ =	shalt  }
0x76: {  	_ =	shalt  }
0x77: {  	_ =	shalt  }
0x78: {  	_ =	shalt  }
0x79: {  	_ =	shalt  }
0x7a: {  	_ =	shalt  }
0x7b: {  	_ =	shalt  }
0x7c: {  	_ =	shalt  }
0x7d: {  	_ =	shalt  }
0x7e: {  	_ =	shalt  }
0x7f: {  	_ =	shalt  }
0x80: {  	_ =	shalt  }
0x81: {  	_ =	shalt  }
0x82: {  	_ =	shalt  }
0x83: {  	_ =	shalt  }
0x84: {  	_ =	shalt  }
0x85: {  	_ =	shalt  }
0x86: {  	_ =	shalt  }
0x87: {  	_ =	shalt  }
.Lfunc_end0:
.L_simem_size_0:
called_computation.3_lowered:
.L_overlay_start_0:
0x88: {  	s2 =	sld [smem:$0x3FD9]  }
0x89: {  	s3 =	sld [smem:$0x3FFE];
	_ =	sdelay $0x1  }
0x8a: {  	s1 =	srdreg.scid  }
0x8b: {  	s0 =	sand.u32 $0x1, s1  }
0x8c: {  	s16 =	sshll.u32 s0, $0xA;
	s2 =	sadd.s32 s3, s2  }
0x8d: {  	s2 =	sadd.s32 s2, s16  }
0x8e: {  	[smem:$0x3FB5] =	sst s2  }
0x8f: {  	_ = 	snop  }
0x90: {  	(tm) =	ssettm $0x1  }
0x91: {  	s17 =	sld [smem:$0x3FFB];
	_ =	sdelay $0x3  }
0x92: {  	_ =	strace s17  }
0x93: {  	s2 =	sld [smem:$0x3FFC];
	_ =	sdelay $0x3  }
0x94: {  	_ =	strace s2  }
0x95: {  	s2 =	sld [smem:$0x3FFD];
	_ =	sdelay $0x3  }
0x96: {  	_ =	strace s2  }
0x97: {  	_ =	strace $0x8FFFFFFF  }
0x98: {  	s18 =	sld [smem:$0x3FDB];
	_ =	sdelay $0x1  }
0x99: {  	s19 =	simm.s32 $_scs_section_size  }
0x9a: {  	s4 =	simm.s32 $_size__tile_overlayer_lowered;
	s5 =	simm.s32 $_tile_overlayer_lowered  }
0x9b: {  	s22 =	simm.s32 $0x1BFF;
	s21 =	sshll.u32 s5, $0x1;
	s2 =	sadd.s32 s19, s18  }
0x9c: {  	s6 =	simm.s32 $0x0;
	s20 =	sshll.u32 s4, $0x1;
	s4 =	sadd.s32 s21, s2  }
0x9d: {  	[timem:s6], [sflag:s22] =	dma.local [hbm:s4], s20  }
0x9e: {  	_ =	swait.ge [sflag:s22], s20  }
0x9f: {  	s3 =	ssub.s32 $0x0, s20;
	[sflag:s22] =	ssyncset.done $0x0  }
0xa0: {  	[sflag:s22] =	ssyncadd.s32 s3;
	_ =	sdelay $0x1  }
0xa1: {  	s23 =	simm.s32 $0x1B8B  }
0xa2: {  	_ =	swait.ge [sflag:s23], $0x1  }
0xa3: {  	[sflag:s23] =	ssyncset.done $0x0  }
0xa4: {  	s25 =	simm.s32 $0x1B8E;
	s24 =	sld [smem:$0x3FFE];
	[sflag:s23] =	ssyncadd.s32 $0xFFFFFFFF  }
0xa5: {  	s26 =	simm.s32 $execute0_lowered;
	[smem:$0x3FD2] =	sst s25  }
0xa6: {  	s4 =	sshll.u32 s26, $0x1;
	_ =	strace $0x8000004F;
	[dreg:$0x1] =	wrdreg $0xFFFFFFFF  }
0xa7: {  	s28 =	simm.s32 $_size_execute0_lowered;
	s2 =	sadd.s32 s2, s4;
	[dreg:$0x0] =	wrdreg $0x0  }
0xa8: {  	s4 =	sshll.u32 s28, $0x1;
	[dreg:$0x2] =	wrdreg s2  }
0xa9: {  	[dreg:$0x3] =	wrdreg s4  }
0xaa: {  	[dreg:$0x4] =	wrdreg $0xC0  }
0xab: {  	_ =	task [dreg:s6], $0x5FFFF  }
0xac: {  	[dreg:$0x1] =	wrdreg $0xFFFFFFFF  }
0xad: {  	[dreg:$0x0] =	wrdreg $0x60  }
0xae: {  	[dreg:$0x2] =	wrdreg s24  }
0xaf: {  	[dreg:$0x3] =	wrdreg $0xB0000  }
0xb0: {  	[dreg:$0x4] =	wrdreg $0x9  }
0xb1: {  	_ =	task.clear_ibuf [dreg:s6], $0x5FFFF;
	_ =	strace $0x9000004F  }
0xb2: {  	s29 =	simm.s32 $0x9;
	_ =	strace $0x80000051  }
0xb3: {  	_ =	swait.ge [sflag:s29], $0x1  }
0xb4: {  	[sflag:s29] =	ssyncadd.s32 $0xFFFFFFFF  }
0xb5: {  	_ =	strace $0x90000051  }
0xb6: {  	_ =	sfence  }
0xb7: {  	s30 =	sld [smem:$0x0];
	_ =	sdelay $0x2  }
0xb8: {  	s31 =	sshll.u32 s1, $0xD;
	s1 =	sshrl.u32 s1, $0x2  }
0xb9: {  	s3 =	sand.u32 $0x4000, s31;
	s1 =	sadd.s32 s1, s30  }
0xba: {  	s0 =	sor.u32 s3, s0;
	s1 =	sshll.u32 s1, $0x11  }
0xbb: {  	s0 =	sor.u32 s1, s0  }
0xbc: {  	s0 =	sadd.s32 $0x8F2B, s0  }
0xbd: {  	[sflag:s0] =	ssyncadd.remote.s32 $0x1  }
0xbe: {  	_ =	sfence.sel $0xFFFF  }
0xbf: {  	[dreg:$0x0] =	wrdreg $0xFFFFFFFF;
	(pc) =	sbr.abs _section_cstart, $3  }
0xc0: {  	[dreg:$0x1] =	wrdreg $0xFFFFFFFF  }
0xc1: {  	_ =	task.clear_ibuf [dreg:s6], $0x2FFFF;
	_ =	strace $0x9FFFFFFF  }
0xc2: {  	(tm) =	ssettm $0x7FFFFFFF  }
0xc3: {  	_ =	shalt  }
tec
execute0_lowered:
.L_overlay_start_1:
0x0: {  	(tag) =	ssettag $0x1  }
0x1: {  	s5 =	rddreg [dreg:$0x0]  }
0x2: {  	s1 =	rddreg [dreg:$0x1]  }
0x3: {  	s2 =	srdreg.scid;
	s0 =	rddreg [dreg:$0x2];
	s3 =	simm.s32 $0x0  }
0x4: {  	s19 =	simm.s32 $0x9000;
	s20 =	simm.s32 $0x2;
	s21 =	simm.s32 $0x2800  }
0x5: {  	s22 =	simm.s32 $0x80;
	s23 =	simm.s32 $0x5000;
	s6 =	sand.u32 $0x1, s2  }
0x6: {  	s24 =	simm.s32 $0x1;
	s2 =	stileid.u32;
	s7 =	smul.u32 $0x140000, s6  }
0x7: {  	[smem:$0x7FF] =	sst s3;
	s4 =	sshll.u32 s6, $0x4;
	s8 =	smul.u32 $0x14000, s2  }
0x8: {  	s29 =	smul.u32 $0x50000, s2;
	s6 =	ssub.s32 $0x2, s6;
	s4 =	sor.u32 s2, s4  }
0x9: {  	_ =	strace $0x80000050;
	s30 =	sshrl.u32 s6, $0x1;
	s9 =	smul.u32 $0x500, s4  }
0xa: {  	s4 =	sadd.s32 $0x19E00, s5;
	s7 =	sadd.s32 s8, s7;
	s31 =	sshrl.u32 s29, $0x2  }
0xb: {  	s11 =	ssub.s32 s6, s30;
	s7 =	sshrl.u32 s7, $0x3;
	s9 =	sadd.s32 s9, s5  }
0xc: {  	s10 =	sadd.s32 s7, s5;
	s5 =	sadd.s32 s31, s1;
	s6 =	sadd.s32 $0x5E00, s9  }
0xd: {  	s7 =	sadd.s32 $0xFE00, s9;
	s8 =	sadd.s32 $0x41E00, s10;
	s9 =	smax.u32 s11, $0x1  }
0xe: {  	s10 =	sadd.s32 $0x2000, s5;
	s11 =	sadd.s32 $0x4000, s5;
	s12 =	sadd.s32 $0x6000, s5  }
0xf: {  	s13 =	sadd.s32 $0x8000, s5;
	s14 =	sadd.s32 $0xA000, s5;
	s15 =	sadd.s32 $0xC000, s5  }
0x10: {  	v0 =	vimm.f32 $0.0e+00;
	s16 =	sadd.s32 $0xE000, s5;
	s17 =	sadd.s32 $0x10000, s5;
	s18 =	sadd.s32 $0x12000, s5  }
.LBB2_1:
0x11: {  	s25 =	simm.s32 $0x0;
	s26 =	simm.s32 $0x200  }
.LBB2_2:
0x12: {  	p0 =	sne.s32 s26, $0x7E00;
	[tilespmem:s25+$0x9070] =	vst v0  }
0x13: {  	[tilespmem:s25+$0x9000] =	vst v0  }
0x14: {  	[tilespmem:s25+$0x9010] =	vst v0  }
.Ltmp0:
0x15: {  	[tilespmem:s25+$0x9020] =	vst v0;
	(pc) =	sbr.rel @p0 .LBB2_2-.Ltmp0, $4  }
0x16: {  	[tilespmem:s25+$0x9030] =	vst v0  }
0x17: {  	[tilespmem:s25+$0x9040] =	vst v0  }
0x18: {  	[tilespmem:s25+$0x9050] =	vst v0  }
0x19: {  	[tilespmem:s25+$0x9060] =	vst v0;
	s25 =	sshra.s32 s26, $0x2;
	s26 =	sadd.s32 $0x200, s26  }
0x1a: {  	[tilespmem:s25+$0x9070] =	vst v0  }
0x1b: {  	[tilespmem:s25+$0x9000] =	vst v0  }
0x1c: {  	[tilespmem:s25+$0x9010] =	vst v0  }
0x1d: {  	[tilespmem:s25+$0x9020] =	vst v0  }
0x1e: {  	[tilespmem:s25+$0x9030] =	vst v0  }
0x1f: {  	[tilespmem:s25+$0x9040] =	vst v0  }
0x20: {  	[tilespmem:s25+$0x9050] =	vst v0  }
0x21: {  	[tilespmem:s25+$0x9060] =	vst v0  }
0x22: {  	[spmem:s5] =	stream.linear.scatter [tilespmem:s19], [sflag:$0x2], $0x2000, $0x38;
	[tilespmem:$0x1F000] =	vst v63  }
0x23: {  	_ =	swait.ge [sflag:s20], $0x2000  }
0x24: {  	[sflag:s20] =	ssyncset.done $0x0  }
0x25: {  	[sflag:s20] =	ssyncadd.s32 $0xFFFFE000  }
0x26: {  	[spmem:s10] =	stream.linear.scatter [tilespmem:s19], [sflag:$0x2], $0x2000, $0x38;
	[tilespmem:$0x1F000] =	vst v63  }
0x27: {  	_ =	swait.ge [sflag:s20], $0x2000  }
0x28: {  	[sflag:s20] =	ssyncset.done $0x0  }
0x29: {  	[sflag:s20] =	ssyncadd.s32 $0xFFFFE000  }
0x2a: {  	[spmem:s11] =	stream.linear.scatter [tilespmem:s19], [sflag:$0x2], $0x2000, $0x38;
	[tilespmem:$0x1F000] =	vst v63  }
0x2b: {  	_ =	swait.ge [sflag:s20], $0x2000  }
0x2c: {  	[sflag:s20] =	ssyncset.done $0x0  }
0x2d: {  	[sflag:s20] =	ssyncadd.s32 $0xFFFFE000  }
0x2e: {  	[spmem:s12] =	stream.linear.scatter [tilespmem:s19], [sflag:$0x2], $0x2000, $0x38;
	[tilespmem:$0x1F000] =	vst v63  }
0x2f: {  	_ =	swait.ge [sflag:s20], $0x2000  }
0x30: {  	[sflag:s20] =	ssyncset.done $0x0  }
0x31: {  	[sflag:s20] =	ssyncadd.s32 $0xFFFFE000  }
0x32: {  	[spmem:s13] =	stream.linear.scatter [tilespmem:s19], [sflag:$0x2], $0x2000, $0x38;
	[tilespmem:$0x1F000] =	vst v63  }
0x33: {  	_ =	swait.ge [sflag:s20], $0x2000  }
0x34: {  	[sflag:s20] =	ssyncset.done $0x0  }
0x35: {  	[sflag:s20] =	ssyncadd.s32 $0xFFFFE000  }
0x36: {  	[spmem:s14] =	stream.linear.scatter [tilespmem:s19], [sflag:$0x2], $0x2000, $0x38;
	[tilespmem:$0x1F000] =	vst v63  }
0x37: {  	_ =	swait.ge [sflag:s20], $0x2000  }
0x38: {  	[sflag:s20] =	ssyncset.done $0x0  }
0x39: {  	[sflag:s20] =	ssyncadd.s32 $0xFFFFE000  }
0x3a: {  	[spmem:s15] =	stream.linear.scatter [tilespmem:s19], [sflag:$0x2], $0x2000, $0x38;
	[tilespmem:$0x1F000] =	vst v63  }
0x3b: {  	_ =	swait.ge [sflag:s20], $0x2000  }
0x3c: {  	[sflag:s20] =	ssyncset.done $0x0  }
0x3d: {  	[sflag:s20] =	ssyncadd.s32 $0xFFFFE000  }
0x3e: {  	[spmem:s16] =	stream.linear.scatter [tilespmem:s19], [sflag:$0x2], $0x2000, $0x38;
	[tilespmem:$0x1F000] =	vst v63  }
0x3f: {  	_ =	swait.ge [sflag:s20], $0x2000  }
0x40: {  	[sflag:s20] =	ssyncset.done $0x0  }
0x41: {  	[sflag:s20] =	ssyncadd.s32 $0xFFFFE000  }
0x42: {  	[spmem:s17] =	stream.linear.scatter [tilespmem:s19], [sflag:$0x2], $0x2000, $0x38;
	[tilespmem:$0x1F000] =	vst v63  }
0x43: {  	_ =	swait.ge [sflag:s20], $0x2000  }
0x44: {  	[sflag:s20] =	ssyncset.done $0x0  }
0x45: {  	[sflag:s20] =	ssyncadd.s32 $0xFFFFE000  }
0x46: {  	[spmem:s18] =	stream.linear.scatter [tilespmem:s19], [sflag:$0x2], $0x2000, $0x38;
	[tilespmem:$0x1F000] =	vst v63  }
0x47: {  	_ =	swait.ge [sflag:s20], $0x2000  }
0x48: {  	[sflag:s20] =	ssyncset.done $0x0  }
0x49: {  	[sflag:s20] =	ssyncadd.s32 $0xFFFFE000  }
0x4a: {  	s29 =	simm.s32 $0x0;
	[bflag:$0x0] =	sbarrier.arrive $0xFFFF  }
0x4b: {  	[tilespmem:s29], [sflag:$0x2] =	stream.linear.gather [hbm4b:s6+s29], $0x2800, $0x38;
	[tilespmem:$0x1F000] =	vst v63  }
0x4c: {  	_ =	swait.ge [sflag:s20], $0x2800  }
0x4d: {  	[sflag:s20] =	ssyncset.done $0x0  }
0x4e: {  	[sflag:s20] =	ssyncadd.s32 $0xFFFFD800  }
0x4f: {  	[tilespmem:s21], [sflag:$0x2] =	stream.linear.gather [hbm4b:s7+s29], $0x2800, $0x38;
	[tilespmem:$0x1F000] =	vst v63  }
0x50: {  	_ =	swait.ge [sflag:s20], $0x2800  }
0x51: {  	[sflag:s20] =	ssyncset.done $0x0  }
0x52: {  	s30 =	simm.s32 $0x0;
	[sflag:s20] =	ssyncadd.s32 $0xFFFFD800  }
0x53: {  	[tilespmem:s23], [sflag:$0x1] =	stream.indirect.gather [hbm4b:s4+s22], $0x80, s30, s22, $0xb8;
	[tilespmem:$0x1F000] =	vst v63  }
0x54: {  	_ =	swait.ge [sflag:s24], $0x4000  }
0x55: {  	[sflag:s24] =	ssyncset.done $0x0  }
0x56: {  	s31 =	simm.s32 $0x2800;
	[sflag:s24] =	ssyncadd.s32 $0xFFFFC000  }
0x57: {  	[spmem:s1] =	stream.indirect.scatter.add.f32 [tilespmem:s23], [sflag:$0x2], $0x80, s31, s22, $0xb8;
	[tilespmem:$0x1F000] =	vst v63  }
0x58: {  	_ =	swait.ge [sflag:s20], $0x4000  }
0x59: {  	s25 =	simm.s32 $0x200;
	s26 =	simm.s32 $0x400;
	[sflag:s20] =	ssyncset.done $0x0  }
.LBB2_4:
0x5a: {  	s28 =	sshra.s32 s25, $0x2  }
0x5b: {  	[sflag:s20] =	ssyncadd.s32 $0xFFFFC000;
	s25 =	smov.u32 s26;
	s29 =	sadd.s32 $0x200, s26  }
0x5c: {  	[tilespmem:s23], [sflag:$0x1] =	stream.indirect.gather [hbm4b:s4+s22], $0x80, s28, s22, $0xb8;
	[tilespmem:$0x1F000] =	vst v63  }
0x5d: {  	p0 =	sne.s32 s26, $0x9E00;
	_ =	swait.ge [sflag:s24], $0x4000  }
.Ltmp1:
0x5e: {  	[sflag:s24] =	ssyncset.done $0x0;
	(pc) =	sbr.rel @p0 .LBB2_4-.Ltmp1, $4  }
0x5f: {  	s26 =	sadd.s32 $0x2800, s28;
	[sflag:s24] =	ssyncadd.s32 $0xFFFFC000  }
0x60: {  	[spmem:s1] =	stream.indirect.scatter.add.f32 [tilespmem:s23], [sflag:$0x2], $0x80, s26, s22, $0xb8;
	[tilespmem:$0x1F000] =	vst v63  }
0x61: {  	_ =	swait.ge [sflag:s20], $0x4000  }
0x62: {  	s26 =	smov.u32 s29;
	[sflag:s20] =	ssyncset.done $0x0  }
0x63: {  	s25 =	sshra.s32 s25, $0x2;
	[sflag:s20] =	ssyncadd.s32 $0xFFFFC000  }
0x64: {  	[tilespmem:s23], [sflag:$0x1] =	stream.indirect.gather [hbm4b:s4+s22], $0x80, s25, s22, $0xb8;
	[tilespmem:$0x1F000] =	vst v63  }
0x65: {  	_ =	swait.ge [sflag:s24], $0x4000  }
0x66: {  	[sflag:s24] =	ssyncset.done $0x0  }
0x67: {  	s25 =	sadd.s32 $0x2800, s25;
	[sflag:s24] =	ssyncadd.s32 $0xFFFFC000  }
0x68: {  	[spmem:s1] =	stream.indirect.scatter.add.f32 [tilespmem:s23], [sflag:$0x2], $0x80, s25, s22, $0xb8;
	[tilespmem:$0x1F000] =	vst v63  }
0x69: {  	_ =	swait.ge [sflag:s20], $0x4000  }
0x6a: {  	s31 =	sshll.u32 s2, $0x6;
	s3 =	sadd.s32 $0x1, s3;
	[sflag:s20] =	ssyncset.done $0x0  }
0x6b: {  	s26 =	sshrl.u32 s5, $0x3;
	p0 =	sne.s32 s3, s9;
	[sflag:s20] =	ssyncadd.s32 $0xFFFFC000  }
.Ltmp2:
0x6c: {  	s25 =	sor.u32 $0x1C02, s31;
	[bflag:$0x0] =	sbarrier.arrive $0xFFFF;
	(pc) =	sbr.rel @p0 .LBB2_1-.Ltmp2, $4  }
0x6d: {  	[hbm:s8], [sflag:s25] =	dma.local [spmem:s26], $0x2800  }
0x6e: {  	_ =	swait.ge [sflag:s20], $0x2800  }
0x6f: {  	[sflag:s20] =	ssyncset.done $0x0  }
0x70: {  	[sflag:s20] =	ssyncadd.s32 $0xFFFFD800  }
0x71: {  	_ =	sfence.sel $0x180000  }
0x72: {  	[bflag:$0x0] =	sbarrier.arrive $0xFFFF  }
0x73: {  	p0 =	sne.s32 s2, $0x0;
	_ =	strace $0x90000050  }
0x74: {  	s0 =	sadd.s32 @!p0 $0x100000, s0;
	[bflag:$0x2] =	sbarrier.arrive $0xFFFF  }
0x75: {  	[sflag:s0] =	ssyncadd.tile.s32 @!p0 $0x1;
	_ =	shalt  }
.Lfunc_end2:
_tile_overlayer_lowered:
.L_overlay_start_2:
0x76: {  	(tag) =	ssettag $0x2  }
0x77: {  	s0 =	rddreg [dreg:$0x0];
	s2 =	stileid.u32  }
0x78: {  	s1 =	rddreg [dreg:$0x1];
	p0 =	sne.s32 s2, $0x0  }
0x79: {  	s3 =	rddreg [dreg:$0x2];
	[bflag:$0x3] =	sbarrier.arrive $0xFFFF;
	s2 =	simm.s32 @!p0 $0x1C02  }
0x7a: {  	[timem:s3], [sflag:s2] =	dma.local @!p0 [hbm:s0], s1  }
0x7b: {  	s0 =	simm.s32 @!p0 $0x2  }
0x7c: {  	_ =	swait.ge @!p0 [sflag:s0], s1  }
0x7d: {  	s1 =	ssub.s32 @!p0 $0x0, s1;
	[sflag:s0] =	ssyncset.done @!p0 $0x0  }
0x7e: {  	[sflag:s0] =	ssyncadd.s32 @!p0 s1  }
0x7f: {  	[bflag:$0x3] =	sbarrier.arrive $0xFFFF  }
0x80: {  	_ =	shalt  }

// kernel: kernel.29.cloned.1.call-start
scs
__scs_entry_jumppad:
0x0: {  	(pc) =	sbr.rel $0x88, $3  }
0x1: {  	(tag) =	ssettag $0x0;
	lr =	simm.s32 $0x1  }
0x2: {  	[smem:$0x3F8E] =	sst lr;
	_ =	strace $0xD0000000  }
0x3: {  	_ = 	snop  }
0x4: {  	_ = 	snop  }
0x5: {  	_ = 	snop  }
0x6: {  	_ = 	snop  }
0x7: {  	_ = 	snop  }
__scs_overlays_trampoline_lowered:
0x8: {  	[smem:$0x3F9D] =	sst s0  }
0x9: {  	[smem:$0x3F9E] =	sst s1  }
0xa: {  	[smem:$0x3F9F] =	sst s2  }
0xb: {  	[smem:$0x3FA0] =	sst s3  }
0xc: {  	[smem:$0x3FA1] =	sst s4  }
0xd: {  	[smem:$0x3FA2] =	sst s5  }
0xe: {  	[smem:$0x3FA3] =	sst s6  }
0xf: {  	[smem:$0x3FA4] =	sst s7  }
0x10: {  	[smem:$0x3FA5] =	sst s8  }
0x11: {  	[smem:$0x3FA6] =	sst s9;
	s0 =	simm.s32 @!p0 $0x0  }
0x12: {  	s1 =	sld [smem:$0x3F8C];
	s0 =	simm.s32 @p0 $0x1  }
0x13: {  	[smem:$0x3FA7] =	sst s0;
	s0 =	simm.s32 @!p1 $0x0  }
0x14: {  	s2 =	sld [smem:$0x3F8B];
	s0 =	simm.s32 @p1 $0x1  }
0x15: {  	[smem:$0x3FA8] =	sst s0;
	s0 =	simm.s32 @!p2 $0x0  }
0x16: {  	s3 =	sld [smem:$0x3FDB];
	s0 =	simm.s32 @p2 $0x1  }
0x17: {  	s4 =	simm.s32 $0x1BF5;
	[smem:$0x3FAA] =	sst s0  }
0x18: {  	s0 =	sld [smem:$0x3F8D];
	_ =	swait.ge [sflag:s4], $0x0  }
0x19: {  	s7 =	sld [smem:$0x3F8E]  }
0x1a: {  	s8 =	sadd.s32 $0xFFFFE003, lr  }
0x1b: {  	s9 =	sadd.s32 $0xFFFFFEF7, lr;
	s5 =	simm.s32 $0xFFFFFFFF;
	p2 =	slt.u32 s8, $0xFFFFF086  }
0x1c: {  	p1 =	slt.u32 s9, $0xF7A;
	s5 =	simm.s32 @!p2 $0x0  }
0x1d: {  	s5 =	simm.s32 @p1 $0x1;
	p0 =	seq.s32 s7, s2  }
0x1e: {  	s7 =	smul.u32 @!p0 $0xF7A, s2;
	p2 =	seq.s32 @!p0 s5, $0x0  }
0x1f: {  	s9 =	smul.u32 $0xF7A, s1;
	s8 =	simm.s32 @!p0 $0x1BF5;
	p2 =	por !p2, p0  }
0x20: {  	[sflag:s8] =	ssyncset.s32 @!p0 $0xFFFFF086;
	s6 =	sadd.s32 @!p0 s3, s7;
	s7 =	simm.s32 @!p0 $0x108  }
0x21: {  	s3 =	sadd.s32 s3, s9;
	s6 =	sadd.s32 @!p0 $0x88, s6;
	s7 =	simm.s32 @p2 $0x1082  }
0x22: {  	[simem:s7], [sflag:s8] =	dma.local @!p0 [hbm:s6], $0xF7A  }
0x23: {  	s9 =	sor.u32 $0xD0000000, s2;
	s6 =	simm.s32 $0x108;
	_ =	swait.ge @!p0 [sflag:s8], $0x0  }
0x24: {  	s3 =	sadd.s32 $0x88, s3;
	s6 =	simm.s32 @!p1 $0x1082;
	[sflag:s4] =	ssyncset.s32 $0xFFFFF086  }
0x25: {  	[simem:s6], [sflag:s4] =	dma.local [hbm:s3], $0xF7A  }
0x26: {  	[smem:$0x3F8E] =	sst s1;
	(tag) =	ssettag s2;
	_ =	strace s9  }
0x27: {  	s1 =	sld [smem:$0x3F9E]  }
0x28: {  	s2 =	sld [smem:$0x3F9F]  }
0x29: {  	s4 =	sld [smem:$0x3FA1]  }
0x2a: {  	p0 =	seq.s32 s5, $0x0;
	s5 =	sld [smem:$0x3FA2]  }
0x2b: {  	s6 =	sld [smem:$0x3FA3]  }
0x2c: {  	s7 =	sld [smem:$0x3FA4]  }
0x2d: {  	s3 =	simm.s32 $0x108;
	s8 =	sld [smem:$0x3FA5]  }
0x2e: {  	s3 =	simm.s32 @!p0 $0x1082;
	s9 =	sld [smem:$0x3FA6]  }
0x2f: {  	lr =	sadd.s32 s0, s3;
	s0 =	sld [smem:$0x3F9D]  }
0x30: {  	s3 =	sld [smem:$0x3FA0]  }
0x31: {  	[smem:$0x3FA9] =	sst s10  }
0x32: {  	s10 =	sld [smem:$0x3FA7];
	_ =	sdelay $0x3  }
0x33: {  	p0 =	seq.s32 s10, $0x1;
	s10 =	sld [smem:$0x3FA9];
	_ =	sdelay $0x3  }
0x34: {  	[smem:$0x3FA9] =	sst s10  }
0x35: {  	s10 =	sld [smem:$0x3FA8];
	_ =	sdelay $0x3  }
0x36: {  	p1 =	seq.s32 s10, $0x1;
	s10 =	sld [smem:$0x3FA9];
	_ =	sdelay $0x3  }
0x37: {  	[smem:$0x3FA9] =	sst s10  }
0x38: {  	s10 =	sld [smem:$0x3FAA]  }
0x39: {  	_ = 	snop;
	(pc) =	sbr.ind lr, $3  }
0x3a: {  	_ = 	snop  }
0x3b: {  	_ = 	snop  }
0x3c: {  	p2 =	seq.s32 s10, $0x1;
	s10 =	sld [smem:$0x3FA9]  }
0x3d: {  	_ =	shalt  }
0x3e: {  	_ =	shalt  }
0x3f: {  	_ =	shalt  }
0x40: {  	_ =	shalt  }
0x41: {  	_ =	shalt  }
0x42: {  	_ =	shalt  }
0x43: {  	_ =	shalt  }
0x44: {  	_ =	shalt  }
0x45: {  	_ =	shalt  }
0x46: {  	_ =	shalt  }
0x47: {  	_ =	shalt  }
0x48: {  	_ =	shalt  }
0x49: {  	_ =	shalt  }
0x4a: {  	_ =	shalt  }
0x4b: {  	_ =	shalt  }
0x4c: {  	_ =	shalt  }
0x4d: {  	_ =	shalt  }
0x4e: {  	_ =	shalt  }
0x4f: {  	_ =	shalt  }
0x50: {  	_ =	shalt  }
0x51: {  	_ =	shalt  }
0x52: {  	_ =	shalt  }
0x53: {  	_ =	shalt  }
0x54: {  	_ =	shalt  }
0x55: {  	_ =	shalt  }
0x56: {  	_ =	shalt  }
0x57: {  	_ =	shalt  }
0x58: {  	_ =	shalt  }
0x59: {  	_ =	shalt  }
0x5a: {  	_ =	shalt  }
0x5b: {  	_ =	shalt  }
0x5c: {  	_ =	shalt  }
0x5d: {  	_ =	shalt  }
0x5e: {  	_ =	shalt  }
0x5f: {  	_ =	shalt  }
0x60: {  	_ =	shalt  }
0x61: {  	_ =	shalt  }
0x62: {  	_ =	shalt  }
0x63: {  	_ =	shalt  }
0x64: {  	_ =	shalt  }
0x65: {  	_ =	shalt  }
0x66: {  	_ =	shalt  }
0x67: {  	_ =	shalt  }
0x68: {  	_ =	shalt  }
0x69: {  	_ =	shalt  }
0x6a: {  	_ =	shalt  }
0x6b: {  	_ =	shalt  }
0x6c: {  	_ =	shalt  }
0x6d: {  	_ =	shalt  }
0x6e: {  	_ =	shalt  }
0x6f: {  	_ =	shalt  }
0x70: {  	_ =	shalt  }
0x71: {  	_ =	shalt  }
0x72: {  	_ =	shalt  }
0x73: {  	_ =	shalt  }
0x74: {  	_ =	shalt  }
0x75: {  	_ =	shalt  }
0x76: {  	_ =	shalt  }
0x77: {  	_ =	shalt  }
0x78: {  	_ =	shalt  }
0x79: {  	_ =	shalt  }
0x7a: {  	_ =	shalt  }
0x7b: {  	_ =	shalt  }
0x7c: {  	_ =	shalt  }
0x7d: {  	_ =	shalt  }
0x7e: {  	_ =	shalt  }
0x7f: {  	_ =	shalt  }
0x80: {  	_ =	shalt  }
0x81: {  	_ =	shalt  }
0x82: {  	_ =	shalt  }
0x83: {  	_ =	shalt  }
0x84: {  	_ =	shalt  }
0x85: {  	_ =	shalt  }
0x86: {  	_ =	shalt  }
0x87: {  	_ =	shalt  }
.Lfunc_end0:
.L_simem_size_0:
called_computation.4_lowered:
.L_overlay_start_0:
0x88: {  	s2 =	sld [smem:$0x3FD9]  }
0x89: {  	s3 =	sld [smem:$0x3FFE];
	_ =	sdelay $0x1  }
0x8a: {  	s1 =	srdreg.scid  }
0x8b: {  	s0 =	sand.u32 $0x1, s1  }
0x8c: {  	s16 =	sshll.u32 s0, $0xA;
	s2 =	sadd.s32 s3, s2  }
0x8d: {  	s2 =	sadd.s32 s2, s16  }
0x8e: {  	[smem:$0x3FB5] =	sst s2  }
0x8f: {  	_ = 	snop  }
0x90: {  	(tm) =	ssettm $0x1  }
0x91: {  	s17 =	sld [smem:$0x3FFB];
	_ =	sdelay $0x3  }
0x92: {  	_ =	strace s17  }
0x93: {  	s2 =	sld [smem:$0x3FFC];
	_ =	sdelay $0x3  }
0x94: {  	_ =	strace s2  }
0x95: {  	s2 =	sld [smem:$0x3FFD];
	_ =	sdelay $0x3  }
0x96: {  	_ =	strace s2  }
0x97: {  	_ =	strace $0x8FFFFFFF  }
0x98: {  	s18 =	sld [smem:$0x3FDB];
	_ =	sdelay $0x1  }
0x99: {  	s19 =	simm.s32 $_scs_section_size  }
0x9a: {  	s4 =	simm.s32 $_size__tile_overlayer_lowered;
	s5 =	simm.s32 $_tile_overlayer_lowered  }
0x9b: {  	s22 =	simm.s32 $0x1BFF;
	s21 =	sshll.u32 s5, $0x1;
	s2 =	sadd.s32 s19, s18  }
0x9c: {  	s6 =	simm.s32 $0x0;
	s20 =	sshll.u32 s4, $0x1;
	s4 =	sadd.s32 s21, s2  }
0x9d: {  	[timem:s6], [sflag:s22] =	dma.local [hbm:s4], s20  }
0x9e: {  	_ =	swait.ge [sflag:s22], s20  }
0x9f: {  	s3 =	ssub.s32 $0x0, s20;
	[sflag:s22] =	ssyncset.done $0x0  }
0xa0: {  	[sflag:s22] =	ssyncadd.s32 s3;
	_ =	sdelay $0x1  }
0xa1: {  	s23 =	simm.s32 $0x1B8B  }
0xa2: {  	_ =	swait.ge [sflag:s23], $0x1  }
0xa3: {  	[sflag:s23] =	ssyncset.done $0x0  }
0xa4: {  	s25 =	simm.s32 $0x1B8E;
	s24 =	sld [smem:$0x3FFE];
	[sflag:s23] =	ssyncadd.s32 $0xFFFFFFFF  }
0xa5: {  	s26 =	simm.s32 $execute0_lowered;
	[smem:$0x3FD2] =	sst s25  }
0xa6: {  	s4 =	sshll.u32 s26, $0x1;
	_ =	strace $0x80000052;
	[dreg:$0x1] =	wrdreg $0xFFFFFFFF  }
0xa7: {  	s28 =	simm.s32 $_size_execute0_lowered;
	s2 =	sadd.s32 s2, s4;
	[dreg:$0x0] =	wrdreg $0x0  }
0xa8: {  	s4 =	sshll.u32 s28, $0x1;
	[dreg:$0x2] =	wrdreg s2  }
0xa9: {  	[dreg:$0x3] =	wrdreg s4  }
0xaa: {  	[dreg:$0x4] =	wrdreg $0xC0  }
0xab: {  	_ =	task [dreg:s6], $0x5FFFF  }
0xac: {  	[dreg:$0x1] =	wrdreg $0xFFFFFFFF  }
0xad: {  	[dreg:$0x0] =	wrdreg $0x60  }
0xae: {  	[dreg:$0x2] =	wrdreg s24  }
0xaf: {  	[dreg:$0x3] =	wrdreg $0x94800  }
0xb0: {  	[dreg:$0x4] =	wrdreg $0xA5000  }
0xb1: {  	[dreg:$0x5] =	wrdreg $0x9  }
0xb2: {  	_ =	task.clear_ibuf [dreg:s6], $0x6FFFF;
	_ =	strace $0x90000052  }
0xb3: {  	s29 =	simm.s32 $0x9;
	_ =	strace $0x80000054  }
0xb4: {  	_ =	swait.ge [sflag:s29], $0x1  }
0xb5: {  	[sflag:s29] =	ssyncadd.s32 $0xFFFFFFFF  }
0xb6: {  	_ =	strace $0x90000054  }
0xb7: {  	_ =	sfence  }
0xb8: {  	s30 =	sld [smem:$0x0];
	_ =	sdelay $0x2  }
0xb9: {  	s31 =	sshll.u32 s1, $0xD;
	s1 =	sshrl.u32 s1, $0x2  }
0xba: {  	s3 =	sand.u32 $0x4000, s31;
	s1 =	sadd.s32 s1, s30  }
0xbb: {  	s0 =	sor.u32 s3, s0;
	s1 =	sshll.u32 s1, $0x11  }
0xbc: {  	s0 =	sor.u32 s1, s0  }
0xbd: {  	s0 =	sadd.s32 $0x8F2B, s0  }
0xbe: {  	[sflag:s0] =	ssyncadd.remote.s32 $0x1  }
0xbf: {  	_ =	sfence.sel $0xFFFF  }
0xc0: {  	[dreg:$0x0] =	wrdreg $0xFFFFFFFF;
	(pc) =	sbr.abs _section_cstart, $3  }
0xc1: {  	[dreg:$0x1] =	wrdreg $0xFFFFFFFF  }
0xc2: {  	_ =	task.clear_ibuf [dreg:s6], $0x2FFFF;
	_ =	strace $0x9FFFFFFF  }
0xc3: {  	(tm) =	ssettm $0x7FFFFFFF  }
tec
execute0_lowered:
.L_overlay_start_1:
0x0: {  	(tag) =	ssettag $0x1  }
0x1: {  	s5 =	rddreg [dreg:$0x0]  }
0x2: {  	s1 =	rddreg [dreg:$0x1]  }
0x3: {  	s3 =	rddreg [dreg:$0x2]  }
0x4: {  	s0 =	rddreg [dreg:$0x3]  }
0x5: {  	s6 =	srdreg.scid;
	s4 =	simm.s32 $0x0;
	s2 =	stileid.u32  }
0x6: {  	s16 =	sand.u32 $0x1, s6;
	[smem:$0x7FF] =	sst s4;
	s15 =	sshll.u32 s2, $0xC  }
0x7: {  	s11 =	sadd.s32 $0x5E00, s5;
	s12 =	sadd.s32 $0x91E00, s5;
	s22 =	smul.u32 $0x1080, s2  }
0x8: {  	s8 =	sshll.u32 s2, $0x7;
	s6 =	sshll.u32 s16, $0x10;
	_ =	strace $0x80000053  }
0x9: {  	s20 =	ssub.s32 $0x2, s16;
	s21 =	sshll.u32 s16, $0x4;
	s10 =	sand.u32 $0x380, s8  }
0xa: {  	p0 =	sne.s32 s16, $0x0;
	s16 =	simm.s32 $0x8080;
	s6 =	sor.u32 s15, s6  }
0xb: {  	s7 =	sshrl.u32 s20, $0x1;
	s9 =	sor.u32 s2, s21;
	s21 =	sadd.s32 s15, s1  }
0xc: {  	s6 =	sshrl.u32 s6, $0x3;
	s17 =	ssub.s32 s20, s7;
	s23 =	sshll.u32 s9, $0x7  }
0xd: {  	s24 =	sshll.u32 s9, $0xB;
	s26 =	sor.u32 $0x20, s9;
	s19 =	sor.u32 $0x40, s9  }
0xe: {  	s20 =	simm.s32 $0x4080;
	s21 =	sshrl.u32 s21, $0x3;
	s14 =	sadd.s32 s6, s5  }
0xf: {  	s5 =	sadd.s32 s22, s1;
	s7 =	sand.u32 $0xC00, s23;
	s6 =	sadd.s32 s22, s3  }
0x10: {  	s18 =	sshll.u32 s26, $0x7;
	s28 =	sshll.u32 s26, $0xB;
	s30 =	sshll.u32 s19, $0x7  }
0x11: {  	s19 =	sshll.u32 s19, $0xB;
	s22 =	sadd.s32 s15, s3;
	s15 =	smax.u32 s17, $0x1  }
0x12: {  	s17 =	simm.s32 $0x1;
	s23 =	simm.s32 $0x0;
	s13 =	sor.u32 s10, s7  }
0x13: {  	s7 =	sadd.s32 s11, s24;
	s29 =	sand.u32 $0x1C00, s18;
	s9 =	sadd.s32 s11, s28  }
0x14: {  	s18 =	sand.u32 $0x2400, s30;
	s11 =	sadd.s32 s11, s19;
	s19 =	simm.s32 $0x80  }
0x15: {  	s22 =	sshrl.u32 s22, $0x3;
	s25 =	sshrl.u32 s13, $0x3;
	s13 =	sor.u32 s10, s29  }
0x16: {  	s18 =	sor.u32 s10, s18;
	s8 =	sadd.s32 s12, s25;
	s13 =	sshrl.u32 s13, $0x3  }
0x17: {  	s31 =	sshrl.u32 s18, $0x3;
	s18 =	simm.s32 $0x4000;
	s10 =	sadd.s32 s12, s13  }
0x18: {  	v0 =	vimm.f32 $1.000000000e+00;
	v1 =	vimm.f32 $0.0e+00;
	s12 =	sadd.s32 s12, s31;
	s13 =	sadd.s32 $0x31E00, s14;
	s14 =	sadd.s32 $0x2DE00, s14  }
.LBB2_1:
0x19: {  	s24 =	simm.s32 $0x0;
	s25 =	simm.s32 $0x200  }
.LBB2_2:
0x1a: {  	p1 =	sne.s32 s25, $0xFE00;
	[tilespmem:s24+$0x40F0] =	vst v0  }
0x1b: {  	[tilespmem:s24+$0x4080] =	vst v0  }
0x1c: {  	[tilespmem:s24+$0x4090] =	vst v0  }
.Ltmp0:
0x1d: {  	[tilespmem:s24+$0x40A0] =	vst v0;
	(pc) =	sbr.rel @p1 .LBB2_2-.Ltmp0, $4  }
0x1e: {  	[tilespmem:s24+$0x40B0] =	vst v0  }
0x1f: {  	[tilespmem:s24+$0x40C0] =	vst v0  }
0x20: {  	[tilespmem:s24+$0x40D0] =	vst v0  }
0x21: {  	[tilespmem:s24+$0x40E0] =	vst v0;
	s24 =	sshra.s32 s25, $0x2;
	s25 =	sadd.s32 $0x200, s25  }
0x22: {  	[tilespmem:s24+$0x40F0] =	vst v0  }
0x23: {  	[tilespmem:s24+$0x4080] =	vst v0  }
0x24: {  	[tilespmem:s24+$0x4090] =	vst v0  }
0x25: {  	[tilespmem:s24+$0x40A0] =	vst v0  }
0x26: {  	[tilespmem:s24+$0x40B0] =	vst v0  }
0x27: {  	[tilespmem:s24+$0x40C0] =	vst v0  }
0x28: {  	[tilespmem:s24+$0x40D0] =	vst v0  }
0x29: {  	[tilespmem:s24+$0x40E0] =	vst v0;
	s24 =	simm.s32 $0x0;
	s25 =	simm.s32 $0x200  }
.LBB2_4:
0x2a: {  	p1 =	sne.s32 s25, $0x4000;
	[tilespmem:s24+$0x80F0] =	vst v1  }
0x2b: {  	[tilespmem:s24+$0x8080] =	vst v1  }
0x2c: {  	[tilespmem:s24+$0x8090] =	vst v1  }
.Ltmp1:
0x2d: {  	[tilespmem:s24+$0x80A0] =	vst v1;
	(pc) =	sbr.rel @p1 .LBB2_4-.Ltmp1, $4  }
0x2e: {  	[tilespmem:s24+$0x80B0] =	vst v1  }
0x2f: {  	[tilespmem:s24+$0x80C0] =	vst v1  }
0x30: {  	[tilespmem:s24+$0x80D0] =	vst v1  }
0x31: {  	[tilespmem:s24+$0x80E0] =	vst v1;
	s24 =	sshra.s32 s25, $0x2;
	s25 =	sadd.s32 $0x200, s25  }
0x32: {  	[tilespmem:s24+$0x80F0] =	vst v1  }
0x33: {  	[tilespmem:s24+$0x8080] =	vst v1  }
0x34: {  	[tilespmem:s24+$0x8090] =	vst v1  }
0x35: {  	[tilespmem:s24+$0x80A0] =	vst v1  }
0x36: {  	[tilespmem:s24+$0x80B0] =	vst v1  }
0x37: {  	[tilespmem:s24+$0x80C0] =	vst v1  }
0x38: {  	[tilespmem:s24+$0x80D0] =	vst v1  }
0x39: {  	[tilespmem:s24+$0x80E0] =	vst v1  }
0x3a: {  	[spmem:s5] =	stream.linear.scatter [tilespmem:s16], [sflag:$0x1], $0x1080, $0x38;
	[tilespmem:$0xB580] =	vst v63  }
0x3b: {  	_ =	swait.ge [sflag:s17], $0x1080  }
0x3c: {  	[sflag:s17] =	ssyncset.done $0x0  }
0x3d: {  	[sflag:s17] =	ssyncadd.s32 $0xFFFFEF80  }
0x3e: {  	[spmem:s6] =	stream.linear.scatter [tilespmem:s16], [sflag:$0x1], $0x1080, $0x38;
	[tilespmem:$0xB580] =	vst v63  }
0x3f: {  	_ =	swait.ge [sflag:s17], $0x1080  }
0x40: {  	[sflag:s17] =	ssyncset.done $0x0  }
0x41: {  	[sflag:s17] =	ssyncadd.s32 $0xFFFFEF80  }
0x42: {  	[bflag:$0x0] =	sbarrier.arrive $0xFFFF  }
0x43: {  	[tilespmem:s4], [sflag:$0x1] =	stream.linear.gather [hbm4b:s7+s4], $0x4000, $0x38;
	[tilespmem:$0xB580] =	vst v63  }
0x44: {  	_ =	swait.ge [sflag:s17], $0x4000  }
0x45: {  	[sflag:s17] =	ssyncset.done $0x0  }
0x46: {  	[sflag:s17] =	ssyncadd.s32 $0xFFFFC000  }
0x47: {  	[tilespmem:s18], [sflag:$0x1] =	stream.linear.gather [hbm4b:s8+s4], $0x80, $0x38;
	[tilespmem:$0xB580] =	vst v63  }
0x48: {  	_ =	swait.ge [sflag:s17], $0x80  }
0x49: {  	[sflag:s17] =	ssyncset.done $0x0  }
0x4a: {  	[sflag:s17] =	ssyncadd.s32 $0xFFFFFF80  }
0x4b: {  	[spmem:s1] =	stream.indirect.scatter.add.f32 [tilespmem:s4], [sflag:$0x1], $0x80, s18, s19, $0xb8;
	[tilespmem:$0xB580] =	vst v63  }
0x4c: {  	_ =	swait.ge [sflag:s17], $0x4000  }
0x4d: {  	[sflag:s17] =	ssyncset.done $0x0  }
0x4e: {  	[sflag:s17] =	ssyncadd.s32 $0xFFFFC000  }
0x4f: {  	[spmem:s3] =	stream.indirect.scatter.add.f32 [tilespmem:s20], [sflag:$0x1], $0x80, s18, s19, $0xb8;
	[tilespmem:$0xB580] =	vst v63  }
0x50: {  	_ =	swait.ge [sflag:s17], $0x4000  }
0x51: {  	[sflag:s17] =	ssyncset.done $0x0  }
0x52: {  	[sflag:s17] =	ssyncadd.s32 $0xFFFFC000  }
0x53: {  	[tilespmem:s4], [sflag:$0x1] =	stream.linear.gather [hbm4b:s9+s4], $0x4000, $0x38;
	[tilespmem:$0xB580] =	vst v63  }
0x54: {  	_ =	swait.ge [sflag:s17], $0x4000  }
0x55: {  	[sflag:s17] =	ssyncset.done $0x0  }
0x56: {  	[sflag:s17] =	ssyncadd.s32 $0xFFFFC000  }
0x57: {  	[tilespmem:s18], [sflag:$0x1] =	stream.linear.gather [hbm4b:s10+s4], $0x80, $0x38;
	[tilespmem:$0xB580] =	vst v63  }
0x58: {  	_ =	swait.ge [sflag:s17], $0x80  }
0x59: {  	[sflag:s17] =	ssyncset.done $0x0  }
0x5a: {  	[sflag:s17] =	ssyncadd.s32 $0xFFFFFF80  }
0x5b: {  	[spmem:s1] =	stream.indirect.scatter.add.f32 [tilespmem:s4], [sflag:$0x1], $0x80, s18, s19, $0xb8;
	[tilespmem:$0xB580] =	vst v63  }
0x5c: {  	_ =	swait.ge [sflag:s17], $0x4000  }
0x5d: {  	[sflag:s17] =	ssyncset.done $0x0  }
0x5e: {  	[sflag:s17] =	ssyncadd.s32 $0xFFFFC000  }
0x5f: {  	[spmem:s3] =	stream.indirect.scatter.add.f32 [tilespmem:s20], [sflag:$0x1], $0x80, s18, s19, $0xb8;
	[tilespmem:$0xB580] =	vst v63  }
0x60: {  	_ =	swait.ge [sflag:s17], $0x4000  }
0x61: {  	[sflag:s17] =	ssyncset.done $0x0  }
0x62: {  	s24 =	simm.s32 @!p0 $0x0;
	s25 =	simm.s32 @!p0 $0x1;
	[sflag:s17] =	ssyncadd.s32 $0xFFFFC000  }
0x63: {  	[tilespmem:s24], [sflag:$0x1] =	stream.linear.gather @!p0 [hbm4b:s11+s24], $0x4000, $0x38;
	[tilespmem:$0xB580] =	vst v63  }
0x64: {  	_ =	swait.ge @!p0 [sflag:s25], $0x4000  }
0x65: {  	[sflag:s25] =	ssyncset.done @!p0 $0x0  }
0x66: {  	s26 =	simm.s32 @!p0 $0x4000;
	[sflag:s25] =	ssyncadd.s32 @!p0 $0xFFFFC000  }
0x67: {  	[tilespmem:s26], [sflag:$0x1] =	stream.linear.gather @!p0 [hbm4b:s12+s24], $0x80, $0x38;
	[tilespmem:$0xB580] =	vst v63  }
0x68: {  	_ =	swait.ge @!p0 [sflag:s25], $0x80  }
0x69: {  	[sflag:s25] =	ssyncset.done @!p0 $0x0  }
0x6a: {  	s28 =	simm.s32 @!p0 $0x80;
	[sflag:s25] =	ssyncadd.s32 @!p0 $0xFFFFFF80  }
0x6b: {  	[spmem:s1] =	stream.indirect.scatter.add.f32 @!p0 [tilespmem:s24], [sflag:$0x1], $0x80, s26, s28, $0xb8;
	[tilespmem:$0xB580] =	vst v63  }
0x6c: {  	_ =	swait.ge @!p0 [sflag:s25], $0x4000  }
0x6d: {  	[sflag:s25] =	ssyncset.done @!p0 $0x0  }
0x6e: {  	s24 =	simm.s32 @!p0 $0x4080;
	[sflag:s25] =	ssyncadd.s32 @!p0 $0xFFFFC000  }
0x6f: {  	[spmem:s3] =	stream.indirect.scatter.add.f32 @!p0 [tilespmem:s24], [sflag:$0x1], $0x80, s26, s28, $0xb8;
	[tilespmem:$0xB580] =	vst v63  }
0x70: {  	_ =	swait.ge @!p0 [sflag:s25], $0x4000  }
0x71: {  	[sflag:s25] =	ssyncset.done @!p0 $0x0  }
0x72: {  	s31 =	sshll.u32 s2, $0x6;
	[sflag:s25] =	ssyncadd.s32 @!p0 $0xFFFFC000  }
0x73: {  	s24 =	sor.u32 $0x1C01, s31;
	[bflag:$0x0] =	sbarrier.arrive $0xFFFF  }
0x74: {  	[hbm:s13], [sflag:s24] =	dma.local [spmem:s21], $0x200  }
0x75: {  	s23 =	sadd.s32 $0x1, s23;
	_ =	swait.ge [sflag:s17], $0x200  }
0x76: {  	p1 =	sne.s32 s23, s15;
	[sflag:s17] =	ssyncset.done $0x0  }
.Ltmp2:
0x77: {  	[sflag:s17] =	ssyncadd.s32 $0xFFFFFE00;
	(pc) =	sbr.rel @p1 .LBB2_1-.Ltmp2, $4  }
0x78: {  	[hbm:s14], [sflag:s24] =	dma.local [spmem:s22], $0x200  }
0x79: {  	_ =	swait.ge [sflag:s17], $0x200  }
0x7a: {  	[sflag:s17] =	ssyncset.done $0x0  }
0x7b: {  	[sflag:s17] =	ssyncadd.s32 $0xFFFFFE00  }
0x7c: {  	_ =	sfence.sel $0x180000  }
0x7d: {  	[bflag:$0x0] =	sbarrier.arrive $0xFFFF  }
0x7e: {  	p0 =	sne.s32 s2, $0x0;
	_ =	strace $0x90000053  }
0x7f: {  	s0 =	sadd.s32 @!p0 $0x100000, s0;
	[bflag:$0x2] =	sbarrier.arrive $0xFFFF  }
0x80: {  	[sflag:s0] =	ssyncadd.tile.s32 @!p0 $0x1;
	_ =	shalt  }
.Lfunc_end2:
_tile_overlayer_lowered:
.L_overlay_start_2:
0x81: {  	(tag) =	ssettag $0x2  }
0x82: {  	s0 =	rddreg [dreg:$0x0];
	s2 =	stileid.u32  }
0x83: {  	s1 =	rddreg [dreg:$0x1];
	p0 =	sne.s32 s2, $0x0  }
0x84: {  	s3 =	rddreg [dreg:$0x2];
	[bflag:$0x3] =	sbarrier.arrive $0xFFFF;
	s2 =	simm.s32 @!p0 $0x1C01  }
0x85: {  	[timem:s3], [sflag:s2] =	dma.local @!p0 [hbm:s0], s1  }
0x86: {  	s0 =	simm.s32 @!p0 $0x1  }
0x87: {  	_ =	swait.ge @!p0 [sflag:s0], s1  }
0x88: {  	s1 =	ssub.s32 @!p0 $0x0, s1;
	[sflag:s0] =	ssyncset.done @!p0 $0x0  }
0x89: {  	[sflag:s0] =	ssyncadd.s32 @!p0 s1  }
0x8a: {  	[bflag:$0x3] =	sbarrier.arrive $0xFFFF  }
0x8b: {  	_ =	shalt  }

</sc_bundles>
